<compile_context>
chip_gen: v7x
topology: tpu7x:2x2x1
jax: 0.10.2.dev20260603
libtpu: 0.0.44.dev20260713+nightly
codegen_flags: <defaults>
</compile_context>

<pallas_src>
import functools

import jax
import jax.numpy as jnp
from jax import lax
from jax.experimental import pallas as pl
from jax.experimental.pallas import tpu as pltpu
from jax.experimental.pallas import tpu_sc as plsc

NUM_FIELDS = 26
VOCAB = 100000
EMBED_DIM = 32
BATCH = 4096

_INFO = plsc.get_sparse_core_info()
_NC = _INFO.num_cores
_NS = _INFO.num_subcores
_FPC = NUM_FIELDS // _NC
_NSLAB = _FPC * 8
_W = 1664
_LASTS = 60
_TCUT = 99968
_ROWS = NUM_FIELDS * EMBED_DIM
_HD = EMBED_DIM // 2
_MAXM = BATCH + 128
_SENT = (BATCH << 12)


def _make_sc():
    mesh = plsc.VectorSubcoreMesh(core_axis_name="c", subcore_axis_name="s")

    @functools.partial(
        pl.kernel,
        mesh=mesh,
        out_type=jax.ShapeDtypeStruct((_ROWS, BATCH), jnp.float32),
        scratch_types=[
            pltpu.VMEM((2, _HD, _W), jnp.float32),
            pltpu.VMEM((BATCH,), jnp.int32),
            pltpu.VMEM((_MAXM,), jnp.int32),
            pltpu.VMEM((_MAXM,), jnp.int32),
            pltpu.SMEM((8,), jnp.int32),
            pltpu.VMEM((2, 64), jnp.int32),
            pltpu.VMEM((2, 64, 128), jnp.float32),
            pltpu.VMEM((64, 128), jnp.float32),
            pltpu.VMEM((_HD, 256), jnp.float32),
            pltpu.VMEM((4, 64), jnp.int32),
            pltpu.VMEM_SHARED((BATCH + 136, 128), jnp.float32),
            pltpu.SemaphoreType.DMA,
            pltpu.SemaphoreType.DMA,
            pltpu.SemaphoreType.DMA,
            pltpu.SemaphoreType.DMA,
        ],
        compiler_params=pltpu.CompilerParams(needs_layout_passes=False),
    )
    def k(idx1, tab2, tailp, out2, sbuf, fidx, mp, mlist, mcnt_r, mbc, stg,
          tvm, ost, ibuf, spmo, ssem0, ssem1, gsem, scsem):
        c = lax.axis_index("c")
        t = lax.axis_index("s")
        lane = lax.iota(jnp.int32, 16)

        def fire(slab):
            fi = lax.shift_right_logical(slab, 3)
            dh = lax.bitwise_and(lax.shift_right_logical(slab, 2), 1)
            vq = lax.bitwise_and(slab, 3)
            row0 = pl.multiple_of((c * _FPC + fi) * EMBED_DIM + dh * _HD, 8)
            stripe = vq * _NS + t
            buf = lax.bitwise_and(slab, 1)
            col0 = pl.multiple_of(stripe * _W, 128)

            @pl.when((stripe < _LASTS) & (buf == 0))
            def _():
                pltpu.async_copy(
                    tab2.at[pl.ds(row0, _HD), pl.ds(col0, _W)],
                    sbuf.at[0], ssem0)

            @pl.when((stripe < _LASTS) & (buf == 1))
            def _():
                pltpu.async_copy(
                    tab2.at[pl.ds(row0, _HD), pl.ds(col0, _W)],
                    sbuf.at[1], ssem1)

            @pl.when((stripe == _LASTS) & (buf == 0))
            def _():
                pltpu.async_copy(
                    tab2.at[pl.ds(row0, _HD), pl.ds(_LASTS * _W, 128)],
                    sbuf.at[0, :, pl.ds(0, 128)], ssem0)
                pltpu.async_copy(
                    tailp.at[pl.ds(row0, _HD), :],
                    sbuf.at[0, :, pl.ds(128, 128)], ssem0)

            @pl.when((stripe == _LASTS) & (buf == 1))
            def _():
                pltpu.async_copy(
                    tab2.at[pl.ds(row0, _HD), pl.ds(_LASTS * _W, 128)],
                    sbuf.at[1, :, pl.ds(0, 128)], ssem1)
                pltpu.async_copy(
                    tailp.at[pl.ds(row0, _HD), :],
                    sbuf.at[1, :, pl.ds(128, 128)], ssem1)

        def drain(slab):
            vq = lax.bitwise_and(slab, 3)
            stripe = vq * _NS + t
            buf = lax.bitwise_and(slab, 1)

            @pl.when((stripe < _LASTS) & (buf == 0))
            def _():
                pltpu.make_async_copy(
                    tab2.at[pl.ds(0, _HD), pl.ds(0, _W)],
                    sbuf.at[0], ssem0).wait()

            @pl.when((stripe < _LASTS) & (buf == 1))
            def _():
                pltpu.make_async_copy(
                    tab2.at[pl.ds(0, _HD), pl.ds(0, _W)],
                    sbuf.at[1], ssem1).wait()

            @pl.when((stripe == _LASTS) & (buf == 0))
            def _():
                pltpu.make_async_copy(
                    tab2.at[pl.ds(0, _HD), pl.ds(0, 128)],
                    sbuf.at[0, :, pl.ds(0, 128)], ssem0).wait()
                pltpu.make_async_copy(
                    tailp.at[pl.ds(0, _HD), :],
                    sbuf.at[0, :, pl.ds(128, 128)], ssem0).wait()

            @pl.when((stripe == _LASTS) & (buf == 1))
            def _():
                pltpu.make_async_copy(
                    tab2.at[pl.ds(0, _HD), pl.ds(0, 128)],
                    sbuf.at[1, :, pl.ds(0, 128)], ssem1).wait()
                pltpu.make_async_copy(
                    tailp.at[pl.ds(0, _HD), :],
                    sbuf.at[1, :, pl.ds(128, 128)], ssem1).wait()

        def mkib(g, _):
            ibuf[lax.shift_right_logical(g, 2),
                 pl.ds(lax.bitwise_and(g, 3) * 16, 16)] = (
                t * 256 + g * 16 + lane)
            return 0

        lax.fori_loop(0, 16, mkib, 0)

        fire(jnp.int32(0))

        def slab_body(s, _):
            fi = lax.shift_right_logical(s, 3)
            dh = lax.bitwise_and(lax.shift_right_logical(s, 2), 1)
            vq = lax.bitwise_and(s, 3)
            f = c * _FPC + fi
            buf = lax.bitwise_and(s, 1)

            @pl.when(s < _NSLAB - 1)
            def _():
                fire(s + 1)

            @pl.when(lax.bitwise_and(s, 7) == 0)
            def _():
                pltpu.sync_copy(idx1.at[pl.ds(f * BATCH, BATCH)], fidx)

                def ffilt(g, mc):
                    vv = fidx[pl.ds(g * 16, 16)]
                    bb = lane + g * 16
                    q = vv // _W
                    mine = lax.bitwise_and(q, 15) == t
                    pk = lax.shift_left(bb, 17) + vv
                    plsc.store_compressed(mlist.at[pl.ds(mc, 16)], pk,
                                          mask=mine)
                    npop = plsc.all_reduce_population_count(mine)
                    return mc + npop[0]

                mcnt_r[0] = lax.fori_loop(0, BATCH // 16, ffilt,
                                          jnp.int32(0))

            stripe = vq * _NS + t
            lo = stripe * _W
            mcnt = mcnt_r[0]

            def filt(g, cnt):
                pk = mlist[pl.ds(g * 16, 16)]
                vv = lax.bitwise_and(pk, 0x1FFFF)
                bb = lax.shift_right_logical(pk, 17)
                pos = lane + g * 16
                q = vv // _W
                m = (lax.shift_right_logical(q, 4) == vq) & (pos < mcnt)
                packed = lax.shift_left(bb, 12) + (vv - lo)
                plsc.store_compressed(mp.at[pl.ds(cnt, 16)], packed, mask=m)
                npop = plsc.all_reduce_population_count(m)
                return cnt + npop[0]

            ng = lax.shift_right_logical(mcnt + 15, 4)
            cnt = lax.fori_loop(0, ng, filt, jnp.int32(0))
            for j in range(4):
                pos = cnt + j * 16 + lane
                junk = BATCH + lax.bitwise_and(pos, 63)
                mp[pl.ds(cnt + j * 16, 16)] = lax.shift_left(junk, 12)

            drain(s)

            nc = lax.shift_right_logical(cnt + 63, 6)

            def chunk(kk, _):
                base = kk * 64
                pb = lax.bitwise_and(kk, 1)

                @pl.when(kk > 1)
                def _():
                    pltpu.make_async_copy(
                        tab2.at[pl.ds(0, 64), pl.ds(0, 128)],
                        stg.at[0], scsem).wait()

                def prep(g, _2):
                    mpg = mp[pl.ds(base + g * 16, 16)]
                    mbc[pb, pl.ds(g * 16, 16)] = lax.shift_right_logical(
                        mpg, 12)
                    return 0

                lax.fori_loop(0, 4, prep, 0)

                def grp(g, _2):
                    mpg = mp[pl.ds(base + g * 16, 16)]
                    cols = lax.min(lax.bitwise_and(mpg, 4095),
                                   jnp.int32(_W - 1))
                    for j in range(16):
                        cj = jnp.full((16,), cols[j], jnp.int32)
                        stg[pb, g * 16 + j, pl.ds(0, 16)] = plsc.load_gather(
                            sbuf.at[buf], [lane, cj])
                    return 0

                lax.fori_loop(0, 4, grp, 0)
                pltpu.async_copy(stg.at[pb], spmo.at[mbc.at[pb]], scsem)
                return 0

            lax.fori_loop(0, nc, chunk, 0)

            def cdrain(kk, _):
                pltpu.make_async_copy(
                    tab2.at[pl.ds(0, 64), pl.ds(0, 128)],
                    stg.at[0], scsem).wait()
                return 0

            lax.fori_loop(0, lax.min(nc, jnp.int32(2)), cdrain, 0)

            @pl.when(vq == 3)
            def _():
                plsc.subcore_barrier()
                for hb in range(4):
                    pltpu.async_copy(
                        spmo.at[ibuf.at[hb]], tvm, gsem).wait()

                    def tr(d, _2, hb=hb):
                        def g16(g, _3):
                            dd = jnp.full((16,), d, jnp.int32)
                            ost[d, pl.ds(hb * 64 + g * 16, 16)] = (
                                plsc.load_gather(
                                    tvm, [lane + g * 16, dd]))
                            return 0

                        lax.fori_loop(0, 4, g16, 0)
                        return 0

                    lax.fori_loop(0, _HD, tr, 0)
                row0 = pl.multiple_of(f * EMBED_DIM + dh * _HD, 8)
                bcol = pl.multiple_of(256 * t, 128)
                pltpu.sync_copy(ost, out2.at[pl.ds(row0, _HD),
                                             pl.ds(bcol, 256)])
                plsc.subcore_barrier()

            return 0

        lax.fori_loop(0, _NSLAB, slab_body, 0)

    return k


_sc = _make_sc()


@jax.jit
def kernel(indices, tables):
    idx1 = indices.astype(jnp.int32).T.reshape(NUM_FIELDS * BATCH)
    tab2 = tables.transpose(0, 2, 1).reshape(_ROWS, VOCAB)
    tailp = jnp.pad(tab2[:, _TCUT:], ((0, 0), (0, 128 - (VOCAB - _TCUT))))
    out2 = _sc(idx1, tab2, tailp)
    return out2.reshape(NUM_FIELDS, EMBED_DIM, BATCH).transpose(2, 0, 1)

# --- scband reference (transcript-rebuilt; emitter-appended) ---
"""Pipeline reference for scband-embedding-layer-80814104642396 (READ-ONLY COPY).

The authoritative reference and input builder live on the scoring server;
editing this copy changes nothing except your own understanding.
"""

import jax, jax.numpy as jnp
import numpy as np

NUM_FIELDS = 26
VOCAB = 100000
EMBED_DIM = 32
BATCH = 4096


def setup_inputs(seed: int = 0) -> dict:
    key = jax.random.key(seed)
    k_idx, k_tab = jax.random.split(key)
    # forward inputs: one categorical index per sparse field
    indices = jax.random.randint(k_idx, (BATCH, NUM_FIELDS), 0, VOCAB, dtype=jnp.int64 if jax.config.read('jax_enable_x64') else jnp.int32)
    # learned parameters: one embedding table per field, stacked [F, vocab, d]
    tables = jax.random.normal(k_tab, (NUM_FIELDS, VOCAB, EMBED_DIM), dtype=jnp.float32) * 0.01
    return {"indices": indices, "tables": tables}


def reference(indices, tables):
    # Faithful translation of EmbeddingLayer.forward: each sparse feature has its
    # own nn.Embedding table; the output dict {feat: [B, d]} is represented as a
    # stacked array [B, F, d] with field f at out[:, f, :].
    # Per-field gather: out[b, f, :] = tables[f, indices[b, f], :]
    def one_field(table, idx_col):
        return jnp.take(table, idx_col, axis=0)  # [B, d]
    out = jax.vmap(one_field, in_axes=(0, 1), out_axes=1)(tables, indices)  # [B, F, d]
    return out

if __name__ == "__main__":
    import jax
    _d = setup_inputs()
    print(jax.jit(kernel)(*tuple(_d.values())))

</pallas_src>

<mosaic_0001>
#map = affine_map<(d0, d1) -> (0)>
#map1 = affine_map<(d0, d1) -> (0, 0)>
module attributes {stable_mosaic.version = 14 : i64} {
  func.func @k(%arg0: i32, %arg1: i32, %arg2: memref<106496xi32, #tpu.memory_space<hbm>>, %arg3: memref<832x100000xf32, #tpu.memory_space<hbm>>, %arg4: memref<832x128xf32, #tpu.memory_space<hbm>>, %arg5: memref<832x4096xf32, #tpu.memory_space<hbm>>, %arg6: memref<2x16x1664xf32, #tpu.memory_space<vmem>>, %arg7: memref<4096xi32, #tpu.memory_space<vmem>>, %arg8: memref<4224xi32, #tpu.memory_space<vmem>>, %arg9: memref<4224xi32, #tpu.memory_space<vmem>>, %arg10: memref<8xi32, #tpu.memory_space<smem>>, %arg11: memref<2x64xi32, #tpu.memory_space<vmem>>, %arg12: memref<2x64x128xf32, #tpu.memory_space<vmem>>, %arg13: memref<64x128xf32, #tpu.memory_space<vmem>>, %arg14: memref<16x256xf32, #tpu.memory_space<vmem>>, %arg15: memref<4x64xi32, #tpu.memory_space<vmem>>, %arg16: memref<4232x128xf32, #tpu.memory_space<vmem_shared>>, %arg17: memref<!tpu.dma_semaphore, #tpu.memory_space<semaphore_mem>>, %arg18: memref<!tpu.dma_semaphore, #tpu.memory_space<semaphore_mem>>, %arg19: memref<!tpu.dma_semaphore, #tpu.memory_space<semaphore_mem>>, %arg20: memref<!tpu.dma_semaphore, #tpu.memory_space<semaphore_mem>>) attributes {dimension_semantics = [#tpu.dimension_semantics<core_parallel>, #tpu.dimension_semantics<subcore_parallel>], iteration_bounds = array<i64: 2, 16>, scalar_prefetch = 0 : i64, scratch_operands = 15 : i64, tpu.core_type = #tpu.core_type<sc_vector_subcore>, window_params = [{transform_indices = #map}, {transform_indices = #map1}, {transform_indices = #map1}, {transform_indices = #map1}]} {
    %iota3A = tpu.iota {dimensions = array<i32: 0>} : vector<16xi32>
    %scan3A = arith.constant 0 : i32
    %scan3A_0 = arith.constant 0 : i32
    %scan3A_1 = arith.constant 16 : i32
    %scan3A_2 = arith.addi %scan3A_0, %scan3A_1 : i32
    %scan3A_3 = arith.constant 1 : i32
    %scan3A_4 = scf.for %scan3A_65 = %scan3A_0 to %scan3A_2 step %scan3A_3 iter_args(%scan3A_66 = %scan3A) -> (i32)  : i32 {
      %mul3A_67 = arith.constant 256 : i32
      %mul3A_68 = arith.muli %arg1, %mul3A_67 : i32
      %mul3A_69 = arith.constant 16 : i32
      %mul3A_70 = arith.muli %scan3A_65, %mul3A_69 : i32
      %add3A_71 = arith.addi %mul3A_68, %mul3A_70 : i32
      %add3A_72 = vector.broadcast %add3A_71 : i32 to vector<16xi32>
      %add3A_73 = arith.addi %add3A_72, %iota3A : vector<16xi32>
      %shift_right_logical3A_74 = arith.constant 2 : i32
      %shift_right_logical3A_75 = arith.shrui %scan3A_65, %shift_right_logical3A_74 : i32
      %and3A_76 = arith.constant 3 : i32
      %and3A_77 = arith.andi %scan3A_65, %and3A_76 : i32
      %mul3A_78 = arith.constant 16 : i32
      %mul3A_79 = arith.muli %and3A_77, %mul3A_78 : i32
      %swap3A = arith.index_cast %shift_right_logical3A_75 : i32 to index
      %swap3A_80 = arith.index_cast %mul3A_79 : i32 to index
      %swap3A_81 = tpu.vector_load %arg15[%swap3A, %swap3A_80] {strides = array<i32>} : memref<4x64xi32, #tpu.memory_space<vmem>>, vector<16xi32>,
      tpu.vector_store %arg15[%swap3A, %swap3A_80], %add3A_73 {strides = array<i32>} : memref<4x64xi32, #tpu.memory_space<vmem>>, vector<16xi32>,
      %scan3A_82 = arith.constant 0 : i32
      scf.yield %scan3A_82 : i32
    }
    %scan3A_5 = arith.constant 16 : i32
    %shift_right_logical3A = arith.constant 0 : i32
    %shift_right_logical3A_6 = arith.constant 3 : i32
    %shift_right_logical3A_7 = arith.shrui %shift_right_logical3A, %shift_right_logical3A_6 : i32
    %shift_right_logical3A_8 = arith.constant 0 : i32
    %shift_right_logical3A_9 = arith.constant 2 : i32
    %shift_right_logical3A_10 = arith.shrui %shift_right_logical3A_8, %shift_right_logical3A_9 : i32
    %and3A = arith.constant 1 : i32
    %and3A_11 = arith.andi %shift_right_logical3A_10, %and3A : i32
    %and3A_12 = arith.constant 0 : i32
    %and3A_13 = arith.constant 3 : i32
    %and3A_14 = arith.andi %and3A_12, %and3A_13 : i32
    %mul3A = arith.constant 13 : i32
    %mul3A_15 = arith.muli %arg0, %mul3A : i32
    %add3A = arith.addi %mul3A_15, %shift_right_logical3A_7 : i32
    %mul3A_16 = arith.constant 32 : i32
    %mul3A_17 = arith.muli %add3A, %mul3A_16 : i32
    %mul3A_18 = arith.constant 16 : i32
    %mul3A_19 = arith.muli %and3A_11, %mul3A_18 : i32
    %add3A_20 = arith.addi %mul3A_17, %mul3A_19 : i32
    %multiple_of3A = tpu.assume_multiple %add3A_20, 8 : i32
    %mul3A_21 = arith.constant 16 : i32
    %mul3A_22 = arith.muli %and3A_14, %mul3A_21 : i32
    %add3A_23 = arith.addi %mul3A_22, %arg1 : i32
    %and3A_24 = arith.constant 0 : i32
    %and3A_25 = arith.constant 1 : i32
    %and3A_26 = arith.andi %and3A_24, %and3A_25 : i32
    %mul3A_27 = arith.constant 1664 : i32
    %mul3A_28 = arith.muli %add3A_23, %mul3A_27 : i32
    %multiple_of3A_29 = tpu.assume_multiple %mul3A_28, 128 : i32
    %lt3A = arith.constant 60 : i32
    %lt3A_30 = arith.cmpi slt, %add3A_23, %lt3A : i32
    %eq3A = arith.constant 0 : i32
    %eq3A_31 = arith.cmpi eq, %and3A_26, %eq3A : i32
    %and3A_32 = arith.andi %lt3A_30, %eq3A_31 : i1
    %convert_element_type3A = arith.extui %and3A_32 : i1 to i32
    %cond3A = arith.constant 0 : i32
    %cond3A_33 = arith.cmpi ne, %convert_element_type3A, %cond3A : i32
    scf.if %cond3A_33 {
      %dma_start3A = arith.constant 0 : i32
      %dma_start3A_65 = arith.constant 0 : i32
      %dma_start3A_66 = arith.constant 0 : i32
      %dma_start3A_67 = tpu.memref_slice %arg6[%dma_start3A, %dma_start3A_65, %dma_start3A_66] : memref<2x16x1664xf32, #tpu.memory_space<vmem>> -> memref<1x16x1664xf32, #tpu.memory_space<vmem>>
      %dma_start3A_68 = tpu.memref_squeeze %dma_start3A_67 : memref<1x16x1664xf32, #tpu.memory_space<vmem>> -> memref<16x1664xf32, #tpu.memory_space<vmem>>
      %dma_start3A_69 = tpu.memref_slice %arg3[%multiple_of3A, %multiple_of3A_29] : memref<832x100000xf32, #tpu.memory_space<hbm>> -> memref<16x1664xf32, #tpu.memory_space<hbm>>
      %dma_start3A_70 = arith.constant 0 : i32
      %dma_start3A_71 = arith.constant 0 : i32
      %dma_start3A_72 = tpu.memref_slice %arg6[%dma_start3A, %dma_start3A_70, %dma_start3A_71] : memref<2x16x1664xf32, #tpu.memory_space<vmem>> -> memref<1x16x1664xf32, #tpu.memory_space<vmem>>
      %dma_start3A_73 = tpu.memref_squeeze %dma_start3A_72 : memref<1x16x1664xf32, #tpu.memory_space<vmem>> -> memref<16x1664xf32, #tpu.memory_space<vmem>>
      %dma_start3A_74 = tpu.memref_slice %arg3[%multiple_of3A, %multiple_of3A_29] : memref<832x100000xf32, #tpu.memory_space<hbm>> -> memref<16x1664xf32, #tpu.memory_space<hbm>>
      tpu.enqueue_dma source(%dma_start3A_74 : memref<16x1664xf32, #tpu.memory_space<hbm>>) target(%dma_start3A_73 : memref<16x1664xf32, #tpu.memory_space<vmem>>) target_semaphore(%arg17 : memref<!tpu.dma_semaphore, #tpu.memory_space<semaphore_mem>>)
    } else {
    }
    %lt3A_34 = arith.constant 60 : i32
    %lt3A_35 = arith.cmpi slt, %add3A_23, %lt3A_34 : i32
    %eq3A_36 = arith.constant 1 : i32
    %eq3A_37 = arith.cmpi eq, %and3A_26, %eq3A_36 : i32
    %and3A_38 = arith.andi %lt3A_35, %eq3A_37 : i1
    %convert_element_type3A_39 = arith.extui %and3A_38 : i1 to i32
    %cond3A_40 = arith.constant 0 : i32
    %cond3A_41 = arith.cmpi ne, %convert_element_type3A_39, %cond3A_40 : i32
    scf.if %cond3A_41 {
      %dma_start3A = arith.constant 1 : i32
      %dma_start3A_65 = arith.constant 0 : i32
      %dma_start3A_66 = arith.constant 0 : i32
      %dma_start3A_67 = tpu.memref_slice %arg6[%dma_start3A, %dma_start3A_65, %dma_start3A_66] : memref<2x16x1664xf32, #tpu.memory_space<vmem>> -> memref<1x16x1664xf32, #tpu.memory_space<vmem>>
      %dma_start3A_68 = tpu.memref_squeeze %dma_start3A_67 : memref<1x16x1664xf32, #tpu.memory_space<vmem>> -> memref<16x1664xf32, #tpu.memory_space<vmem>>
      %dma_start3A_69 = tpu.memref_slice %arg3[%multiple_of3A, %multiple_of3A_29] : memref<832x100000xf32, #tpu.memory_space<hbm>> -> memref<16x1664xf32, #tpu.memory_space<hbm>>
      %dma_start3A_70 = arith.constant 0 : i32
      %dma_start3A_71 = arith.constant 0 : i32
      %dma_start3A_72 = tpu.memref_slice %arg6[%dma_start3A, %dma_start3A_70, %dma_start3A_71] : memref<2x16x1664xf32, #tpu.memory_space<vmem>> -> memref<1x16x1664xf32, #tpu.memory_space<vmem>>
      %dma_start3A_73 = tpu.memref_squeeze %dma_start3A_72 : memref<1x16x1664xf32, #tpu.memory_space<vmem>> -> memref<16x1664xf32, #tpu.memory_space<vmem>>
      %dma_start3A_74 = tpu.memref_slice %arg3[%multiple_of3A, %multiple_of3A_29] : memref<832x100000xf32, #tpu.memory_space<hbm>> -> memref<16x1664xf32, #tpu.memory_space<hbm>>
      tpu.enqueue_dma source(%dma_start3A_74 : memref<16x1664xf32, #tpu.memory_space<hbm>>) target(%dma_start3A_73 : memref<16x1664xf32, #tpu.memory_space<vmem>>) target_semaphore(%arg18 : memref<!tpu.dma_semaphore, #tpu.memory_space<semaphore_mem>>)
    } else {
    }
    %eq3A_42 = arith.constant 60 : i32
    %eq3A_43 = arith.cmpi eq, %add3A_23, %eq3A_42 : i32
    %eq3A_44 = arith.constant 0 : i32
    %eq3A_45 = arith.cmpi eq, %and3A_26, %eq3A_44 : i32
    %and3A_46 = arith.andi %eq3A_43, %eq3A_45 : i1
    %convert_element_type3A_47 = arith.extui %and3A_46 : i1 to i32
    %cond3A_48 = arith.constant 0 : i32
    %cond3A_49 = arith.cmpi ne, %convert_element_type3A_47, %cond3A_48 : i32
    scf.if %cond3A_49 {
      %dma_start3A = arith.constant 0 : i32
      %dma_start3A_65 = arith.constant 0 : i32
      %dma_start3A_66 = arith.constant 0 : i32
      %dma_start3A_67 = tpu.memref_slice %arg6[%dma_start3A, %dma_start3A_65, %dma_start3A_66] : memref<2x16x1664xf32, #tpu.memory_space<vmem>> -> memref<1x16x128xf32, #tpu.memory_space<vmem>>
      %dma_start3A_68 = tpu.memref_squeeze %dma_start3A_67 : memref<1x16x128xf32, #tpu.memory_space<vmem>> -> memref<16x128xf32, #tpu.memory_space<vmem>>
      %dma_start3A_69 = arith.constant 99840 : i32
      %dma_start3A_70 = tpu.memref_slice %arg3[%multiple_of3A, %dma_start3A_69] : memref<832x100000xf32, #tpu.memory_space<hbm>> -> memref<16x128xf32, #tpu.memory_space<hbm>>
      %dma_start3A_71 = arith.constant 0 : i32
      %dma_start3A_72 = arith.constant 0 : i32
      %dma_start3A_73 = tpu.memref_slice %arg6[%dma_start3A, %dma_start3A_71, %dma_start3A_72] : memref<2x16x1664xf32, #tpu.memory_space<vmem>> -> memref<1x16x128xf32, #tpu.memory_space<vmem>>
      %dma_start3A_74 = tpu.memref_squeeze %dma_start3A_73 : memref<1x16x128xf32, #tpu.memory_space<vmem>> -> memref<16x128xf32, #tpu.memory_space<vmem>>
      %dma_start3A_75 = arith.constant 99840 : i32
      %dma_start3A_76 = tpu.memref_slice %arg3[%multiple_of3A, %dma_start3A_75] : memref<832x100000xf32, #tpu.memory_space<hbm>> -> memref<16x128xf32, #tpu.memory_space<hbm>>
      tpu.enqueue_dma source(%dma_start3A_76 : memref<16x128xf32, #tpu.memory_space<hbm>>) target(%dma_start3A_74 : memref<16x128xf32, #tpu.memory_space<vmem>>) target_semaphore(%arg17 : memref<!tpu.dma_semaphore, #tpu.memory_space<semaphore_mem>>)
      %dma_start3A_77 = arith.constant 0 : i32
      %dma_start3A_78 = arith.constant 0 : i32
      %dma_start3A_79 = arith.constant 128 : i32
      %dma_start3A_80 = tpu.memref_slice %arg6[%dma_start3A_77, %dma_start3A_78, %dma_start3A_79] : memref<2x16x1664xf32, #tpu.memory_space<vmem>> -> memref<1x16x128xf32, #tpu.memory_space<vmem>>
      %dma_start3A_81 = tpu.memref_squeeze %dma_start3A_80 : memref<1x16x128xf32, #tpu.memory_space<vmem>> -> memref<16x128xf32, #tpu.memory_space<vmem>>
      %dma_start3A_82 = arith.constant 0 : i32
      %dma_start3A_83 = tpu.memref_slice %arg4[%multiple_of3A, %dma_start3A_82] : memref<832x128xf32, #tpu.memory_space<hbm>> -> memref<16x128xf32, #tpu.memory_space<hbm>>
      %dma_start3A_84 = arith.constant 0 : i32
      %dma_start3A_85 = arith.constant 128 : i32
      %dma_start3A_86 = tpu.memref_slice %arg6[%dma_start3A_77, %dma_start3A_84, %dma_start3A_85] : memref<2x16x1664xf32, #tpu.memory_space<vmem>> -> memref<1x16x128xf32, #tpu.memory_space<vmem>>
      %dma_start3A_87 = tpu.memref_squeeze %dma_start3A_86 : memref<1x16x128xf32, #tpu.memory_space<vmem>> -> memref<16x128xf32, #tpu.memory_space<vmem>>
      %dma_start3A_88 = arith.constant 0 : i32
      %dma_start3A_89 = tpu.memref_slice %arg4[%multiple_of3A, %dma_start3A_88] : memref<832x128xf32, #tpu.memory_space<hbm>> -> memref<16x128xf32, #tpu.memory_space<hbm>>
      tpu.enqueue_dma source(%dma_start3A_89 : memref<16x128xf32, #tpu.memory_space<hbm>>) target(%dma_start3A_87 : memref<16x128xf32, #tpu.memory_space<vmem>>) target_semaphore(%arg17 : memref<!tpu.dma_semaphore, #tpu.memory_space<semaphore_mem>>)
    } else {
    }
    %eq3A_50 = arith.constant 60 : i32
    %eq3A_51 = arith.cmpi eq, %add3A_23, %eq3A_50 : i32
    %eq3A_52 = arith.constant 1 : i32
    %eq3A_53 = arith.cmpi eq, %and3A_26, %eq3A_52 : i32
    %and3A_54 = arith.andi %eq3A_51, %eq3A_53 : i1
    %convert_element_type3A_55 = arith.extui %and3A_54 : i1 to i32
    %cond3A_56 = arith.constant 0 : i32
    %cond3A_57 = arith.cmpi ne, %convert_element_type3A_55, %cond3A_56 : i32
    scf.if %cond3A_57 {
      %dma_start3A = arith.constant 1 : i32
      %dma_start3A_65 = arith.constant 0 : i32
      %dma_start3A_66 = arith.constant 0 : i32
      %dma_start3A_67 = tpu.memref_slice %arg6[%dma_start3A, %dma_start3A_65, %dma_start3A_66] : memref<2x16x1664xf32, #tpu.memory_space<vmem>> -> memref<1x16x128xf32, #tpu.memory_space<vmem>>
      %dma_start3A_68 = tpu.memref_squeeze %dma_start3A_67 : memref<1x16x128xf32, #tpu.memory_space<vmem>> -> memref<16x128xf32, #tpu.memory_space<vmem>>
      %dma_start3A_69 = arith.constant 99840 : i32
      %dma_start3A_70 = tpu.memref_slice %arg3[%multiple_of3A, %dma_start3A_69] : memref<832x100000xf32, #tpu.memory_space<hbm>> -> memref<16x128xf32, #tpu.memory_space<hbm>>
      %dma_start3A_71 = arith.constant 0 : i32
      %dma_start3A_72 = arith.constant 0 : i32
      %dma_start3A_73 = tpu.memref_slice %arg6[%dma_start3A, %dma_start3A_71, %dma_start3A_72] : memref<2x16x1664xf32, #tpu.memory_space<vmem>> -> memref<1x16x128xf32, #tpu.memory_space<vmem>>
      %dma_start3A_74 = tpu.memref_squeeze %dma_start3A_73 : memref<1x16x128xf32, #tpu.memory_space<vmem>> -> memref<16x128xf32, #tpu.memory_space<vmem>>
      %dma_start3A_75 = arith.constant 99840 : i32
      %dma_start3A_76 = tpu.memref_slice %arg3[%multiple_of3A, %dma_start3A_75] : memref<832x100000xf32, #tpu.memory_space<hbm>> -> memref<16x128xf32, #tpu.memory_space<hbm>>
      tpu.enqueue_dma source(%dma_start3A_76 : memref<16x128xf32, #tpu.memory_space<hbm>>) target(%dma_start3A_74 : memref<16x128xf32, #tpu.memory_space<vmem>>) target_semaphore(%arg18 : memref<!tpu.dma_semaphore, #tpu.memory_space<semaphore_mem>>)
      %dma_start3A_77 = arith.constant 1 : i32
      %dma_start3A_78 = arith.constant 0 : i32
      %dma_start3A_79 = arith.constant 128 : i32
      %dma_start3A_80 = tpu.memref_slice %arg6[%dma_start3A_77, %dma_start3A_78, %dma_start3A_79] : memref<2x16x1664xf32, #tpu.memory_space<vmem>> -> memref<1x16x128xf32, #tpu.memory_space<vmem>>
      %dma_start3A_81 = tpu.memref_squeeze %dma_start3A_80 : memref<1x16x128xf32, #tpu.memory_space<vmem>> -> memref<16x128xf32, #tpu.memory_space<vmem>>
      %dma_start3A_82 = arith.constant 0 : i32
      %dma_start3A_83 = tpu.memref_slice %arg4[%multiple_of3A, %dma_start3A_82] : memref<832x128xf32, #tpu.memory_space<hbm>> -> memref<16x128xf32, #tpu.memory_space<hbm>>
      %dma_start3A_84 = arith.constant 0 : i32
      %dma_start3A_85 = arith.constant 128 : i32
      %dma_start3A_86 = tpu.memref_slice %arg6[%dma_start3A_77, %dma_start3A_84, %dma_start3A_85] : memref<2x16x1664xf32, #tpu.memory_space<vmem>> -> memref<1x16x128xf32, #tpu.memory_space<vmem>>
      %dma_start3A_87 = tpu.memref_squeeze %dma_start3A_86 : memref<1x16x128xf32, #tpu.memory_space<vmem>> -> memref<16x128xf32, #tpu.memory_space<vmem>>
      %dma_start3A_88 = arith.constant 0 : i32
      %dma_start3A_89 = tpu.memref_slice %arg4[%multiple_of3A, %dma_start3A_88] : memref<832x128xf32, #tpu.memory_space<hbm>> -> memref<16x128xf32, #tpu.memory_space<hbm>>
      tpu.enqueue_dma source(%dma_start3A_89 : memref<16x128xf32, #tpu.memory_space<hbm>>) target(%dma_start3A_87 : memref<16x128xf32, #tpu.memory_space<vmem>>) target_semaphore(%arg18 : memref<!tpu.dma_semaphore, #tpu.memory_space<semaphore_mem>>)
    } else {
    }
    %scan3A_58 = arith.constant 0 : i32
    %scan3A_59 = arith.constant 0 : i32
    %scan3A_60 = arith.constant 104 : i32
    %scan3A_61 = arith.addi %scan3A_59, %scan3A_60 : i32
    %scan3A_62 = arith.constant 1 : i32
    %scan3A_63 = scf.for %scan3A_65 = %scan3A_59 to %scan3A_61 step %scan3A_62 iter_args(%scan3A_66 = %scan3A_58) -> (i32)  : i32 {
      %shift_right_logical3A_67 = arith.constant 3 : i32
      %shift_right_logical3A_68 = arith.shrui %scan3A_65, %shift_right_logical3A_67 : i32
      %shift_right_logical3A_69 = arith.constant 2 : i32
      %shift_right_logical3A_70 = arith.shrui %scan3A_65, %shift_right_logical3A_69 : i32
      %and3A_71 = arith.constant 1 : i32
      %and3A_72 = arith.andi %shift_right_logical3A_70, %and3A_71 : i32
      %and3A_73 = arith.constant 3 : i32
      %and3A_74 = arith.andi %scan3A_65, %and3A_73 : i32
      %mul3A_75 = arith.constant 13 : i32
      %mul3A_76 = arith.muli %arg0, %mul3A_75 : i32
      %add3A_77 = arith.addi %mul3A_76, %shift_right_logical3A_68 : i32
      %and3A_78 = arith.constant 1 : i32
      %and3A_79 = arith.andi %scan3A_65, %and3A_78 : i32
      %lt3A_80 = arith.constant 103 : i32
      %lt3A_81 = arith.cmpi slt, %scan3A_65, %lt3A_80 : i32
      %convert_element_type3A_82 = arith.extui %lt3A_81 : i1 to i32
      %cond3A_83 = arith.constant 0 : i32
      %cond3A_84 = arith.cmpi ne, %convert_element_type3A_82, %cond3A_83 : i32
      scf.if %cond3A_84 {
        %add3A_254 = arith.constant 1 : i32
        %add3A_255 = arith.addi %scan3A_65, %add3A_254 : i32
        %shift_right_logical3A_256 = arith.constant 3 : i32
        %shift_right_logical3A_257 = arith.shrui %add3A_255, %shift_right_logical3A_256 : i32
        %shift_right_logical3A_258 = arith.constant 2 : i32
        %shift_right_logical3A_259 = arith.shrui %add3A_255, %shift_right_logical3A_258 : i32
        %and3A_260 = arith.constant 1 : i32
        %and3A_261 = arith.andi %shift_right_logical3A_259, %and3A_260 : i32
        %and3A_262 = arith.constant 3 : i32
        %and3A_263 = arith.andi %add3A_255, %and3A_262 : i32
        %mul3A_264 = arith.constant 13 : i32
        %mul3A_265 = arith.muli %arg0, %mul3A_264 : i32
        %add3A_266 = arith.addi %mul3A_265, %shift_right_logical3A_257 : i32
        %mul3A_267 = arith.constant 32 : i32
        %mul3A_268 = arith.muli %add3A_266, %mul3A_267 : i32
        %mul3A_269 = arith.constant 16 : i32
        %mul3A_270 = arith.muli %and3A_261, %mul3A_269 : i32
        %add3A_271 = arith.addi %mul3A_268, %mul3A_270 : i32
        %multiple_of3A_272 = tpu.assume_multiple %add3A_271, 8 : i32
        %mul3A_273 = arith.constant 16 : i32
        %mul3A_274 = arith.muli %and3A_263, %mul3A_273 : i32
        %add3A_275 = arith.addi %mul3A_274, %arg1 : i32
        %and3A_276 = arith.constant 1 : i32
        %and3A_277 = arith.andi %add3A_255, %and3A_276 : i32
        %mul3A_278 = arith.constant 1664 : i32
        %mul3A_279 = arith.muli %add3A_275, %mul3A_278 : i32
        %multiple_of3A_280 = tpu.assume_multiple %mul3A_279, 128 : i32
        %lt3A_281 = arith.constant 60 : i32
        %lt3A_282 = arith.cmpi slt, %add3A_275, %lt3A_281 : i32
        %eq3A_283 = arith.constant 0 : i32
        %eq3A_284 = arith.cmpi eq, %and3A_277, %eq3A_283 : i32
        %and3A_285 = arith.andi %lt3A_282, %eq3A_284 : i1
        %convert_element_type3A_286 = arith.extui %and3A_285 : i1 to i32
        %cond3A_287 = arith.constant 0 : i32
        %cond3A_288 = arith.cmpi ne, %convert_element_type3A_286, %cond3A_287 : i32
        scf.if %cond3A_288 {
          %dma_start3A = arith.constant 0 : i32
          %dma_start3A_313 = arith.constant 0 : i32
          %dma_start3A_314 = arith.constant 0 : i32
          %dma_start3A_315 = tpu.memref_slice %arg6[%dma_start3A, %dma_start3A_313, %dma_start3A_314] : memref<2x16x1664xf32, #tpu.memory_space<vmem>> -> memref<1x16x1664xf32, #tpu.memory_space<vmem>>
          %dma_start3A_316 = tpu.memref_squeeze %dma_start3A_315 : memref<1x16x1664xf32, #tpu.memory_space<vmem>> -> memref<16x1664xf32, #tpu.memory_space<vmem>>
          %dma_start3A_317 = tpu.memref_slice %arg3[%multiple_of3A_272, %multiple_of3A_280] : memref<832x100000xf32, #tpu.memory_space<hbm>> -> memref<16x1664xf32, #tpu.memory_space<hbm>>
          %dma_start3A_318 = arith.constant 0 : i32
          %dma_start3A_319 = arith.constant 0 : i32
          %dma_start3A_320 = tpu.memref_slice %arg6[%dma_start3A, %dma_start3A_318, %dma_start3A_319] : memref<2x16x1664xf32, #tpu.memory_space<vmem>> -> memref<1x16x1664xf32, #tpu.memory_space<vmem>>
          %dma_start3A_321 = tpu.memref_squeeze %dma_start3A_320 : memref<1x16x1664xf32, #tpu.memory_space<vmem>> -> memref<16x1664xf32, #tpu.memory_space<vmem>>
          %dma_start3A_322 = tpu.memref_slice %arg3[%multiple_of3A_272, %multiple_of3A_280] : memref<832x100000xf32, #tpu.memory_space<hbm>> -> memref<16x1664xf32, #tpu.memory_space<hbm>>
          tpu.enqueue_dma source(%dma_start3A_322 : memref<16x1664xf32, #tpu.memory_space<hbm>>) target(%dma_start3A_321 : memref<16x1664xf32, #tpu.memory_space<vmem>>) target_semaphore(%arg17 : memref<!tpu.dma_semaphore, #tpu.memory_space<semaphore_mem>>)
        } else {
        }
        %lt3A_289 = arith.constant 60 : i32
        %lt3A_290 = arith.cmpi slt, %add3A_275, %lt3A_289 : i32
        %eq3A_291 = arith.constant 1 : i32
        %eq3A_292 = arith.cmpi eq, %and3A_277, %eq3A_291 : i32
        %and3A_293 = arith.andi %lt3A_290, %eq3A_292 : i1
        %convert_element_type3A_294 = arith.extui %and3A_293 : i1 to i32
        %cond3A_295 = arith.constant 0 : i32
        %cond3A_296 = arith.cmpi ne, %convert_element_type3A_294, %cond3A_295 : i32
        scf.if %cond3A_296 {
          %dma_start3A = arith.constant 1 : i32
          %dma_start3A_313 = arith.constant 0 : i32
          %dma_start3A_314 = arith.constant 0 : i32
          %dma_start3A_315 = tpu.memref_slice %arg6[%dma_start3A, %dma_start3A_313, %dma_start3A_314] : memref<2x16x1664xf32, #tpu.memory_space<vmem>> -> memref<1x16x1664xf32, #tpu.memory_space<vmem>>
          %dma_start3A_316 = tpu.memref_squeeze %dma_start3A_315 : memref<1x16x1664xf32, #tpu.memory_space<vmem>> -> memref<16x1664xf32, #tpu.memory_space<vmem>>
          %dma_start3A_317 = tpu.memref_slice %arg3[%multiple_of3A_272, %multiple_of3A_280] : memref<832x100000xf32, #tpu.memory_space<hbm>> -> memref<16x1664xf32, #tpu.memory_space<hbm>>
          %dma_start3A_318 = arith.constant 0 : i32
          %dma_start3A_319 = arith.constant 0 : i32
          %dma_start3A_320 = tpu.memref_slice %arg6[%dma_start3A, %dma_start3A_318, %dma_start3A_319] : memref<2x16x1664xf32, #tpu.memory_space<vmem>> -> memref<1x16x1664xf32, #tpu.memory_space<vmem>>
          %dma_start3A_321 = tpu.memref_squeeze %dma_start3A_320 : memref<1x16x1664xf32, #tpu.memory_space<vmem>> -> memref<16x1664xf32, #tpu.memory_space<vmem>>
          %dma_start3A_322 = tpu.memref_slice %arg3[%multiple_of3A_272, %multiple_of3A_280] : memref<832x100000xf32, #tpu.memory_space<hbm>> -> memref<16x1664xf32, #tpu.memory_space<hbm>>
          tpu.enqueue_dma source(%dma_start3A_322 : memref<16x1664xf32, #tpu.memory_space<hbm>>) target(%dma_start3A_321 : memref<16x1664xf32, #tpu.memory_space<vmem>>) target_semaphore(%arg18 : memref<!tpu.dma_semaphore, #tpu.memory_space<semaphore_mem>>)
        } else {
        }
        %eq3A_297 = arith.constant 60 : i32
        %eq3A_298 = arith.cmpi eq, %add3A_275, %eq3A_297 : i32
        %eq3A_299 = arith.constant 0 : i32
        %eq3A_300 = arith.cmpi eq, %and3A_277, %eq3A_299 : i32
        %and3A_301 = arith.andi %eq3A_298, %eq3A_300 : i1
        %convert_element_type3A_302 = arith.extui %and3A_301 : i1 to i32
        %cond3A_303 = arith.constant 0 : i32
        %cond3A_304 = arith.cmpi ne, %convert_element_type3A_302, %cond3A_303 : i32
        scf.if %cond3A_304 {
          %dma_start3A = arith.constant 0 : i32
          %dma_start3A_313 = arith.constant 0 : i32
          %dma_start3A_314 = arith.constant 0 : i32
          %dma_start3A_315 = tpu.memref_slice %arg6[%dma_start3A, %dma_start3A_313, %dma_start3A_314] : memref<2x16x1664xf32, #tpu.memory_space<vmem>> -> memref<1x16x128xf32, #tpu.memory_space<vmem>>
          %dma_start3A_316 = tpu.memref_squeeze %dma_start3A_315 : memref<1x16x128xf32, #tpu.memory_space<vmem>> -> memref<16x128xf32, #tpu.memory_space<vmem>>
          %dma_start3A_317 = arith.constant 99840 : i32
          %dma_start3A_318 = tpu.memref_slice %arg3[%multiple_of3A_272, %dma_start3A_317] : memref<832x100000xf32, #tpu.memory_space<hbm>> -> memref<16x128xf32, #tpu.memory_space<hbm>>
          %dma_start3A_319 = arith.constant 0 : i32
          %dma_start3A_320 = arith.constant 0 : i32
          %dma_start3A_321 = tpu.memref_slice %arg6[%dma_start3A, %dma_start3A_319, %dma_start3A_320] : memref<2x16x1664xf32, #tpu.memory_space<vmem>> -> memref<1x16x128xf32, #tpu.memory_space<vmem>>
          %dma_start3A_322 = tpu.memref_squeeze %dma_start3A_321 : memref<1x16x128xf32, #tpu.memory_space<vmem>> -> memref<16x128xf32, #tpu.memory_space<vmem>>
          %dma_start3A_323 = arith.constant 99840 : i32
          %dma_start3A_324 = tpu.memref_slice %arg3[%multiple_of3A_272, %dma_start3A_323] : memref<832x100000xf32, #tpu.memory_space<hbm>> -> memref<16x128xf32, #tpu.memory_space<hbm>>
          tpu.enqueue_dma source(%dma_start3A_324 : memref<16x128xf32, #tpu.memory_space<hbm>>) target(%dma_start3A_322 : memref<16x128xf32, #tpu.memory_space<vmem>>) target_semaphore(%arg17 : memref<!tpu.dma_semaphore, #tpu.memory_space<semaphore_mem>>)
          %dma_start3A_325 = arith.constant 0 : i32
          %dma_start3A_326 = arith.constant 0 : i32
          %dma_start3A_327 = arith.constant 128 : i32
          %dma_start3A_328 = tpu.memref_slice %arg6[%dma_start3A_325, %dma_start3A_326, %dma_start3A_327] : memref<2x16x1664xf32, #tpu.memory_space<vmem>> -> memref<1x16x128xf32, #tpu.memory_space<vmem>>
          %dma_start3A_329 = tpu.memref_squeeze %dma_start3A_328 : memref<1x16x128xf32, #tpu.memory_space<vmem>> -> memref<16x128xf32, #tpu.memory_space<vmem>>
          %dma_start3A_330 = arith.constant 0 : i32
          %dma_start3A_331 = tpu.memref_slice %arg4[%multiple_of3A_272, %dma_start3A_330] : memref<832x128xf32, #tpu.memory_space<hbm>> -> memref<16x128xf32, #tpu.memory_space<hbm>>
          %dma_start3A_332 = arith.constant 0 : i32
          %dma_start3A_333 = arith.constant 128 : i32
          %dma_start3A_334 = tpu.memref_slice %arg6[%dma_start3A_325, %dma_start3A_332, %dma_start3A_333] : memref<2x16x1664xf32, #tpu.memory_space<vmem>> -> memref<1x16x128xf32, #tpu.memory_space<vmem>>
          %dma_start3A_335 = tpu.memref_squeeze %dma_start3A_334 : memref<1x16x128xf32, #tpu.memory_space<vmem>> -> memref<16x128xf32, #tpu.memory_space<vmem>>
          %dma_start3A_336 = arith.constant 0 : i32
          %dma_start3A_337 = tpu.memref_slice %arg4[%multiple_of3A_272, %dma_start3A_336] : memref<832x128xf32, #tpu.memory_space<hbm>> -> memref<16x128xf32, #tpu.memory_space<hbm>>
          tpu.enqueue_dma source(%dma_start3A_337 : memref<16x128xf32, #tpu.memory_space<hbm>>) target(%dma_start3A_335 : memref<16x128xf32, #tpu.memory_space<vmem>>) target_semaphore(%arg17 : memref<!tpu.dma_semaphore, #tpu.memory_space<semaphore_mem>>)
        } else {
        }
        %eq3A_305 = arith.constant 60 : i32
        %eq3A_306 = arith.cmpi eq, %add3A_275, %eq3A_305 : i32
        %eq3A_307 = arith.constant 1 : i32
        %eq3A_308 = arith.cmpi eq, %and3A_277, %eq3A_307 : i32
        %and3A_309 = arith.andi %eq3A_306, %eq3A_308 : i1
        %convert_element_type3A_310 = arith.extui %and3A_309 : i1 to i32
        %cond3A_311 = arith.constant 0 : i32
        %cond3A_312 = arith.cmpi ne, %convert_element_type3A_310, %cond3A_311 : i32
        scf.if %cond3A_312 {
          %dma_start3A = arith.constant 1 : i32
          %dma_start3A_313 = arith.constant 0 : i32
          %dma_start3A_314 = arith.constant 0 : i32
          %dma_start3A_315 = tpu.memref_slice %arg6[%dma_start3A, %dma_start3A_313, %dma_start3A_314] : memref<2x16x1664xf32, #tpu.memory_space<vmem>> -> memref<1x16x128xf32, #tpu.memory_space<vmem>>
          %dma_start3A_316 = tpu.memref_squeeze %dma_start3A_315 : memref<1x16x128xf32, #tpu.memory_space<vmem>> -> memref<16x128xf32, #tpu.memory_space<vmem>>
          %dma_start3A_317 = arith.constant 99840 : i32
          %dma_start3A_318 = tpu.memref_slice %arg3[%multiple_of3A_272, %dma_start3A_317] : memref<832x100000xf32, #tpu.memory_space<hbm>> -> memref<16x128xf32, #tpu.memory_space<hbm>>
          %dma_start3A_319 = arith.constant 0 : i32
          %dma_start3A_320 = arith.constant 0 : i32
          %dma_start3A_321 = tpu.memref_slice %arg6[%dma_start3A, %dma_start3A_319, %dma_start3A_320] : memref<2x16x1664xf32, #tpu.memory_space<vmem>> -> memref<1x16x128xf32, #tpu.memory_space<vmem>>
          %dma_start3A_322 = tpu.memref_squeeze %dma_start3A_321 : memref<1x16x128xf32, #tpu.memory_space<vmem>> -> memref<16x128xf32, #tpu.memory_space<vmem>>
          %dma_start3A_323 = arith.constant 99840 : i32
          %dma_start3A_324 = tpu.memref_slice %arg3[%multiple_of3A_272, %dma_start3A_323] : memref<832x100000xf32, #tpu.memory_space<hbm>> -> memref<16x128xf32, #tpu.memory_space<hbm>>
          tpu.enqueue_dma source(%dma_start3A_324 : memref<16x128xf32, #tpu.memory_space<hbm>>) target(%dma_start3A_322 : memref<16x128xf32, #tpu.memory_space<vmem>>) target_semaphore(%arg18 : memref<!tpu.dma_semaphore, #tpu.memory_space<semaphore_mem>>)
          %dma_start3A_325 = arith.constant 1 : i32
          %dma_start3A_326 = arith.constant 0 : i32
          %dma_start3A_327 = arith.constant 128 : i32
          %dma_start3A_328 = tpu.memref_slice %arg6[%dma_start3A_325, %dma_start3A_326, %dma_start3A_327] : memref<2x16x1664xf32, #tpu.memory_space<vmem>> -> memref<1x16x128xf32, #tpu.memory_space<vmem>>
          %dma_start3A_329 = tpu.memref_squeeze %dma_start3A_328 : memref<1x16x128xf32, #tpu.memory_space<vmem>> -> memref<16x128xf32, #tpu.memory_space<vmem>>
          %dma_start3A_330 = arith.constant 0 : i32
          %dma_start3A_331 = tpu.memref_slice %arg4[%multiple_of3A_272, %dma_start3A_330] : memref<832x128xf32, #tpu.memory_space<hbm>> -> memref<16x128xf32, #tpu.memory_space<hbm>>
          %dma_start3A_332 = arith.constant 0 : i32
          %dma_start3A_333 = arith.constant 128 : i32
          %dma_start3A_334 = tpu.memref_slice %arg6[%dma_start3A_325, %dma_start3A_332, %dma_start3A_333] : memref<2x16x1664xf32, #tpu.memory_space<vmem>> -> memref<1x16x128xf32, #tpu.memory_space<vmem>>
          %dma_start3A_335 = tpu.memref_squeeze %dma_start3A_334 : memref<1x16x128xf32, #tpu.memory_space<vmem>> -> memref<16x128xf32, #tpu.memory_space<vmem>>
          %dma_start3A_336 = arith.constant 0 : i32
          %dma_start3A_337 = tpu.memref_slice %arg4[%multiple_of3A_272, %dma_start3A_336] : memref<832x128xf32, #tpu.memory_space<hbm>> -> memref<16x128xf32, #tpu.memory_space<hbm>>
          tpu.enqueue_dma source(%dma_start3A_337 : memref<16x128xf32, #tpu.memory_space<hbm>>) target(%dma_start3A_335 : memref<16x128xf32, #tpu.memory_space<vmem>>) target_semaphore(%arg18 : memref<!tpu.dma_semaphore, #tpu.memory_space<semaphore_mem>>)
        } else {
        }
      } else {
      }
      %and3A_85 = arith.constant 7 : i32
      %and3A_86 = arith.andi %scan3A_65, %and3A_85 : i32
      %eq3A_87 = arith.constant 0 : i32
      %eq3A_88 = arith.cmpi eq, %and3A_86, %eq3A_87 : i32
      %convert_element_type3A_89 = arith.extui %eq3A_88 : i1 to i32
      %cond3A_90 = arith.constant 0 : i32
      %cond3A_91 = arith.cmpi ne, %convert_element_type3A_89, %cond3A_90 : i32
      scf.if %cond3A_91 {
        %mul3A_254 = arith.constant 4096 : i32
        %mul3A_255 = arith.muli %add3A_77, %mul3A_254 : i32
        "tpu.region"() ({
          %run_scoped3A = tpu.sem_alloc : memref<!tpu.dma_semaphore, #tpu.memory_space<semaphore_mem>>
          %dma_start3A = tpu.memref_slice %arg2[%mul3A_255] : memref<106496xi32, #tpu.memory_space<hbm>> -> memref<4096xi32, #tpu.memory_space<hbm>>
          %dma_start3A_266 = tpu.memref_slice %arg2[%mul3A_255] : memref<106496xi32, #tpu.memory_space<hbm>> -> memref<4096xi32, #tpu.memory_space<hbm>>
          tpu.enqueue_dma source(%dma_start3A_266 : memref<4096xi32, #tpu.memory_space<hbm>>) target(%arg7 : memref<4096xi32, #tpu.memory_space<vmem>>) target_semaphore(%run_scoped3A : memref<!tpu.dma_semaphore, #tpu.memory_space<semaphore_mem>>)
          %dma_wait3A = tpu.memref_slice %arg2[%mul3A_255] : memref<106496xi32, #tpu.memory_space<hbm>> -> memref<4096xi32, #tpu.memory_space<hbm>>
          %dma_wait3A_267 = tpu.memref_slice %arg2[%mul3A_255] : memref<106496xi32, #tpu.memory_space<hbm>> -> memref<4096xi32, #tpu.memory_space<hbm>>
          tpu.wait_dma2 semaphore(%run_scoped3A : memref<!tpu.dma_semaphore, #tpu.memory_space<semaphore_mem>>) src(%dma_wait3A_267 : memref<4096xi32, #tpu.memory_space<hbm>>) dst(%arg7 : memref<4096xi32, #tpu.memory_space<vmem>>)
          tpu.yield
        }) : () -> ()
        %scan3A_256 = arith.constant 0 : i32
        %scan3A_257 = arith.constant 0 : i32
        %scan3A_258 = arith.constant 256 : i32
        %scan3A_259 = arith.addi %scan3A_257, %scan3A_258 : i32
        %scan3A_260 = arith.constant 1 : i32
        %scan3A_261 = scf.for %scan3A_266 = %scan3A_257 to %scan3A_259 step %scan3A_260 iter_args(%scan3A_267 = %scan3A_256) -> (i32)  : i32 {
          %mul3A_268 = arith.constant 16 : i32
          %mul3A_269 = arith.muli %scan3A_266, %mul3A_268 : i32
          %get3A_270 = arith.index_cast %mul3A_269 : i32 to index
          %get3A_271 = tpu.vector_load %arg7[%get3A_270] {strides = array<i32>} : memref<4096xi32, #tpu.memory_space<vmem>>, vector<16xi32>,
          %mul3A_272 = arith.constant 16 : i32
          %mul3A_273 = arith.muli %scan3A_266, %mul3A_272 : i32
          %add3A_274 = vector.broadcast %mul3A_273 : i32 to vector<16xi32>
          %add3A_275 = arith.addi %iota3A, %add3A_274 : vector<16xi32>
          %jit3A = arith.constant 1664 : i32
          %div3A = vector.broadcast %jit3A : i32 to vector<16xi32>
          %div3A_276 = arith.divsi %get3A_271, %div3A : vector<16xi32>
          %sign3A = arith.constant 0 : i32
          %sign3A_277 = vector.broadcast %sign3A : i32 to vector<16xi32>
          %sign3A_278 = arith.cmpi sgt, %get3A_271, %sign3A_277 : vector<16xi32>
          %sign3A_279 = arith.extui %sign3A_278 : vector<16xi1> to vector<16xi32>
          %sign3A_280 = arith.constant 0 : i32
          %sign3A_281 = vector.broadcast %sign3A_280 : i32 to vector<16xi32>
          %sign3A_282 = arith.cmpi slt, %get3A_271, %sign3A_281 : vector<16xi32>
          %sign3A_283 = arith.extui %sign3A_282 : vector<16xi1> to vector<16xi32>
          %sign3A_284 = arith.subi %sign3A_279, %sign3A_283 : vector<16xi32>
          %sign3A_285 = arith.constant 0 : i32
          %sign3A_286 = arith.cmpi sgt, %jit3A, %sign3A_285 : i32
          %sign3A_287 = arith.extui %sign3A_286 : i1 to i32
          %sign3A_288 = arith.constant 0 : i32
          %sign3A_289 = arith.cmpi slt, %jit3A, %sign3A_288 : i32
          %sign3A_290 = arith.extui %sign3A_289 : i1 to i32
          %sign3A_291 = arith.subi %sign3A_287, %sign3A_290 : i32
          %ne3A = vector.broadcast %sign3A_291 : i32 to vector<16xi32>
          %ne3A_292 = arith.cmpi ne, %sign3A_284, %ne3A : vector<16xi32>
          %rem3A = vector.broadcast %jit3A : i32 to vector<16xi32>
          %rem3A_293 = arith.remsi %get3A_271, %rem3A : vector<16xi32>
          %ne3A_294 = arith.constant 0 : i32
          %ne3A_295 = vector.broadcast %ne3A_294 : i32 to vector<16xi32>
          %ne3A_296 = arith.cmpi ne, %rem3A_293, %ne3A_295 : vector<16xi32>
          %and3A_297 = arith.andi %ne3A_292, %ne3A_296 : vector<16xi1>
          %sub3A = arith.constant 1 : i32
          %sub3A_298 = vector.broadcast %sub3A : i32 to vector<16xi32>
          %sub3A_299 = arith.subi %div3A_276, %sub3A_298 : vector<16xi32>
          %select_n3A = arith.select %and3A_297, %sub3A_299, %div3A_276 : vector<16xi1>, vector<16xi32>
          %and3A_300 = arith.constant 15 : i32
          %and3A_301 = vector.broadcast %and3A_300 : i32 to vector<16xi32>
          %and3A_302 = arith.andi %select_n3A, %and3A_301 : vector<16xi32>
          %eq3A_303 = vector.broadcast %arg1 : i32 to vector<16xi32>
          %eq3A_304 = arith.cmpi eq, %and3A_302, %eq3A_303 : vector<16xi32>
          %shift_left3A_305 = arith.constant 17 : i32
          %shift_left3A_306 = vector.broadcast %shift_left3A_305 : i32 to vector<16xi32>
          %shift_left3A_307 = arith.shli %add3A_275, %shift_left3A_306 : vector<16xi32>
          %add3A_308 = arith.addi %shift_left3A_307, %get3A_271 : vector<16xi32>
          %swap3A_309 = arith.index_cast %scan3A_267 : i32 to index
          %swap3A_310 = tpu.vector_load %arg9[%swap3A_309] masked %eq3A_304 {strides = array<i32>} : memref<4224xi32, #tpu.memory_space<vmem>>, vector<16xi32>, vector<16xi1>
          tpu.vector_store %arg9[%swap3A_309], %add3A_308 masked %eq3A_304 {strides = array<i32>} : memref<4224xi32, #tpu.memory_space<vmem>>, vector<16xi32>, vector<16xi1>
          %all_reduce_population_count3A = tpu.all_reduce %eq3A_304 {dim = 0 : i64, kind = #tpu.reduction_kind<sum>} : vector<16xi1> -> vector<16xi32>
          %slice3A = vector.extract_strided_slice %all_reduce_population_count3A {offsets = [0], sizes = [1], strides = [1]} : vector<16xi32> to vector<1xi32>
          %squeeze3A = vector.extract %slice3A[0] : i32 from vector<1xi32>
          %add3A_311 = arith.addi %scan3A_267, %squeeze3A : i32
          scf.yield %add3A_311 : i32
        }
        %scan3A_262 = arith.constant 256 : i32
        %swap3A_263 = arith.constant 0 : i32
        %swap3A_264 = arith.index_cast %swap3A_263 : i32 to index
        %swap3A_265 = memref.load %arg10[%swap3A_264] : memref<8xi32, #tpu.memory_space<smem>>
        memref.store %scan3A_261, %arg10[%swap3A_264] : memref<8xi32, #tpu.memory_space<smem>>
      } else {
      }
      %mul3A_92 = arith.constant 16 : i32
      %mul3A_93 = arith.muli %and3A_74, %mul3A_92 : i32
      %add3A_94 = arith.addi %mul3A_93, %arg1 : i32
      %mul3A_95 = arith.constant 1664 : i32
      %mul3A_96 = arith.muli %add3A_94, %mul3A_95 : i32
      %get3A = arith.constant 0 : i32
      %get3A_97 = arith.index_cast %get3A : i32 to index
      %get3A_98 = memref.load %arg10[%get3A_97] : memref<8xi32, #tpu.memory_space<smem>>
      %add3A_99 = arith.constant 15 : i32
      %add3A_100 = arith.addi %get3A_98, %add3A_99 : i32
      %shift_right_logical3A_101 = arith.constant 4 : i32
      %shift_right_logical3A_102 = arith.shrui %add3A_100, %shift_right_logical3A_101 : i32
      %while3A = arith.constant 0 : i32
      %while3A_103 = arith.constant 0 : i32
      %while3A_104 = arith.subi %shift_right_logical3A_102, %while3A : i32
      %while3A_105 = arith.addi %while3A, %while3A_104 : i32
      %while3A_106 = arith.constant 1 : i32
      %while3A_107 = arith.divsi %while3A_104, %while3A_106 : i32
      %while3A_108 = arith.muli %while3A_107, %while3A_106 : i32
      %while3A_109 = arith.addi %while3A, %while3A_108 : i32
      %while3A_110 = arith.constant 1 : i32
      %while3A_111 = scf.for %while3A_254 = %while3A to %while3A_109 step %while3A_110 iter_args(%while3A_255 = %while3A_103) -> (i32)  : i32 {
        %mul3A_256 = arith.constant 16 : i32
        %mul3A_257 = arith.muli %while3A_254, %mul3A_256 : i32
        %get3A_258 = arith.index_cast %mul3A_257 : i32 to index
        %get3A_259 = tpu.vector_load %arg9[%get3A_258] {strides = array<i32>} : memref<4224xi32, #tpu.memory_space<vmem>>, vector<16xi32>,
        %and3A_260 = arith.constant 131071 : i32
        %and3A_261 = vector.broadcast %and3A_260 : i32 to vector<16xi32>
        %and3A_262 = arith.andi %get3A_259, %and3A_261 : vector<16xi32>
        %shift_right_logical3A_263 = arith.constant 17 : i32
        %shift_right_logical3A_264 = vector.broadcast %shift_right_logical3A_263 : i32 to vector<16xi32>
        %shift_right_logical3A_265 = arith.shrui %get3A_259, %shift_right_logical3A_264 : vector<16xi32>
        %mul3A_266 = arith.constant 16 : i32
        %mul3A_267 = arith.muli %while3A_254, %mul3A_266 : i32
        %add3A_268 = vector.broadcast %mul3A_267 : i32 to vector<16xi32>
        %add3A_269 = arith.addi %iota3A, %add3A_268 : vector<16xi32>
        %jit3A = arith.constant 1664 : i32
        %div3A = vector.broadcast %jit3A : i32 to vector<16xi32>
        %div3A_270 = arith.divsi %and3A_262, %div3A : vector<16xi32>
        %sign3A = arith.constant 0 : i32
        %sign3A_271 = vector.broadcast %sign3A : i32 to vector<16xi32>
        %sign3A_272 = arith.cmpi sgt, %and3A_262, %sign3A_271 : vector<16xi32>
        %sign3A_273 = arith.extui %sign3A_272 : vector<16xi1> to vector<16xi32>
        %sign3A_274 = arith.constant 0 : i32
        %sign3A_275 = vector.broadcast %sign3A_274 : i32 to vector<16xi32>
        %sign3A_276 = arith.cmpi slt, %and3A_262, %sign3A_275 : vector<16xi32>
        %sign3A_277 = arith.extui %sign3A_276 : vector<16xi1> to vector<16xi32>
        %sign3A_278 = arith.subi %sign3A_273, %sign3A_277 : vector<16xi32>
        %sign3A_279 = arith.constant 0 : i32
        %sign3A_280 = arith.cmpi sgt, %jit3A, %sign3A_279 : i32
        %sign3A_281 = arith.extui %sign3A_280 : i1 to i32
        %sign3A_282 = arith.constant 0 : i32
        %sign3A_283 = arith.cmpi slt, %jit3A, %sign3A_282 : i32
        %sign3A_284 = arith.extui %sign3A_283 : i1 to i32
        %sign3A_285 = arith.subi %sign3A_281, %sign3A_284 : i32
        %ne3A = vector.broadcast %sign3A_285 : i32 to vector<16xi32>
        %ne3A_286 = arith.cmpi ne, %sign3A_278, %ne3A : vector<16xi32>
        %rem3A = vector.broadcast %jit3A : i32 to vector<16xi32>
        %rem3A_287 = arith.remsi %and3A_262, %rem3A : vector<16xi32>
        %ne3A_288 = arith.constant 0 : i32
        %ne3A_289 = vector.broadcast %ne3A_288 : i32 to vector<16xi32>
        %ne3A_290 = arith.cmpi ne, %rem3A_287, %ne3A_289 : vector<16xi32>
        %and3A_291 = arith.andi %ne3A_286, %ne3A_290 : vector<16xi1>
        %sub3A = arith.constant 1 : i32
        %sub3A_292 = vector.broadcast %sub3A : i32 to vector<16xi32>
        %sub3A_293 = arith.subi %div3A_270, %sub3A_292 : vector<16xi32>
        %select_n3A = arith.select %and3A_291, %sub3A_293, %div3A_270 : vector<16xi1>, vector<16xi32>
        %shift_right_logical3A_294 = arith.constant 4 : i32
        %shift_right_logical3A_295 = vector.broadcast %shift_right_logical3A_294 : i32 to vector<16xi32>
        %shift_right_logical3A_296 = arith.shrui %select_n3A, %shift_right_logical3A_295 : vector<16xi32>
        %eq3A_297 = vector.broadcast %and3A_74 : i32 to vector<16xi32>
        %eq3A_298 = arith.cmpi eq, %shift_right_logical3A_296, %eq3A_297 : vector<16xi32>
        %lt3A_299 = vector.broadcast %get3A_98 : i32 to vector<16xi32>
        %lt3A_300 = arith.cmpi slt, %add3A_269, %lt3A_299 : vector<16xi32>
        %and3A_301 = arith.andi %eq3A_298, %lt3A_300 : vector<16xi1>
        %shift_left3A_302 = arith.constant 12 : i32
        %shift_left3A_303 = vector.broadcast %shift_left3A_302 : i32 to vector<16xi32>
        %shift_left3A_304 = arith.shli %shift_right_logical3A_265, %shift_left3A_303 : vector<16xi32>
        %sub3A_305 = vector.broadcast %mul3A_96 : i32 to vector<16xi32>
        %sub3A_306 = arith.subi %and3A_262, %sub3A_305 : vector<16xi32>
        %add3A_307 = arith.addi %shift_left3A_304, %sub3A_306 : vector<16xi32>
        %swap3A_308 = arith.index_cast %while3A_255 : i32 to index
        %swap3A_309 = tpu.vector_load %arg8[%swap3A_308] masked %and3A_301 {strides = array<i32>} : memref<4224xi32, #tpu.memory_space<vmem>>, vector<16xi32>, vector<16xi1>
        tpu.vector_store %arg8[%swap3A_308], %add3A_307 masked %and3A_301 {strides = array<i32>} : memref<4224xi32, #tpu.memory_space<vmem>>, vector<16xi32>, vector<16xi1>
        %all_reduce_population_count3A = tpu.all_reduce %and3A_301 {dim = 0 : i64, kind = #tpu.reduction_kind<sum>} : vector<16xi1> -> vector<16xi32>
        %slice3A = vector.extract_strided_slice %all_reduce_population_count3A {offsets = [0], sizes = [1], strides = [1]} : vector<16xi32> to vector<1xi32>
        %squeeze3A = vector.extract %slice3A[0] : i32 from vector<1xi32>
        %add3A_310 = arith.addi %while3A_255, %squeeze3A : i32
        scf.yield %add3A_310 : i32
      }
      %while3A_112 = arith.constant 1 : i32
      %while3A_113 = scf.for %while3A_254 = %while3A_109 to %while3A_105 step %while3A_112 iter_args(%while3A_255 = %while3A_111) -> (i32)  : i32 {
        %mul3A_256 = arith.constant 16 : i32
        %mul3A_257 = arith.muli %while3A_254, %mul3A_256 : i32
        %get3A_258 = arith.index_cast %mul3A_257 : i32 to index
        %get3A_259 = tpu.vector_load %arg9[%get3A_258] {strides = array<i32>} : memref<4224xi32, #tpu.memory_space<vmem>>, vector<16xi32>,
        %and3A_260 = arith.constant 131071 : i32
        %and3A_261 = vector.broadcast %and3A_260 : i32 to vector<16xi32>
        %and3A_262 = arith.andi %get3A_259, %and3A_261 : vector<16xi32>
        %shift_right_logical3A_263 = arith.constant 17 : i32
        %shift_right_logical3A_264 = vector.broadcast %shift_right_logical3A_263 : i32 to vector<16xi32>
        %shift_right_logical3A_265 = arith.shrui %get3A_259, %shift_right_logical3A_264 : vector<16xi32>
        %mul3A_266 = arith.constant 16 : i32
        %mul3A_267 = arith.muli %while3A_254, %mul3A_266 : i32
        %add3A_268 = vector.broadcast %mul3A_267 : i32 to vector<16xi32>
        %add3A_269 = arith.addi %iota3A, %add3A_268 : vector<16xi32>
        %jit3A = arith.constant 1664 : i32
        %div3A = vector.broadcast %jit3A : i32 to vector<16xi32>
        %div3A_270 = arith.divsi %and3A_262, %div3A : vector<16xi32>
        %sign3A = arith.constant 0 : i32
        %sign3A_271 = vector.broadcast %sign3A : i32 to vector<16xi32>
        %sign3A_272 = arith.cmpi sgt, %and3A_262, %sign3A_271 : vector<16xi32>
        %sign3A_273 = arith.extui %sign3A_272 : vector<16xi1> to vector<16xi32>
        %sign3A_274 = arith.constant 0 : i32
        %sign3A_275 = vector.broadcast %sign3A_274 : i32 to vector<16xi32>
        %sign3A_276 = arith.cmpi slt, %and3A_262, %sign3A_275 : vector<16xi32>
        %sign3A_277 = arith.extui %sign3A_276 : vector<16xi1> to vector<16xi32>
        %sign3A_278 = arith.subi %sign3A_273, %sign3A_277 : vector<16xi32>
        %sign3A_279 = arith.constant 0 : i32
        %sign3A_280 = arith.cmpi sgt, %jit3A, %sign3A_279 : i32
        %sign3A_281 = arith.extui %sign3A_280 : i1 to i32
        %sign3A_282 = arith.constant 0 : i32
        %sign3A_283 = arith.cmpi slt, %jit3A, %sign3A_282 : i32
        %sign3A_284 = arith.extui %sign3A_283 : i1 to i32
        %sign3A_285 = arith.subi %sign3A_281, %sign3A_284 : i32
        %ne3A = vector.broadcast %sign3A_285 : i32 to vector<16xi32>
        %ne3A_286 = arith.cmpi ne, %sign3A_278, %ne3A : vector<16xi32>
        %rem3A = vector.broadcast %jit3A : i32 to vector<16xi32>
        %rem3A_287 = arith.remsi %and3A_262, %rem3A : vector<16xi32>
        %ne3A_288 = arith.constant 0 : i32
        %ne3A_289 = vector.broadcast %ne3A_288 : i32 to vector<16xi32>
        %ne3A_290 = arith.cmpi ne, %rem3A_287, %ne3A_289 : vector<16xi32>
        %and3A_291 = arith.andi %ne3A_286, %ne3A_290 : vector<16xi1>
        %sub3A = arith.constant 1 : i32
        %sub3A_292 = vector.broadcast %sub3A : i32 to vector<16xi32>
        %sub3A_293 = arith.subi %div3A_270, %sub3A_292 : vector<16xi32>
        %select_n3A = arith.select %and3A_291, %sub3A_293, %div3A_270 : vector<16xi1>, vector<16xi32>
        %shift_right_logical3A_294 = arith.constant 4 : i32
        %shift_right_logical3A_295 = vector.broadcast %shift_right_logical3A_294 : i32 to vector<16xi32>
        %shift_right_logical3A_296 = arith.shrui %select_n3A, %shift_right_logical3A_295 : vector<16xi32>
        %eq3A_297 = vector.broadcast %and3A_74 : i32 to vector<16xi32>
        %eq3A_298 = arith.cmpi eq, %shift_right_logical3A_296, %eq3A_297 : vector<16xi32>
        %lt3A_299 = vector.broadcast %get3A_98 : i32 to vector<16xi32>
        %lt3A_300 = arith.cmpi slt, %add3A_269, %lt3A_299 : vector<16xi32>
        %and3A_301 = arith.andi %eq3A_298, %lt3A_300 : vector<16xi1>
        %shift_left3A_302 = arith.constant 12 : i32
        %shift_left3A_303 = vector.broadcast %shift_left3A_302 : i32 to vector<16xi32>
        %shift_left3A_304 = arith.shli %shift_right_logical3A_265, %shift_left3A_303 : vector<16xi32>
        %sub3A_305 = vector.broadcast %mul3A_96 : i32 to vector<16xi32>
        %sub3A_306 = arith.subi %and3A_262, %sub3A_305 : vector<16xi32>
        %add3A_307 = arith.addi %shift_left3A_304, %sub3A_306 : vector<16xi32>
        %swap3A_308 = arith.index_cast %while3A_255 : i32 to index
        %swap3A_309 = tpu.vector_load %arg8[%swap3A_308] masked %and3A_301 {strides = array<i32>} : memref<4224xi32, #tpu.memory_space<vmem>>, vector<16xi32>, vector<16xi1>
        tpu.vector_store %arg8[%swap3A_308], %add3A_307 masked %and3A_301 {strides = array<i32>} : memref<4224xi32, #tpu.memory_space<vmem>>, vector<16xi32>, vector<16xi1>
        %all_reduce_population_count3A = tpu.all_reduce %and3A_301 {dim = 0 : i64, kind = #tpu.reduction_kind<sum>} : vector<16xi1> -> vector<16xi32>
        %slice3A = vector.extract_strided_slice %all_reduce_population_count3A {offsets = [0], sizes = [1], strides = [1]} : vector<16xi32> to vector<1xi32>
        %squeeze3A = vector.extract %slice3A[0] : i32 from vector<1xi32>
        %add3A_310 = arith.addi %while3A_255, %squeeze3A : i32
        scf.yield %add3A_310 : i32
      }
      %add3A_114 = arith.constant 0 : i32
      %add3A_115 = arith.addi %while3A_113, %add3A_114 : i32
      %add3A_116 = vector.broadcast %add3A_115 : i32 to vector<16xi32>
      %add3A_117 = arith.addi %add3A_116, %iota3A : vector<16xi32>
      %and3A_118 = arith.constant 63 : i32
      %and3A_119 = vector.broadcast %and3A_118 : i32 to vector<16xi32>
      %and3A_120 = arith.andi %add3A_117, %and3A_119 : vector<16xi32>
      %add3A_121 = arith.constant 4096 : i32
      %add3A_122 = vector.broadcast %add3A_121 : i32 to vector<16xi32>
      %add3A_123 = arith.addi %add3A_122, %and3A_120 : vector<16xi32>
      %shift_left3A = arith.constant 12 : i32
      %shift_left3A_124 = vector.broadcast %shift_left3A : i32 to vector<16xi32>
      %shift_left3A_125 = arith.shli %add3A_123, %shift_left3A_124 : vector<16xi32>
      %add3A_126 = arith.constant 0 : i32
      %add3A_127 = arith.addi %while3A_113, %add3A_126 : i32
      %swap3A = arith.index_cast %add3A_127 : i32 to index
      %swap3A_128 = tpu.vector_load %arg8[%swap3A] {strides = array<i32>} : memref<4224xi32, #tpu.memory_space<vmem>>, vector<16xi32>,
      tpu.vector_store %arg8[%swap3A], %shift_left3A_125 {strides = array<i32>} : memref<4224xi32, #tpu.memory_space<vmem>>, vector<16xi32>,
      %add3A_129 = arith.constant 16 : i32
      %add3A_130 = arith.addi %while3A_113, %add3A_129 : i32
      %add3A_131 = vector.broadcast %add3A_130 : i32 to vector<16xi32>
      %add3A_132 = arith.addi %add3A_131, %iota3A : vector<16xi32>
      %and3A_133 = arith.constant 63 : i32
      %and3A_134 = vector.broadcast %and3A_133 : i32 to vector<16xi32>
      %and3A_135 = arith.andi %add3A_132, %and3A_134 : vector<16xi32>
      %add3A_136 = arith.constant 4096 : i32
      %add3A_137 = vector.broadcast %add3A_136 : i32 to vector<16xi32>
      %add3A_138 = arith.addi %add3A_137, %and3A_135 : vector<16xi32>
      %shift_left3A_139 = arith.constant 12 : i32
      %shift_left3A_140 = vector.broadcast %shift_left3A_139 : i32 to vector<16xi32>
      %shift_left3A_141 = arith.shli %add3A_138, %shift_left3A_140 : vector<16xi32>
      %add3A_142 = arith.constant 16 : i32
      %add3A_143 = arith.addi %while3A_113, %add3A_142 : i32
      %swap3A_144 = arith.index_cast %add3A_143 : i32 to index
      %swap3A_145 = tpu.vector_load %arg8[%swap3A_144] {strides = array<i32>} : memref<4224xi32, #tpu.memory_space<vmem>>, vector<16xi32>,
      tpu.vector_store %arg8[%swap3A_144], %shift_left3A_141 {strides = array<i32>} : memref<4224xi32, #tpu.memory_space<vmem>>, vector<16xi32>,
      %add3A_146 = arith.constant 32 : i32
      %add3A_147 = arith.addi %while3A_113, %add3A_146 : i32
      %add3A_148 = vector.broadcast %add3A_147 : i32 to vector<16xi32>
      %add3A_149 = arith.addi %add3A_148, %iota3A : vector<16xi32>
      %and3A_150 = arith.constant 63 : i32
      %and3A_151 = vector.broadcast %and3A_150 : i32 to vector<16xi32>
      %and3A_152 = arith.andi %add3A_149, %and3A_151 : vector<16xi32>
      %add3A_153 = arith.constant 4096 : i32
      %add3A_154 = vector.broadcast %add3A_153 : i32 to vector<16xi32>
      %add3A_155 = arith.addi %add3A_154, %and3A_152 : vector<16xi32>
      %shift_left3A_156 = arith.constant 12 : i32
      %shift_left3A_157 = vector.broadcast %shift_left3A_156 : i32 to vector<16xi32>
      %shift_left3A_158 = arith.shli %add3A_155, %shift_left3A_157 : vector<16xi32>
      %add3A_159 = arith.constant 32 : i32
      %add3A_160 = arith.addi %while3A_113, %add3A_159 : i32
      %swap3A_161 = arith.index_cast %add3A_160 : i32 to index
      %swap3A_162 = tpu.vector_load %arg8[%swap3A_161] {strides = array<i32>} : memref<4224xi32, #tpu.memory_space<vmem>>, vector<16xi32>,
      tpu.vector_store %arg8[%swap3A_161], %shift_left3A_158 {strides = array<i32>} : memref<4224xi32, #tpu.memory_space<vmem>>, vector<16xi32>,
      %add3A_163 = arith.constant 48 : i32
      %add3A_164 = arith.addi %while3A_113, %add3A_163 : i32
      %add3A_165 = vector.broadcast %add3A_164 : i32 to vector<16xi32>
      %add3A_166 = arith.addi %add3A_165, %iota3A : vector<16xi32>
      %and3A_167 = arith.constant 63 : i32
      %and3A_168 = vector.broadcast %and3A_167 : i32 to vector<16xi32>
      %and3A_169 = arith.andi %add3A_166, %and3A_168 : vector<16xi32>
      %add3A_170 = arith.constant 4096 : i32
      %add3A_171 = vector.broadcast %add3A_170 : i32 to vector<16xi32>
      %add3A_172 = arith.addi %add3A_171, %and3A_169 : vector<16xi32>
      %shift_left3A_173 = arith.constant 12 : i32
      %shift_left3A_174 = vector.broadcast %shift_left3A_173 : i32 to vector<16xi32>
      %shift_left3A_175 = arith.shli %add3A_172, %shift_left3A_174 : vector<16xi32>
      %add3A_176 = arith.constant 48 : i32
      %add3A_177 = arith.addi %while3A_113, %add3A_176 : i32
      %swap3A_178 = arith.index_cast %add3A_177 : i32 to index
      %swap3A_179 = tpu.vector_load %arg8[%swap3A_178] {strides = array<i32>} : memref<4224xi32, #tpu.memory_space<vmem>>, vector<16xi32>,
      tpu.vector_store %arg8[%swap3A_178], %shift_left3A_175 {strides = array<i32>} : memref<4224xi32, #tpu.memory_space<vmem>>, vector<16xi32>,
      %and3A_180 = arith.constant 3 : i32
      %and3A_181 = arith.andi %scan3A_65, %and3A_180 : i32
      %mul3A_182 = arith.constant 16 : i32
      %mul3A_183 = arith.muli %and3A_181, %mul3A_182 : i32
      %add3A_184 = arith.addi %mul3A_183, %arg1 : i32
      %and3A_185 = arith.constant 1 : i32
      %and3A_186 = arith.andi %scan3A_65, %and3A_185 : i32
      %lt3A_187 = arith.constant 60 : i32
      %lt3A_188 = arith.cmpi slt, %add3A_184, %lt3A_187 : i32
      %eq3A_189 = arith.constant 0 : i32
      %eq3A_190 = arith.cmpi eq, %and3A_186, %eq3A_189 : i32
      %and3A_191 = arith.andi %lt3A_188, %eq3A_190 : i1
      %convert_element_type3A_192 = arith.extui %and3A_191 : i1 to i32
      %cond3A_193 = arith.constant 0 : i32
      %cond3A_194 = arith.cmpi ne, %convert_element_type3A_192, %cond3A_193 : i32
      scf.if %cond3A_194 {
        %dma_wait3A = arith.constant 0 : i32
        %dma_wait3A_254 = arith.constant 0 : i32
        %dma_wait3A_255 = arith.constant 0 : i32
        %dma_wait3A_256 = tpu.memref_slice %arg6[%dma_wait3A, %dma_wait3A_254, %dma_wait3A_255] : memref<2x16x1664xf32, #tpu.memory_space<vmem>> -> memref<1x16x1664xf32, #tpu.memory_space<vmem>>
        %dma_wait3A_257 = tpu.memref_squeeze %dma_wait3A_256 : memref<1x16x1664xf32, #tpu.memory_space<vmem>> -> memref<16x1664xf32, #tpu.memory_space<vmem>>
        %dma_wait3A_258 = arith.constant 0 : i32
        %dma_wait3A_259 = arith.constant 0 : i32
        %dma_wait3A_260 = tpu.memref_slice %arg3[%dma_wait3A_258, %dma_wait3A_259] : memref<832x100000xf32, #tpu.memory_space<hbm>> -> memref<16x1664xf32, #tpu.memory_space<hbm>>
        %dma_wait3A_261 = arith.constant 0 : i32
        %dma_wait3A_262 = arith.constant 0 : i32
        %dma_wait3A_263 = tpu.memref_slice %arg6[%dma_wait3A, %dma_wait3A_261, %dma_wait3A_262] : memref<2x16x1664xf32, #tpu.memory_space<vmem>> -> memref<1x16x1664xf32, #tpu.memory_space<vmem>>
        %dma_wait3A_264 = tpu.memref_squeeze %dma_wait3A_263 : memref<1x16x1664xf32, #tpu.memory_space<vmem>> -> memref<16x1664xf32, #tpu.memory_space<vmem>>
        %dma_wait3A_265 = arith.constant 0 : i32
        %dma_wait3A_266 = arith.constant 0 : i32
        %dma_wait3A_267 = tpu.memref_slice %arg3[%dma_wait3A_265, %dma_wait3A_266] : memref<832x100000xf32, #tpu.memory_space<hbm>> -> memref<16x1664xf32, #tpu.memory_space<hbm>>
        tpu.wait_dma2 semaphore(%arg17 : memref<!tpu.dma_semaphore, #tpu.memory_space<semaphore_mem>>) src(%dma_wait3A_267 : memref<16x1664xf32, #tpu.memory_space<hbm>>) dst(%dma_wait3A_264 : memref<16x1664xf32, #tpu.memory_space<vmem>>)
      } else {
      }
      %lt3A_195 = arith.constant 60 : i32
      %lt3A_196 = arith.cmpi slt, %add3A_184, %lt3A_195 : i32
      %eq3A_197 = arith.constant 1 : i32
      %eq3A_198 = arith.cmpi eq, %and3A_186, %eq3A_197 : i32
      %and3A_199 = arith.andi %lt3A_196, %eq3A_198 : i1
      %convert_element_type3A_200 = arith.extui %and3A_199 : i1 to i32
      %cond3A_201 = arith.constant 0 : i32
      %cond3A_202 = arith.cmpi ne, %convert_element_type3A_200, %cond3A_201 : i32
      scf.if %cond3A_202 {
        %dma_wait3A = arith.constant 1 : i32
        %dma_wait3A_254 = arith.constant 0 : i32
        %dma_wait3A_255 = arith.constant 0 : i32
        %dma_wait3A_256 = tpu.memref_slice %arg6[%dma_wait3A, %dma_wait3A_254, %dma_wait3A_255] : memref<2x16x1664xf32, #tpu.memory_space<vmem>> -> memref<1x16x1664xf32, #tpu.memory_space<vmem>>
        %dma_wait3A_257 = tpu.memref_squeeze %dma_wait3A_256 : memref<1x16x1664xf32, #tpu.memory_space<vmem>> -> memref<16x1664xf32, #tpu.memory_space<vmem>>
        %dma_wait3A_258 = arith.constant 0 : i32
        %dma_wait3A_259 = arith.constant 0 : i32
        %dma_wait3A_260 = tpu.memref_slice %arg3[%dma_wait3A_258, %dma_wait3A_259] : memref<832x100000xf32, #tpu.memory_space<hbm>> -> memref<16x1664xf32, #tpu.memory_space<hbm>>
        %dma_wait3A_261 = arith.constant 0 : i32
        %dma_wait3A_262 = arith.constant 0 : i32
        %dma_wait3A_263 = tpu.memref_slice %arg6[%dma_wait3A, %dma_wait3A_261, %dma_wait3A_262] : memref<2x16x1664xf32, #tpu.memory_space<vmem>> -> memref<1x16x1664xf32, #tpu.memory_space<vmem>>
        %dma_wait3A_264 = tpu.memref_squeeze %dma_wait3A_263 : memref<1x16x1664xf32, #tpu.memory_space<vmem>> -> memref<16x1664xf32, #tpu.memory_space<vmem>>
        %dma_wait3A_265 = arith.constant 0 : i32
        %dma_wait3A_266 = arith.constant 0 : i32
        %dma_wait3A_267 = tpu.memref_slice %arg3[%dma_wait3A_265, %dma_wait3A_266] : memref<832x100000xf32, #tpu.memory_space<hbm>> -> memref<16x1664xf32, #tpu.memory_space<hbm>>
        tpu.wait_dma2 semaphore(%arg18 : memref<!tpu.dma_semaphore, #tpu.memory_space<semaphore_mem>>) src(%dma_wait3A_267 : memref<16x1664xf32, #tpu.memory_space<hbm>>) dst(%dma_wait3A_264 : memref<16x1664xf32, #tpu.memory_space<vmem>>)
      } else {
      }
      %eq3A_203 = arith.constant 60 : i32
      %eq3A_204 = arith.cmpi eq, %add3A_184, %eq3A_203 : i32
      %eq3A_205 = arith.constant 0 : i32
      %eq3A_206 = arith.cmpi eq, %and3A_186, %eq3A_205 : i32
      %and3A_207 = arith.andi %eq3A_204, %eq3A_206 : i1
      %convert_element_type3A_208 = arith.extui %and3A_207 : i1 to i32
      %cond3A_209 = arith.constant 0 : i32
      %cond3A_210 = arith.cmpi ne, %convert_element_type3A_208, %cond3A_209 : i32
      scf.if %cond3A_210 {
        %dma_wait3A = arith.constant 0 : i32
        %dma_wait3A_254 = arith.constant 0 : i32
        %dma_wait3A_255 = arith.constant 0 : i32
        %dma_wait3A_256 = tpu.memref_slice %arg6[%dma_wait3A, %dma_wait3A_254, %dma_wait3A_255] : memref<2x16x1664xf32, #tpu.memory_space<vmem>> -> memref<1x16x128xf32, #tpu.memory_space<vmem>>
        %dma_wait3A_257 = tpu.memref_squeeze %dma_wait3A_256 : memref<1x16x128xf32, #tpu.memory_space<vmem>> -> memref<16x128xf32, #tpu.memory_space<vmem>>
        %dma_wait3A_258 = arith.constant 0 : i32
        %dma_wait3A_259 = arith.constant 0 : i32
        %dma_wait3A_260 = tpu.memref_slice %arg3[%dma_wait3A_258, %dma_wait3A_259] : memref<832x100000xf32, #tpu.memory_space<hbm>> -> memref<16x128xf32, #tpu.memory_space<hbm>>
        %dma_wait3A_261 = arith.constant 0 : i32
        %dma_wait3A_262 = arith.constant 0 : i32
        %dma_wait3A_263 = tpu.memref_slice %arg6[%dma_wait3A, %dma_wait3A_261, %dma_wait3A_262] : memref<2x16x1664xf32, #tpu.memory_space<vmem>> -> memref<1x16x128xf32, #tpu.memory_space<vmem>>
        %dma_wait3A_264 = tpu.memref_squeeze %dma_wait3A_263 : memref<1x16x128xf32, #tpu.memory_space<vmem>> -> memref<16x128xf32, #tpu.memory_space<vmem>>
        %dma_wait3A_265 = arith.constant 0 : i32
        %dma_wait3A_266 = arith.constant 0 : i32
        %dma_wait3A_267 = tpu.memref_slice %arg3[%dma_wait3A_265, %dma_wait3A_266] : memref<832x100000xf32, #tpu.memory_space<hbm>> -> memref<16x128xf32, #tpu.memory_space<hbm>>
        tpu.wait_dma2 semaphore(%arg17 : memref<!tpu.dma_semaphore, #tpu.memory_space<semaphore_mem>>) src(%dma_wait3A_267 : memref<16x128xf32, #tpu.memory_space<hbm>>) dst(%dma_wait3A_264 : memref<16x128xf32, #tpu.memory_space<vmem>>)
        %dma_wait3A_268 = arith.constant 0 : i32
        %dma_wait3A_269 = arith.constant 0 : i32
        %dma_wait3A_270 = arith.constant 128 : i32
        %dma_wait3A_271 = tpu.memref_slice %arg6[%dma_wait3A_268, %dma_wait3A_269, %dma_wait3A_270] : memref<2x16x1664xf32, #tpu.memory_space<vmem>> -> memref<1x16x128xf32, #tpu.memory_space<vmem>>
        %dma_wait3A_272 = tpu.memref_squeeze %dma_wait3A_271 : memref<1x16x128xf32, #tpu.memory_space<vmem>> -> memref<16x128xf32, #tpu.memory_space<vmem>>
        %dma_wait3A_273 = arith.constant 0 : i32
        %dma_wait3A_274 = arith.constant 0 : i32
        %dma_wait3A_275 = tpu.memref_slice %arg4[%dma_wait3A_273, %dma_wait3A_274] : memref<832x128xf32, #tpu.memory_space<hbm>> -> memref<16x128xf32, #tpu.memory_space<hbm>>
        %dma_wait3A_276 = arith.constant 0 : i32
        %dma_wait3A_277 = arith.constant 128 : i32
        %dma_wait3A_278 = tpu.memref_slice %arg6[%dma_wait3A_268, %dma_wait3A_276, %dma_wait3A_277] : memref<2x16x1664xf32, #tpu.memory_space<vmem>> -> memref<1x16x128xf32, #tpu.memory_space<vmem>>
        %dma_wait3A_279 = tpu.memref_squeeze %dma_wait3A_278 : memref<1x16x128xf32, #tpu.memory_space<vmem>> -> memref<16x128xf32, #tpu.memory_space<vmem>>
        %dma_wait3A_280 = arith.constant 0 : i32
        %dma_wait3A_281 = arith.constant 0 : i32
        %dma_wait3A_282 = tpu.memref_slice %arg4[%dma_wait3A_280, %dma_wait3A_281] : memref<832x128xf32, #tpu.memory_space<hbm>> -> memref<16x128xf32, #tpu.memory_space<hbm>>
        tpu.wait_dma2 semaphore(%arg17 : memref<!tpu.dma_semaphore, #tpu.memory_space<semaphore_mem>>) src(%dma_wait3A_282 : memref<16x128xf32, #tpu.memory_space<hbm>>) dst(%dma_wait3A_279 : memref<16x128xf32, #tpu.memory_space<vmem>>)
      } else {
      }
      %eq3A_211 = arith.constant 60 : i32
      %eq3A_212 = arith.cmpi eq, %add3A_184, %eq3A_211 : i32
      %eq3A_213 = arith.constant 1 : i32
      %eq3A_214 = arith.cmpi eq, %and3A_186, %eq3A_213 : i32
      %and3A_215 = arith.andi %eq3A_212, %eq3A_214 : i1
      %convert_element_type3A_216 = arith.extui %and3A_215 : i1 to i32
      %cond3A_217 = arith.constant 0 : i32
      %cond3A_218 = arith.cmpi ne, %convert_element_type3A_216, %cond3A_217 : i32
      scf.if %cond3A_218 {
        %dma_wait3A = arith.constant 1 : i32
        %dma_wait3A_254 = arith.constant 0 : i32
        %dma_wait3A_255 = arith.constant 0 : i32
        %dma_wait3A_256 = tpu.memref_slice %arg6[%dma_wait3A, %dma_wait3A_254, %dma_wait3A_255] : memref<2x16x1664xf32, #tpu.memory_space<vmem>> -> memref<1x16x128xf32, #tpu.memory_space<vmem>>
        %dma_wait3A_257 = tpu.memref_squeeze %dma_wait3A_256 : memref<1x16x128xf32, #tpu.memory_space<vmem>> -> memref<16x128xf32, #tpu.memory_space<vmem>>
        %dma_wait3A_258 = arith.constant 0 : i32
        %dma_wait3A_259 = arith.constant 0 : i32
        %dma_wait3A_260 = tpu.memref_slice %arg3[%dma_wait3A_258, %dma_wait3A_259] : memref<832x100000xf32, #tpu.memory_space<hbm>> -> memref<16x128xf32, #tpu.memory_space<hbm>>
        %dma_wait3A_261 = arith.constant 0 : i32
        %dma_wait3A_262 = arith.constant 0 : i32
        %dma_wait3A_263 = tpu.memref_slice %arg6[%dma_wait3A, %dma_wait3A_261, %dma_wait3A_262] : memref<2x16x1664xf32, #tpu.memory_space<vmem>> -> memref<1x16x128xf32, #tpu.memory_space<vmem>>
        %dma_wait3A_264 = tpu.memref_squeeze %dma_wait3A_263 : memref<1x16x128xf32, #tpu.memory_space<vmem>> -> memref<16x128xf32, #tpu.memory_space<vmem>>
        %dma_wait3A_265 = arith.constant 0 : i32
        %dma_wait3A_266 = arith.constant 0 : i32
        %dma_wait3A_267 = tpu.memref_slice %arg3[%dma_wait3A_265, %dma_wait3A_266] : memref<832x100000xf32, #tpu.memory_space<hbm>> -> memref<16x128xf32, #tpu.memory_space<hbm>>
        tpu.wait_dma2 semaphore(%arg18 : memref<!tpu.dma_semaphore, #tpu.memory_space<semaphore_mem>>) src(%dma_wait3A_267 : memref<16x128xf32, #tpu.memory_space<hbm>>) dst(%dma_wait3A_264 : memref<16x128xf32, #tpu.memory_space<vmem>>)
        %dma_wait3A_268 = arith.constant 1 : i32
        %dma_wait3A_269 = arith.constant 0 : i32
        %dma_wait3A_270 = arith.constant 128 : i32
        %dma_wait3A_271 = tpu.memref_slice %arg6[%dma_wait3A_268, %dma_wait3A_269, %dma_wait3A_270] : memref<2x16x1664xf32, #tpu.memory_space<vmem>> -> memref<1x16x128xf32, #tpu.memory_space<vmem>>
        %dma_wait3A_272 = tpu.memref_squeeze %dma_wait3A_271 : memref<1x16x128xf32, #tpu.memory_space<vmem>> -> memref<16x128xf32, #tpu.memory_space<vmem>>
        %dma_wait3A_273 = arith.constant 0 : i32
        %dma_wait3A_274 = arith.constant 0 : i32
        %dma_wait3A_275 = tpu.memref_slice %arg4[%dma_wait3A_273, %dma_wait3A_274] : memref<832x128xf32, #tpu.memory_space<hbm>> -> memref<16x128xf32, #tpu.memory_space<hbm>>
        %dma_wait3A_276 = arith.constant 0 : i32
        %dma_wait3A_277 = arith.constant 128 : i32
        %dma_wait3A_278 = tpu.memref_slice %arg6[%dma_wait3A_268, %dma_wait3A_276, %dma_wait3A_277] : memref<2x16x1664xf32, #tpu.memory_space<vmem>> -> memref<1x16x128xf32, #tpu.memory_space<vmem>>
        %dma_wait3A_279 = tpu.memref_squeeze %dma_wait3A_278 : memref<1x16x128xf32, #tpu.memory_space<vmem>> -> memref<16x128xf32, #tpu.memory_space<vmem>>
        %dma_wait3A_280 = arith.constant 0 : i32
        %dma_wait3A_281 = arith.constant 0 : i32
        %dma_wait3A_282 = tpu.memref_slice %arg4[%dma_wait3A_280, %dma_wait3A_281] : memref<832x128xf32, #tpu.memory_space<hbm>> -> memref<16x128xf32, #tpu.memory_space<hbm>>
        tpu.wait_dma2 semaphore(%arg18 : memref<!tpu.dma_semaphore, #tpu.memory_space<semaphore_mem>>) src(%dma_wait3A_282 : memref<16x128xf32, #tpu.memory_space<hbm>>) dst(%dma_wait3A_279 : memref<16x128xf32, #tpu.memory_space<vmem>>)
      } else {
      }
      %add3A_219 = arith.constant 63 : i32
      %add3A_220 = arith.addi %while3A_113, %add3A_219 : i32
      %shift_right_logical3A_221 = arith.constant 6 : i32
      %shift_right_logical3A_222 = arith.shrui %add3A_220, %shift_right_logical3A_221 : i32
      %while3A_223 = arith.constant 0 : i32
      %while3A_224 = arith.constant 0 : i32
      %while3A_225 = arith.subi %shift_right_logical3A_222, %while3A_223 : i32
      %while3A_226 = arith.addi %while3A_223, %while3A_225 : i32
      %while3A_227 = arith.constant 1 : i32
      %while3A_228 = arith.divsi %while3A_225, %while3A_227 : i32
      %while3A_229 = arith.muli %while3A_228, %while3A_227 : i32
      %while3A_230 = arith.addi %while3A_223, %while3A_229 : i32
      %while3A_231 = arith.constant 1 : i32
      %while3A_232 = scf.for %while3A_254 = %while3A_223 to %while3A_230 step %while3A_231 iter_args(%while3A_255 = %while3A_224) -> (i32)  : i32 {
        %mul3A_256 = arith.constant 64 : i32
        %mul3A_257 = arith.muli %while3A_254, %mul3A_256 : i32
        %and3A_258 = arith.constant 1 : i32
        %and3A_259 = arith.andi %while3A_254, %and3A_258 : i32
        %gt3A = arith.constant 1 : i32
        %gt3A_260 = arith.cmpi sgt, %while3A_254, %gt3A : i32
        %convert_element_type3A_261 = arith.extui %gt3A_260 : i1 to i32
        %cond3A_262 = arith.constant 0 : i32
        %cond3A_263 = arith.cmpi ne, %convert_element_type3A_261, %cond3A_262 : i32
        scf.if %cond3A_263 {
          %dma_wait3A = arith.constant 0 : i32
          %dma_wait3A_288 = arith.constant 0 : i32
          %dma_wait3A_289 = arith.constant 0 : i32
          %dma_wait3A_290 = tpu.memref_slice %arg12[%dma_wait3A, %dma_wait3A_288, %dma_wait3A_289] : memref<2x64x128xf32, #tpu.memory_space<vmem>> -> memref<1x64x128xf32, #tpu.memory_space<vmem>>
          %dma_wait3A_291 = tpu.memref_squeeze %dma_wait3A_290 : memref<1x64x128xf32, #tpu.memory_space<vmem>> -> memref<64x128xf32, #tpu.memory_space<vmem>>
          %dma_wait3A_292 = arith.constant 0 : i32
          %dma_wait3A_293 = arith.constant 0 : i32
          %dma_wait3A_294 = tpu.memref_slice %arg3[%dma_wait3A_292, %dma_wait3A_293] : memref<832x100000xf32, #tpu.memory_space<hbm>> -> memref<64x128xf32, #tpu.memory_space<hbm>>
          %dma_wait3A_295 = arith.constant 0 : i32
          %dma_wait3A_296 = arith.constant 0 : i32
          %dma_wait3A_297 = tpu.memref_slice %arg12[%dma_wait3A, %dma_wait3A_295, %dma_wait3A_296] : memref<2x64x128xf32, #tpu.memory_space<vmem>> -> memref<1x64x128xf32, #tpu.memory_space<vmem>>
          %dma_wait3A_298 = tpu.memref_squeeze %dma_wait3A_297 : memref<1x64x128xf32, #tpu.memory_space<vmem>> -> memref<64x128xf32, #tpu.memory_space<vmem>>
          %dma_wait3A_299 = arith.constant 0 : i32
          %dma_wait3A_300 = arith.constant 0 : i32
          %dma_wait3A_301 = tpu.memref_slice %arg3[%dma_wait3A_299, %dma_wait3A_300] : memref<832x100000xf32, #tpu.memory_space<hbm>> -> memref<64x128xf32, #tpu.memory_space<hbm>>
          tpu.wait_dma2 semaphore(%arg20 : memref<!tpu.dma_semaphore, #tpu.memory_space<semaphore_mem>>) src(%dma_wait3A_301 : memref<64x128xf32, #tpu.memory_space<hbm>>) dst(%dma_wait3A_298 : memref<64x128xf32, #tpu.memory_space<vmem>>)
        } else {
        }
        %scan3A_264 = arith.constant 0 : i32
        %scan3A_265 = arith.constant 0 : i32
        %scan3A_266 = arith.constant 4 : i32
        %scan3A_267 = arith.addi %scan3A_265, %scan3A_266 : i32
        %scan3A_268 = arith.constant 1 : i32
        %scan3A_269 = scf.for %scan3A_288 = %scan3A_265 to %scan3A_267 step %scan3A_268 iter_args(%scan3A_289 = %scan3A_264) -> (i32)  : i32 {
          %mul3A_290 = arith.constant 16 : i32
          %mul3A_291 = arith.muli %scan3A_288, %mul3A_290 : i32
          %add3A_292 = arith.addi %mul3A_257, %mul3A_291 : i32
          %get3A_293 = arith.index_cast %add3A_292 : i32 to index
          %get3A_294 = tpu.vector_load %arg8[%get3A_293] {strides = array<i32>} : memref<4224xi32, #tpu.memory_space<vmem>>, vector<16xi32>,
          %shift_right_logical3A_295 = arith.constant 12 : i32
          %shift_right_logical3A_296 = vector.broadcast %shift_right_logical3A_295 : i32 to vector<16xi32>
          %shift_right_logical3A_297 = arith.shrui %get3A_294, %shift_right_logical3A_296 : vector<16xi32>
          %mul3A_298 = arith.constant 16 : i32
          %mul3A_299 = arith.muli %scan3A_288, %mul3A_298 : i32
          %swap3A_300 = arith.index_cast %and3A_259 : i32 to index
          %swap3A_301 = arith.index_cast %mul3A_299 : i32 to index
          %swap3A_302 = tpu.vector_load %arg11[%swap3A_300, %swap3A_301] {strides = array<i32>} : memref<2x64xi32, #tpu.memory_space<vmem>>, vector<16xi32>,
          tpu.vector_store %arg11[%swap3A_300, %swap3A_301], %shift_right_logical3A_297 {strides = array<i32>} : memref<2x64xi32, #tpu.memory_space<vmem>>, vector<16xi32>,
          %scan3A_303 = arith.constant 0 : i32
          scf.yield %scan3A_303 : i32
        }
        %scan3A_270 = arith.constant 4 : i32
        %scan3A_271 = arith.constant 0 : i32
        %scan3A_272 = arith.constant 0 : i32
        %scan3A_273 = arith.constant 4 : i32
        %scan3A_274 = arith.addi %scan3A_272, %scan3A_273 : i32
        %scan3A_275 = arith.constant 1 : i32
        %scan3A_276 = scf.for %scan3A_288 = %scan3A_272 to %scan3A_274 step %scan3A_275 iter_args(%scan3A_289 = %scan3A_271) -> (i32)  : i32 {
          %mul3A_290 = arith.constant 16 : i32
          %mul3A_291 = arith.muli %scan3A_288, %mul3A_290 : i32
          %add3A_292 = arith.addi %mul3A_257, %mul3A_291 : i32
          %get3A_293 = arith.index_cast %add3A_292 : i32 to index
          %get3A_294 = tpu.vector_load %arg8[%get3A_293] {strides = array<i32>} : memref<4224xi32, #tpu.memory_space<vmem>>, vector<16xi32>,
          %and3A_295 = arith.constant 4095 : i32
          %and3A_296 = vector.broadcast %and3A_295 : i32 to vector<16xi32>
          %and3A_297 = arith.andi %get3A_294, %and3A_296 : vector<16xi32>
          %min3A_298 = arith.constant 1663 : i32
          %min3A_299 = vector.broadcast %min3A_298 : i32 to vector<16xi32>
          %min3A_300 = arith.minsi %and3A_297, %min3A_299 : vector<16xi32>
          %slice3A = vector.extract_strided_slice %min3A_300 {offsets = [0], sizes = [1], strides = [1]} : vector<16xi32> to vector<1xi32>
          %squeeze3A = vector.extract %slice3A[0] : i32 from vector<1xi32>
          %broadcast_in_dim3A = vector.broadcast %squeeze3A : i32 to vector<16xi32>
          %gather3A = arith.constant 0 : i32
          %gather3A_301 = arith.constant 0 : i32
          %gather3A_302 = tpu.memref_slice %arg6[%and3A_79, %gather3A, %gather3A_301] : memref<2x16x1664xf32, #tpu.memory_space<vmem>> -> memref<1x16x1664xf32, #tpu.memory_space<vmem>>
          %gather3A_303 = tpu.memref_squeeze %gather3A_302 : memref<1x16x1664xf32, #tpu.memory_space<vmem>> -> memref<16x1664xf32, #tpu.memory_space<vmem>>
          %gather3A_304 = tpu.vector_load_idx %gather3A_303[%iota3A, %broadcast_in_dim3A] : memref<16x1664xf32, #tpu.memory_space<vmem>>[vector<16xi32>, vector<16xi32>], vector<16xf32>,
          %mul3A_305 = arith.constant 16 : i32
          %mul3A_306 = arith.muli %scan3A_288, %mul3A_305 : i32
          %add3A_307 = arith.constant 0 : i32
          %add3A_308 = arith.addi %mul3A_306, %add3A_307 : i32
          %swap3A_309 = arith.index_cast %and3A_259 : i32 to index
          %swap3A_310 = arith.index_cast %add3A_308 : i32 to index
          %swap3A_311 = arith.constant 0 : index
          %swap3A_312 = tpu.vector_load %arg12[%swap3A_309, %swap3A_310, %swap3A_311] {strides = array<i32>} : memref<2x64x128xf32, #tpu.memory_space<vmem>>, vector<16xf32>,
          tpu.vector_store %arg12[%swap3A_309, %swap3A_310, %swap3A_311], %gather3A_304 {strides = array<i32>} : memref<2x64x128xf32, #tpu.memory_space<vmem>>, vector<16xf32>,
          %slice3A_313 = vector.extract_strided_slice %min3A_300 {offsets = [1], sizes = [1], strides = [1]} : vector<16xi32> to vector<1xi32>
          %squeeze3A_314 = vector.extract %slice3A_313[0] : i32 from vector<1xi32>
          %broadcast_in_dim3A_315 = vector.broadcast %squeeze3A_314 : i32 to vector<16xi32>
          %gather3A_316 = arith.constant 0 : i32
          %gather3A_317 = arith.constant 0 : i32
          %gather3A_318 = tpu.memref_slice %arg6[%and3A_79, %gather3A_316, %gather3A_317] : memref<2x16x1664xf32, #tpu.memory_space<vmem>> -> memref<1x16x1664xf32, #tpu.memory_space<vmem>>
          %gather3A_319 = tpu.memref_squeeze %gather3A_318 : memref<1x16x1664xf32, #tpu.memory_space<vmem>> -> memref<16x1664xf32, #tpu.memory_space<vmem>>
          %gather3A_320 = tpu.vector_load_idx %gather3A_319[%iota3A, %broadcast_in_dim3A_315] : memref<16x1664xf32, #tpu.memory_space<vmem>>[vector<16xi32>, vector<16xi32>], vector<16xf32>,
          %mul3A_321 = arith.constant 16 : i32
          %mul3A_322 = arith.muli %scan3A_288, %mul3A_321 : i32
          %add3A_323 = arith.constant 1 : i32
          %add3A_324 = arith.addi %mul3A_322, %add3A_323 : i32
          %swap3A_325 = arith.index_cast %and3A_259 : i32 to index
          %swap3A_326 = arith.index_cast %add3A_324 : i32 to index
          %swap3A_327 = arith.constant 0 : index
          %swap3A_328 = tpu.vector_load %arg12[%swap3A_325, %swap3A_326, %swap3A_327] {strides = array<i32>} : memref<2x64x128xf32, #tpu.memory_space<vmem>>, vector<16xf32>,
          tpu.vector_store %arg12[%swap3A_325, %swap3A_326, %swap3A_327], %gather3A_320 {strides = array<i32>} : memref<2x64x128xf32, #tpu.memory_space<vmem>>, vector<16xf32>,
          %slice3A_329 = vector.extract_strided_slice %min3A_300 {offsets = [2], sizes = [1], strides = [1]} : vector<16xi32> to vector<1xi32>
          %squeeze3A_330 = vector.extract %slice3A_329[0] : i32 from vector<1xi32>
          %broadcast_in_dim3A_331 = vector.broadcast %squeeze3A_330 : i32 to vector<16xi32>
          %gather3A_332 = arith.constant 0 : i32
          %gather3A_333 = arith.constant 0 : i32
          %gather3A_334 = tpu.memref_slice %arg6[%and3A_79, %gather3A_332, %gather3A_333] : memref<2x16x1664xf32, #tpu.memory_space<vmem>> -> memref<1x16x1664xf32, #tpu.memory_space<vmem>>
          %gather3A_335 = tpu.memref_squeeze %gather3A_334 : memref<1x16x1664xf32, #tpu.memory_space<vmem>> -> memref<16x1664xf32, #tpu.memory_space<vmem>>
          %gather3A_336 = tpu.vector_load_idx %gather3A_335[%iota3A, %broadcast_in_dim3A_331] : memref<16x1664xf32, #tpu.memory_space<vmem>>[vector<16xi32>, vector<16xi32>], vector<16xf32>,
          %mul3A_337 = arith.constant 16 : i32
          %mul3A_338 = arith.muli %scan3A_288, %mul3A_337 : i32
          %add3A_339 = arith.constant 2 : i32
          %add3A_340 = arith.addi %mul3A_338, %add3A_339 : i32
          %swap3A_341 = arith.index_cast %and3A_259 : i32 to index
          %swap3A_342 = arith.index_cast %add3A_340 : i32 to index
          %swap3A_343 = arith.constant 0 : index
          %swap3A_344 = tpu.vector_load %arg12[%swap3A_341, %swap3A_342, %swap3A_343] {strides = array<i32>} : memref<2x64x128xf32, #tpu.memory_space<vmem>>, vector<16xf32>,
          tpu.vector_store %arg12[%swap3A_341, %swap3A_342, %swap3A_343], %gather3A_336 {strides = array<i32>} : memref<2x64x128xf32, #tpu.memory_space<vmem>>, vector<16xf32>,
          %slice3A_345 = vector.extract_strided_slice %min3A_300 {offsets = [3], sizes = [1], strides = [1]} : vector<16xi32> to vector<1xi32>
          %squeeze3A_346 = vector.extract %slice3A_345[0] : i32 from vector<1xi32>
          %broadcast_in_dim3A_347 = vector.broadcast %squeeze3A_346 : i32 to vector<16xi32>
          %gather3A_348 = arith.constant 0 : i32
          %gather3A_349 = arith.constant 0 : i32
          %gather3A_350 = tpu.memref_slice %arg6[%and3A_79, %gather3A_348, %gather3A_349] : memref<2x16x1664xf32, #tpu.memory_space<vmem>> -> memref<1x16x1664xf32, #tpu.memory_space<vmem>>
          %gather3A_351 = tpu.memref_squeeze %gather3A_350 : memref<1x16x1664xf32, #tpu.memory_space<vmem>> -> memref<16x1664xf32, #tpu.memory_space<vmem>>
          %gather3A_352 = tpu.vector_load_idx %gather3A_351[%iota3A, %broadcast_in_dim3A_347] : memref<16x1664xf32, #tpu.memory_space<vmem>>[vector<16xi32>, vector<16xi32>], vector<16xf32>,
          %mul3A_353 = arith.constant 16 : i32
          %mul3A_354 = arith.muli %scan3A_288, %mul3A_353 : i32
          %add3A_355 = arith.constant 3 : i32
          %add3A_356 = arith.addi %mul3A_354, %add3A_355 : i32
          %swap3A_357 = arith.index_cast %and3A_259 : i32 to index
          %swap3A_358 = arith.index_cast %add3A_356 : i32 to index
          %swap3A_359 = arith.constant 0 : index
          %swap3A_360 = tpu.vector_load %arg12[%swap3A_357, %swap3A_358, %swap3A_359] {strides = array<i32>} : memref<2x64x128xf32, #tpu.memory_space<vmem>>, vector<16xf32>,
          tpu.vector_store %arg12[%swap3A_357, %swap3A_358, %swap3A_359], %gather3A_352 {strides = array<i32>} : memref<2x64x128xf32, #tpu.memory_space<vmem>>, vector<16xf32>,
          %slice3A_361 = vector.extract_strided_slice %min3A_300 {offsets = [4], sizes = [1], strides = [1]} : vector<16xi32> to vector<1xi32>
          %squeeze3A_362 = vector.extract %slice3A_361[0] : i32 from vector<1xi32>
          %broadcast_in_dim3A_363 = vector.broadcast %squeeze3A_362 : i32 to vector<16xi32>
          %gather3A_364 = arith.constant 0 : i32
          %gather3A_365 = arith.constant 0 : i32
          %gather3A_366 = tpu.memref_slice %arg6[%and3A_79, %gather3A_364, %gather3A_365] : memref<2x16x1664xf32, #tpu.memory_space<vmem>> -> memref<1x16x1664xf32, #tpu.memory_space<vmem>>
          %gather3A_367 = tpu.memref_squeeze %gather3A_366 : memref<1x16x1664xf32, #tpu.memory_space<vmem>> -> memref<16x1664xf32, #tpu.memory_space<vmem>>
          %gather3A_368 = tpu.vector_load_idx %gather3A_367[%iota3A, %broadcast_in_dim3A_363] : memref<16x1664xf32, #tpu.memory_space<vmem>>[vector<16xi32>, vector<16xi32>], vector<16xf32>,
          %mul3A_369 = arith.constant 16 : i32
          %mul3A_370 = arith.muli %scan3A_288, %mul3A_369 : i32
          %add3A_371 = arith.constant 4 : i32
          %add3A_372 = arith.addi %mul3A_370, %add3A_371 : i32
          %swap3A_373 = arith.index_cast %and3A_259 : i32 to index
          %swap3A_374 = arith.index_cast %add3A_372 : i32 to index
          %swap3A_375 = arith.constant 0 : index
          %swap3A_376 = tpu.vector_load %arg12[%swap3A_373, %swap3A_374, %swap3A_375] {strides = array<i32>} : memref<2x64x128xf32, #tpu.memory_space<vmem>>, vector<16xf32>,
          tpu.vector_store %arg12[%swap3A_373, %swap3A_374, %swap3A_375], %gather3A_368 {strides = array<i32>} : memref<2x64x128xf32, #tpu.memory_space<vmem>>, vector<16xf32>,
          %slice3A_377 = vector.extract_strided_slice %min3A_300 {offsets = [5], sizes = [1], strides = [1]} : vector<16xi32> to vector<1xi32>
          %squeeze3A_378 = vector.extract %slice3A_377[0] : i32 from vector<1xi32>
          %broadcast_in_dim3A_379 = vector.broadcast %squeeze3A_378 : i32 to vector<16xi32>
          %gather3A_380 = arith.constant 0 : i32
          %gather3A_381 = arith.constant 0 : i32
          %gather3A_382 = tpu.memref_slice %arg6[%and3A_79, %gather3A_380, %gather3A_381] : memref<2x16x1664xf32, #tpu.memory_space<vmem>> -> memref<1x16x1664xf32, #tpu.memory_space<vmem>>
          %gather3A_383 = tpu.memref_squeeze %gather3A_382 : memref<1x16x1664xf32, #tpu.memory_space<vmem>> -> memref<16x1664xf32, #tpu.memory_space<vmem>>
          %gather3A_384 = tpu.vector_load_idx %gather3A_383[%iota3A, %broadcast_in_dim3A_379] : memref<16x1664xf32, #tpu.memory_space<vmem>>[vector<16xi32>, vector<16xi32>], vector<16xf32>,
          %mul3A_385 = arith.constant 16 : i32
          %mul3A_386 = arith.muli %scan3A_288, %mul3A_385 : i32
          %add3A_387 = arith.constant 5 : i32
          %add3A_388 = arith.addi %mul3A_386, %add3A_387 : i32
          %swap3A_389 = arith.index_cast %and3A_259 : i32 to index
          %swap3A_390 = arith.index_cast %add3A_388 : i32 to index
          %swap3A_391 = arith.constant 0 : index
          %swap3A_392 = tpu.vector_load %arg12[%swap3A_389, %swap3A_390, %swap3A_391] {strides = array<i32>} : memref<2x64x128xf32, #tpu.memory_space<vmem>>, vector<16xf32>,
          tpu.vector_store %arg12[%swap3A_389, %swap3A_390, %swap3A_391], %gather3A_384 {strides = array<i32>} : memref<2x64x128xf32, #tpu.memory_space<vmem>>, vector<16xf32>,
          %slice3A_393 = vector.extract_strided_slice %min3A_300 {offsets = [6], sizes = [1], strides = [1]} : vector<16xi32> to vector<1xi32>
          %squeeze3A_394 = vector.extract %slice3A_393[0] : i32 from vector<1xi32>
          %broadcast_in_dim3A_395 = vector.broadcast %squeeze3A_394 : i32 to vector<16xi32>
          %gather3A_396 = arith.constant 0 : i32
          %gather3A_397 = arith.constant 0 : i32
          %gather3A_398 = tpu.memref_slice %arg6[%and3A_79, %gather3A_396, %gather3A_397] : memref<2x16x1664xf32, #tpu.memory_space<vmem>> -> memref<1x16x1664xf32, #tpu.memory_space<vmem>>
          %gather3A_399 = tpu.memref_squeeze %gather3A_398 : memref<1x16x1664xf32, #tpu.memory_space<vmem>> -> memref<16x1664xf32, #tpu.memory_space<vmem>>
          %gather3A_400 = tpu.vector_load_idx %gather3A_399[%iota3A, %broadcast_in_dim3A_395] : memref<16x1664xf32, #tpu.memory_space<vmem>>[vector<16xi32>, vector<16xi32>], vector<16xf32>,
          %mul3A_401 = arith.constant 16 : i32
          %mul3A_402 = arith.muli %scan3A_288, %mul3A_401 : i32
          %add3A_403 = arith.constant 6 : i32
          %add3A_404 = arith.addi %mul3A_402, %add3A_403 : i32
          %swap3A_405 = arith.index_cast %and3A_259 : i32 to index
          %swap3A_406 = arith.index_cast %add3A_404 : i32 to index
          %swap3A_407 = arith.constant 0 : index
          %swap3A_408 = tpu.vector_load %arg12[%swap3A_405, %swap3A_406, %swap3A_407] {strides = array<i32>} : memref<2x64x128xf32, #tpu.memory_space<vmem>>, vector<16xf32>,
          tpu.vector_store %arg12[%swap3A_405, %swap3A_406, %swap3A_407], %gather3A_400 {strides = array<i32>} : memref<2x64x128xf32, #tpu.memory_space<vmem>>, vector<16xf32>,
          %slice3A_409 = vector.extract_strided_slice %min3A_300 {offsets = [7], sizes = [1], strides = [1]} : vector<16xi32> to vector<1xi32>
          %squeeze3A_410 = vector.extract %slice3A_409[0] : i32 from vector<1xi32>
          %broadcast_in_dim3A_411 = vector.broadcast %squeeze3A_410 : i32 to vector<16xi32>
          %gather3A_412 = arith.constant 0 : i32
          %gather3A_413 = arith.constant 0 : i32
          %gather3A_414 = tpu.memref_slice %arg6[%and3A_79, %gather3A_412, %gather3A_413] : memref<2x16x1664xf32, #tpu.memory_space<vmem>> -> memref<1x16x1664xf32, #tpu.memory_space<vmem>>
          %gather3A_415 = tpu.memref_squeeze %gather3A_414 : memref<1x16x1664xf32, #tpu.memory_space<vmem>> -> memref<16x1664xf32, #tpu.memory_space<vmem>>
          %gather3A_416 = tpu.vector_load_idx %gather3A_415[%iota3A, %broadcast_in_dim3A_411] : memref<16x1664xf32, #tpu.memory_space<vmem>>[vector<16xi32>, vector<16xi32>], vector<16xf32>,
          %mul3A_417 = arith.constant 16 : i32
          %mul3A_418 = arith.muli %scan3A_288, %mul3A_417 : i32
          %add3A_419 = arith.constant 7 : i32
          %add3A_420 = arith.addi %mul3A_418, %add3A_419 : i32
          %swap3A_421 = arith.index_cast %and3A_259 : i32 to index
          %swap3A_422 = arith.index_cast %add3A_420 : i32 to index
          %swap3A_423 = arith.constant 0 : index
          %swap3A_424 = tpu.vector_load %arg12[%swap3A_421, %swap3A_422, %swap3A_423] {strides = array<i32>} : memref<2x64x128xf32, #tpu.memory_space<vmem>>, vector<16xf32>,
          tpu.vector_store %arg12[%swap3A_421, %swap3A_422, %swap3A_423], %gather3A_416 {strides = array<i32>} : memref<2x64x128xf32, #tpu.memory_space<vmem>>, vector<16xf32>,
          %slice3A_425 = vector.extract_strided_slice %min3A_300 {offsets = [8], sizes = [1], strides = [1]} : vector<16xi32> to vector<1xi32>
          %squeeze3A_426 = vector.extract %slice3A_425[0] : i32 from vector<1xi32>
          %broadcast_in_dim3A_427 = vector.broadcast %squeeze3A_426 : i32 to vector<16xi32>
          %gather3A_428 = arith.constant 0 : i32
          %gather3A_429 = arith.constant 0 : i32
          %gather3A_430 = tpu.memref_slice %arg6[%and3A_79, %gather3A_428, %gather3A_429] : memref<2x16x1664xf32, #tpu.memory_space<vmem>> -> memref<1x16x1664xf32, #tpu.memory_space<vmem>>
          %gather3A_431 = tpu.memref_squeeze %gather3A_430 : memref<1x16x1664xf32, #tpu.memory_space<vmem>> -> memref<16x1664xf32, #tpu.memory_space<vmem>>
          %gather3A_432 = tpu.vector_load_idx %gather3A_431[%iota3A, %broadcast_in_dim3A_427] : memref<16x1664xf32, #tpu.memory_space<vmem>>[vector<16xi32>, vector<16xi32>], vector<16xf32>,
          %mul3A_433 = arith.constant 16 : i32
          %mul3A_434 = arith.muli %scan3A_288, %mul3A_433 : i32
          %add3A_435 = arith.constant 8 : i32
          %add3A_436 = arith.addi %mul3A_434, %add3A_435 : i32
          %swap3A_437 = arith.index_cast %and3A_259 : i32 to index
          %swap3A_438 = arith.index_cast %add3A_436 : i32 to index
          %swap3A_439 = arith.constant 0 : index
          %swap3A_440 = tpu.vector_load %arg12[%swap3A_437, %swap3A_438, %swap3A_439] {strides = array<i32>} : memref<2x64x128xf32, #tpu.memory_space<vmem>>, vector<16xf32>,
          tpu.vector_store %arg12[%swap3A_437, %swap3A_438, %swap3A_439], %gather3A_432 {strides = array<i32>} : memref<2x64x128xf32, #tpu.memory_space<vmem>>, vector<16xf32>,
          %slice3A_441 = vector.extract_strided_slice %min3A_300 {offsets = [9], sizes = [1], strides = [1]} : vector<16xi32> to vector<1xi32>
          %squeeze3A_442 = vector.extract %slice3A_441[0] : i32 from vector<1xi32>
          %broadcast_in_dim3A_443 = vector.broadcast %squeeze3A_442 : i32 to vector<16xi32>
          %gather3A_444 = arith.constant 0 : i32
          %gather3A_445 = arith.constant 0 : i32
          %gather3A_446 = tpu.memref_slice %arg6[%and3A_79, %gather3A_444, %gather3A_445] : memref<2x16x1664xf32, #tpu.memory_space<vmem>> -> memref<1x16x1664xf32, #tpu.memory_space<vmem>>
          %gather3A_447 = tpu.memref_squeeze %gather3A_446 : memref<1x16x1664xf32, #tpu.memory_space<vmem>> -> memref<16x1664xf32, #tpu.memory_space<vmem>>
          %gather3A_448 = tpu.vector_load_idx %gather3A_447[%iota3A, %broadcast_in_dim3A_443] : memref<16x1664xf32, #tpu.memory_space<vmem>>[vector<16xi32>, vector<16xi32>], vector<16xf32>,
          %mul3A_449 = arith.constant 16 : i32
          %mul3A_450 = arith.muli %scan3A_288, %mul3A_449 : i32
          %add3A_451 = arith.constant 9 : i32
          %add3A_452 = arith.addi %mul3A_450, %add3A_451 : i32
          %swap3A_453 = arith.index_cast %and3A_259 : i32 to index
          %swap3A_454 = arith.index_cast %add3A_452 : i32 to index
          %swap3A_455 = arith.constant 0 : index
          %swap3A_456 = tpu.vector_load %arg12[%swap3A_453, %swap3A_454, %swap3A_455] {strides = array<i32>} : memref<2x64x128xf32, #tpu.memory_space<vmem>>, vector<16xf32>,
          tpu.vector_store %arg12[%swap3A_453, %swap3A_454, %swap3A_455], %gather3A_448 {strides = array<i32>} : memref<2x64x128xf32, #tpu.memory_space<vmem>>, vector<16xf32>,
          %slice3A_457 = vector.extract_strided_slice %min3A_300 {offsets = [10], sizes = [1], strides = [1]} : vector<16xi32> to vector<1xi32>
          %squeeze3A_458 = vector.extract %slice3A_457[0] : i32 from vector<1xi32>
          %broadcast_in_dim3A_459 = vector.broadcast %squeeze3A_458 : i32 to vector<16xi32>
          %gather3A_460 = arith.constant 0 : i32
          %gather3A_461 = arith.constant 0 : i32
          %gather3A_462 = tpu.memref_slice %arg6[%and3A_79, %gather3A_460, %gather3A_461] : memref<2x16x1664xf32, #tpu.memory_space<vmem>> -> memref<1x16x1664xf32, #tpu.memory_space<vmem>>
          %gather3A_463 = tpu.memref_squeeze %gather3A_462 : memref<1x16x1664xf32, #tpu.memory_space<vmem>> -> memref<16x1664xf32, #tpu.memory_space<vmem>>
          %gather3A_464 = tpu.vector_load_idx %gather3A_463[%iota3A, %broadcast_in_dim3A_459] : memref<16x1664xf32, #tpu.memory_space<vmem>>[vector<16xi32>, vector<16xi32>], vector<16xf32>,
          %mul3A_465 = arith.constant 16 : i32
          %mul3A_466 = arith.muli %scan3A_288, %mul3A_465 : i32
          %add3A_467 = arith.constant 10 : i32
          %add3A_468 = arith.addi %mul3A_466, %add3A_467 : i32
          %swap3A_469 = arith.index_cast %and3A_259 : i32 to index
          %swap3A_470 = arith.index_cast %add3A_468 : i32 to index
          %swap3A_471 = arith.constant 0 : index
          %swap3A_472 = tpu.vector_load %arg12[%swap3A_469, %swap3A_470, %swap3A_471] {strides = array<i32>} : memref<2x64x128xf32, #tpu.memory_space<vmem>>, vector<16xf32>,
          tpu.vector_store %arg12[%swap3A_469, %swap3A_470, %swap3A_471], %gather3A_464 {strides = array<i32>} : memref<2x64x128xf32, #tpu.memory_space<vmem>>, vector<16xf32>,
          %slice3A_473 = vector.extract_strided_slice %min3A_300 {offsets = [11], sizes = [1], strides = [1]} : vector<16xi32> to vector<1xi32>
          %squeeze3A_474 = vector.extract %slice3A_473[0] : i32 from vector<1xi32>
          %broadcast_in_dim3A_475 = vector.broadcast %squeeze3A_474 : i32 to vector<16xi32>
          %gather3A_476 = arith.constant 0 : i32
          %gather3A_477 = arith.constant 0 : i32
          %gather3A_478 = tpu.memref_slice %arg6[%and3A_79, %gather3A_476, %gather3A_477] : memref<2x16x1664xf32, #tpu.memory_space<vmem>> -> memref<1x16x1664xf32, #tpu.memory_space<vmem>>
          %gather3A_479 = tpu.memref_squeeze %gather3A_478 : memref<1x16x1664xf32, #tpu.memory_space<vmem>> -> memref<16x1664xf32, #tpu.memory_space<vmem>>
          %gather3A_480 = tpu.vector_load_idx %gather3A_479[%iota3A, %broadcast_in_dim3A_475] : memref<16x1664xf32, #tpu.memory_space<vmem>>[vector<16xi32>, vector<16xi32>], vector<16xf32>,
          %mul3A_481 = arith.constant 16 : i32
          %mul3A_482 = arith.muli %scan3A_288, %mul3A_481 : i32
          %add3A_483 = arith.constant 11 : i32
          %add3A_484 = arith.addi %mul3A_482, %add3A_483 : i32
          %swap3A_485 = arith.index_cast %and3A_259 : i32 to index
          %swap3A_486 = arith.index_cast %add3A_484 : i32 to index
          %swap3A_487 = arith.constant 0 : index
          %swap3A_488 = tpu.vector_load %arg12[%swap3A_485, %swap3A_486, %swap3A_487] {strides = array<i32>} : memref<2x64x128xf32, #tpu.memory_space<vmem>>, vector<16xf32>,
          tpu.vector_store %arg12[%swap3A_485, %swap3A_486, %swap3A_487], %gather3A_480 {strides = array<i32>} : memref<2x64x128xf32, #tpu.memory_space<vmem>>, vector<16xf32>,
          %slice3A_489 = vector.extract_strided_slice %min3A_300 {offsets = [12], sizes = [1], strides = [1]} : vector<16xi32> to vector<1xi32>
          %squeeze3A_490 = vector.extract %slice3A_489[0] : i32 from vector<1xi32>
          %broadcast_in_dim3A_491 = vector.broadcast %squeeze3A_490 : i32 to vector<16xi32>
          %gather3A_492 = arith.constant 0 : i32
          %gather3A_493 = arith.constant 0 : i32
          %gather3A_494 = tpu.memref_slice %arg6[%and3A_79, %gather3A_492, %gather3A_493] : memref<2x16x1664xf32, #tpu.memory_space<vmem>> -> memref<1x16x1664xf32, #tpu.memory_space<vmem>>
          %gather3A_495 = tpu.memref_squeeze %gather3A_494 : memref<1x16x1664xf32, #tpu.memory_space<vmem>> -> memref<16x1664xf32, #tpu.memory_space<vmem>>
          %gather3A_496 = tpu.vector_load_idx %gather3A_495[%iota3A, %broadcast_in_dim3A_491] : memref<16x1664xf32, #tpu.memory_space<vmem>>[vector<16xi32>, vector<16xi32>], vector<16xf32>,
          %mul3A_497 = arith.constant 16 : i32
          %mul3A_498 = arith.muli %scan3A_288, %mul3A_497 : i32
          %add3A_499 = arith.constant 12 : i32
          %add3A_500 = arith.addi %mul3A_498, %add3A_499 : i32
          %swap3A_501 = arith.index_cast %and3A_259 : i32 to index
          %swap3A_502 = arith.index_cast %add3A_500 : i32 to index
          %swap3A_503 = arith.constant 0 : index
          %swap3A_504 = tpu.vector_load %arg12[%swap3A_501, %swap3A_502, %swap3A_503] {strides = array<i32>} : memref<2x64x128xf32, #tpu.memory_space<vmem>>, vector<16xf32>,
          tpu.vector_store %arg12[%swap3A_501, %swap3A_502, %swap3A_503], %gather3A_496 {strides = array<i32>} : memref<2x64x128xf32, #tpu.memory_space<vmem>>, vector<16xf32>,
          %slice3A_505 = vector.extract_strided_slice %min3A_300 {offsets = [13], sizes = [1], strides = [1]} : vector<16xi32> to vector<1xi32>
          %squeeze3A_506 = vector.extract %slice3A_505[0] : i32 from vector<1xi32>
          %broadcast_in_dim3A_507 = vector.broadcast %squeeze3A_506 : i32 to vector<16xi32>
          %gather3A_508 = arith.constant 0 : i32
          %gather3A_509 = arith.constant 0 : i32
          %gather3A_510 = tpu.memref_slice %arg6[%and3A_79, %gather3A_508, %gather3A_509] : memref<2x16x1664xf32, #tpu.memory_space<vmem>> -> memref<1x16x1664xf32, #tpu.memory_space<vmem>>
          %gather3A_511 = tpu.memref_squeeze %gather3A_510 : memref<1x16x1664xf32, #tpu.memory_space<vmem>> -> memref<16x1664xf32, #tpu.memory_space<vmem>>
          %gather3A_512 = tpu.vector_load_idx %gather3A_511[%iota3A, %broadcast_in_dim3A_507] : memref<16x1664xf32, #tpu.memory_space<vmem>>[vector<16xi32>, vector<16xi32>], vector<16xf32>,
          %mul3A_513 = arith.constant 16 : i32
          %mul3A_514 = arith.muli %scan3A_288, %mul3A_513 : i32
          %add3A_515 = arith.constant 13 : i32
          %add3A_516 = arith.addi %mul3A_514, %add3A_515 : i32
          %swap3A_517 = arith.index_cast %and3A_259 : i32 to index
          %swap3A_518 = arith.index_cast %add3A_516 : i32 to index
          %swap3A_519 = arith.constant 0 : index
          %swap3A_520 = tpu.vector_load %arg12[%swap3A_517, %swap3A_518, %swap3A_519] {strides = array<i32>} : memref<2x64x128xf32, #tpu.memory_space<vmem>>, vector<16xf32>,
          tpu.vector_store %arg12[%swap3A_517, %swap3A_518, %swap3A_519], %gather3A_512 {strides = array<i32>} : memref<2x64x128xf32, #tpu.memory_space<vmem>>, vector<16xf32>,
          %slice3A_521 = vector.extract_strided_slice %min3A_300 {offsets = [14], sizes = [1], strides = [1]} : vector<16xi32> to vector<1xi32>
          %squeeze3A_522 = vector.extract %slice3A_521[0] : i32 from vector<1xi32>
          %broadcast_in_dim3A_523 = vector.broadcast %squeeze3A_522 : i32 to vector<16xi32>
          %gather3A_524 = arith.constant 0 : i32
          %gather3A_525 = arith.constant 0 : i32
          %gather3A_526 = tpu.memref_slice %arg6[%and3A_79, %gather3A_524, %gather3A_525] : memref<2x16x1664xf32, #tpu.memory_space<vmem>> -> memref<1x16x1664xf32, #tpu.memory_space<vmem>>
          %gather3A_527 = tpu.memref_squeeze %gather3A_526 : memref<1x16x1664xf32, #tpu.memory_space<vmem>> -> memref<16x1664xf32, #tpu.memory_space<vmem>>
          %gather3A_528 = tpu.vector_load_idx %gather3A_527[%iota3A, %broadcast_in_dim3A_523] : memref<16x1664xf32, #tpu.memory_space<vmem>>[vector<16xi32>, vector<16xi32>], vector<16xf32>,
          %mul3A_529 = arith.constant 16 : i32
          %mul3A_530 = arith.muli %scan3A_288, %mul3A_529 : i32
          %add3A_531 = arith.constant 14 : i32
          %add3A_532 = arith.addi %mul3A_530, %add3A_531 : i32
          %swap3A_533 = arith.index_cast %and3A_259 : i32 to index
          %swap3A_534 = arith.index_cast %add3A_532 : i32 to index
          %swap3A_535 = arith.constant 0 : index
          %swap3A_536 = tpu.vector_load %arg12[%swap3A_533, %swap3A_534, %swap3A_535] {strides = array<i32>} : memref<2x64x128xf32, #tpu.memory_space<vmem>>, vector<16xf32>,
          tpu.vector_store %arg12[%swap3A_533, %swap3A_534, %swap3A_535], %gather3A_528 {strides = array<i32>} : memref<2x64x128xf32, #tpu.memory_space<vmem>>, vector<16xf32>,
          %slice3A_537 = vector.extract_strided_slice %min3A_300 {offsets = [15], sizes = [1], strides = [1]} : vector<16xi32> to vector<1xi32>
          %squeeze3A_538 = vector.extract %slice3A_537[0] : i32 from vector<1xi32>
          %broadcast_in_dim3A_539 = vector.broadcast %squeeze3A_538 : i32 to vector<16xi32>
          %gather3A_540 = arith.constant 0 : i32
          %gather3A_541 = arith.constant 0 : i32
          %gather3A_542 = tpu.memref_slice %arg6[%and3A_79, %gather3A_540, %gather3A_541] : memref<2x16x1664xf32, #tpu.memory_space<vmem>> -> memref<1x16x1664xf32, #tpu.memory_space<vmem>>
          %gather3A_543 = tpu.memref_squeeze %gather3A_542 : memref<1x16x1664xf32, #tpu.memory_space<vmem>> -> memref<16x1664xf32, #tpu.memory_space<vmem>>
          %gather3A_544 = tpu.vector_load_idx %gather3A_543[%iota3A, %broadcast_in_dim3A_539] : memref<16x1664xf32, #tpu.memory_space<vmem>>[vector<16xi32>, vector<16xi32>], vector<16xf32>,
          %mul3A_545 = arith.constant 16 : i32
          %mul3A_546 = arith.muli %scan3A_288, %mul3A_545 : i32
          %add3A_547 = arith.constant 15 : i32
          %add3A_548 = arith.addi %mul3A_546, %add3A_547 : i32
          %swap3A_549 = arith.index_cast %and3A_259 : i32 to index
          %swap3A_550 = arith.index_cast %add3A_548 : i32 to index
          %swap3A_551 = arith.constant 0 : index
          %swap3A_552 = tpu.vector_load %arg12[%swap3A_549, %swap3A_550, %swap3A_551] {strides = array<i32>} : memref<2x64x128xf32, #tpu.memory_space<vmem>>, vector<16xf32>,
          tpu.vector_store %arg12[%swap3A_549, %swap3A_550, %swap3A_551], %gather3A_544 {strides = array<i32>} : memref<2x64x128xf32, #tpu.memory_space<vmem>>, vector<16xf32>,
          %scan3A_553 = arith.constant 0 : i32
          scf.yield %scan3A_553 : i32
        }
        %scan3A_277 = arith.constant 4 : i32
        %dma_start3A = arith.constant 0 : i32
        %dma_start3A_278 = arith.constant 0 : i32
        %dma_start3A_279 = tpu.memref_slice %arg12[%and3A_259, %dma_start3A, %dma_start3A_278] : memref<2x64x128xf32, #tpu.memory_space<vmem>> -> memref<1x64x128xf32, #tpu.memory_space<vmem>>
        %dma_start3A_280 = tpu.memref_squeeze %dma_start3A_279 : memref<1x64x128xf32, #tpu.memory_space<vmem>> -> memref<64x128xf32, #tpu.memory_space<vmem>>
        %dma_start3A_281 = arith.constant 0 : i32
        %dma_start3A_282 = tpu.memref_slice %arg11[%and3A_259, %dma_start3A_281] : memref<2x64xi32, #tpu.memory_space<vmem>> -> memref<1x64xi32, #tpu.memory_space<vmem>>
        %dma_start3A_283 = tpu.memref_squeeze %dma_start3A_282 : memref<1x64xi32, #tpu.memory_space<vmem>> -> memref<64xi32, #tpu.memory_space<vmem>>
        %dma_start3A_284 = arith.constant 0 : i32
        %dma_start3A_285 = arith.constant 0 : i32
        %dma_start3A_286 = tpu.memref_slice %arg16[%dma_start3A_284, %dma_start3A_285] : memref<4232x128xf32, #tpu.memory_space<vmem_shared>> -> memref<4232x128xf32, #tpu.memory_space<vmem_shared>>
        tpu.enqueue_indirect_dma source(%dma_start3A_280 : memref<64x128xf32, #tpu.memory_space<vmem>>) target(%dma_start3A_286 : memref<4232x128xf32, #tpu.memory_space<vmem_shared>>) offsets(%dma_start3A_283 : memref<64xi32, #tpu.memory_space<vmem>>) semaphore(%arg20 : memref<!tpu.dma_semaphore, #tpu.memory_space<semaphore_mem>>)
        %while3A_287 = arith.constant 0 : i32
        scf.yield %while3A_287 : i32
      }
      %while3A_233 = arith.constant 1 : i32
      %while3A_234 = scf.for %while3A_254 = %while3A_230 to %while3A_226 step %while3A_233 iter_args(%while3A_255 = %while3A_232) -> (i32)  : i32 {
        %mul3A_256 = arith.constant 64 : i32
        %mul3A_257 = arith.muli %while3A_254, %mul3A_256 : i32
        %and3A_258 = arith.constant 1 : i32
        %and3A_259 = arith.andi %while3A_254, %and3A_258 : i32
        %gt3A = arith.constant 1 : i32
        %gt3A_260 = arith.cmpi sgt, %while3A_254, %gt3A : i32
        %convert_element_type3A_261 = arith.extui %gt3A_260 : i1 to i32
        %cond3A_262 = arith.constant 0 : i32
        %cond3A_263 = arith.cmpi ne, %convert_element_type3A_261, %cond3A_262 : i32
        scf.if %cond3A_263 {
          %dma_wait3A = arith.constant 0 : i32
          %dma_wait3A_288 = arith.constant 0 : i32
          %dma_wait3A_289 = arith.constant 0 : i32
          %dma_wait3A_290 = tpu.memref_slice %arg12[%dma_wait3A, %dma_wait3A_288, %dma_wait3A_289] : memref<2x64x128xf32, #tpu.memory_space<vmem>> -> memref<1x64x128xf32, #tpu.memory_space<vmem>>
          %dma_wait3A_291 = tpu.memref_squeeze %dma_wait3A_290 : memref<1x64x128xf32, #tpu.memory_space<vmem>> -> memref<64x128xf32, #tpu.memory_space<vmem>>
          %dma_wait3A_292 = arith.constant 0 : i32
          %dma_wait3A_293 = arith.constant 0 : i32
          %dma_wait3A_294 = tpu.memref_slice %arg3[%dma_wait3A_292, %dma_wait3A_293] : memref<832x100000xf32, #tpu.memory_space<hbm>> -> memref<64x128xf32, #tpu.memory_space<hbm>>
          %dma_wait3A_295 = arith.constant 0 : i32
          %dma_wait3A_296 = arith.constant 0 : i32
          %dma_wait3A_297 = tpu.memref_slice %arg12[%dma_wait3A, %dma_wait3A_295, %dma_wait3A_296] : memref<2x64x128xf32, #tpu.memory_space<vmem>> -> memref<1x64x128xf32, #tpu.memory_space<vmem>>
          %dma_wait3A_298 = tpu.memref_squeeze %dma_wait3A_297 : memref<1x64x128xf32, #tpu.memory_space<vmem>> -> memref<64x128xf32, #tpu.memory_space<vmem>>
          %dma_wait3A_299 = arith.constant 0 : i32
          %dma_wait3A_300 = arith.constant 0 : i32
          %dma_wait3A_301 = tpu.memref_slice %arg3[%dma_wait3A_299, %dma_wait3A_300] : memref<832x100000xf32, #tpu.memory_space<hbm>> -> memref<64x128xf32, #tpu.memory_space<hbm>>
          tpu.wait_dma2 semaphore(%arg20 : memref<!tpu.dma_semaphore, #tpu.memory_space<semaphore_mem>>) src(%dma_wait3A_301 : memref<64x128xf32, #tpu.memory_space<hbm>>) dst(%dma_wait3A_298 : memref<64x128xf32, #tpu.memory_space<vmem>>)
        } else {
        }
        %scan3A_264 = arith.constant 0 : i32
        %scan3A_265 = arith.constant 0 : i32
        %scan3A_266 = arith.constant 4 : i32
        %scan3A_267 = arith.addi %scan3A_265, %scan3A_266 : i32
        %scan3A_268 = arith.constant 1 : i32
        %scan3A_269 = scf.for %scan3A_288 = %scan3A_265 to %scan3A_267 step %scan3A_268 iter_args(%scan3A_289 = %scan3A_264) -> (i32)  : i32 {
          %mul3A_290 = arith.constant 16 : i32
          %mul3A_291 = arith.muli %scan3A_288, %mul3A_290 : i32
          %add3A_292 = arith.addi %mul3A_257, %mul3A_291 : i32
          %get3A_293 = arith.index_cast %add3A_292 : i32 to index
          %get3A_294 = tpu.vector_load %arg8[%get3A_293] {strides = array<i32>} : memref<4224xi32, #tpu.memory_space<vmem>>, vector<16xi32>,
          %shift_right_logical3A_295 = arith.constant 12 : i32
          %shift_right_logical3A_296 = vector.broadcast %shift_right_logical3A_295 : i32 to vector<16xi32>
          %shift_right_logical3A_297 = arith.shrui %get3A_294, %shift_right_logical3A_296 : vector<16xi32>
          %mul3A_298 = arith.constant 16 : i32
          %mul3A_299 = arith.muli %scan3A_288, %mul3A_298 : i32
          %swap3A_300 = arith.index_cast %and3A_259 : i32 to index
          %swap3A_301 = arith.index_cast %mul3A_299 : i32 to index
          %swap3A_302 = tpu.vector_load %arg11[%swap3A_300, %swap3A_301] {strides = array<i32>} : memref<2x64xi32, #tpu.memory_space<vmem>>, vector<16xi32>,
          tpu.vector_store %arg11[%swap3A_300, %swap3A_301], %shift_right_logical3A_297 {strides = array<i32>} : memref<2x64xi32, #tpu.memory_space<vmem>>, vector<16xi32>,
          %scan3A_303 = arith.constant 0 : i32
          scf.yield %scan3A_303 : i32
        }
        %scan3A_270 = arith.constant 4 : i32
        %scan3A_271 = arith.constant 0 : i32
        %scan3A_272 = arith.constant 0 : i32
        %scan3A_273 = arith.constant 4 : i32
        %scan3A_274 = arith.addi %scan3A_272, %scan3A_273 : i32
        %scan3A_275 = arith.constant 1 : i32
        %scan3A_276 = scf.for %scan3A_288 = %scan3A_272 to %scan3A_274 step %scan3A_275 iter_args(%scan3A_289 = %scan3A_271) -> (i32)  : i32 {
          %mul3A_290 = arith.constant 16 : i32
          %mul3A_291 = arith.muli %scan3A_288, %mul3A_290 : i32
          %add3A_292 = arith.addi %mul3A_257, %mul3A_291 : i32
          %get3A_293 = arith.index_cast %add3A_292 : i32 to index
          %get3A_294 = tpu.vector_load %arg8[%get3A_293] {strides = array<i32>} : memref<4224xi32, #tpu.memory_space<vmem>>, vector<16xi32>,
          %and3A_295 = arith.constant 4095 : i32
          %and3A_296 = vector.broadcast %and3A_295 : i32 to vector<16xi32>
          %and3A_297 = arith.andi %get3A_294, %and3A_296 : vector<16xi32>
          %min3A_298 = arith.constant 1663 : i32
          %min3A_299 = vector.broadcast %min3A_298 : i32 to vector<16xi32>
          %min3A_300 = arith.minsi %and3A_297, %min3A_299 : vector<16xi32>
          %slice3A = vector.extract_strided_slice %min3A_300 {offsets = [0], sizes = [1], strides = [1]} : vector<16xi32> to vector<1xi32>
          %squeeze3A = vector.extract %slice3A[0] : i32 from vector<1xi32>
          %broadcast_in_dim3A = vector.broadcast %squeeze3A : i32 to vector<16xi32>
          %gather3A = arith.constant 0 : i32
          %gather3A_301 = arith.constant 0 : i32
          %gather3A_302 = tpu.memref_slice %arg6[%and3A_79, %gather3A, %gather3A_301] : memref<2x16x1664xf32, #tpu.memory_space<vmem>> -> memref<1x16x1664xf32, #tpu.memory_space<vmem>>
          %gather3A_303 = tpu.memref_squeeze %gather3A_302 : memref<1x16x1664xf32, #tpu.memory_space<vmem>> -> memref<16x1664xf32, #tpu.memory_space<vmem>>
          %gather3A_304 = tpu.vector_load_idx %gather3A_303[%iota3A, %broadcast_in_dim3A] : memref<16x1664xf32, #tpu.memory_space<vmem>>[vector<16xi32>, vector<16xi32>], vector<16xf32>,
          %mul3A_305 = arith.constant 16 : i32
          %mul3A_306 = arith.muli %scan3A_288, %mul3A_305 : i32
          %add3A_307 = arith.constant 0 : i32
          %add3A_308 = arith.addi %mul3A_306, %add3A_307 : i32
          %swap3A_309 = arith.index_cast %and3A_259 : i32 to index
          %swap3A_310 = arith.index_cast %add3A_308 : i32 to index
          %swap3A_311 = arith.constant 0 : index
          %swap3A_312 = tpu.vector_load %arg12[%swap3A_309, %swap3A_310, %swap3A_311] {strides = array<i32>} : memref<2x64x128xf32, #tpu.memory_space<vmem>>, vector<16xf32>,
          tpu.vector_store %arg12[%swap3A_309, %swap3A_310, %swap3A_311], %gather3A_304 {strides = array<i32>} : memref<2x64x128xf32, #tpu.memory_space<vmem>>, vector<16xf32>,
          %slice3A_313 = vector.extract_strided_slice %min3A_300 {offsets = [1], sizes = [1], strides = [1]} : vector<16xi32> to vector<1xi32>
          %squeeze3A_314 = vector.extract %slice3A_313[0] : i32 from vector<1xi32>
          %broadcast_in_dim3A_315 = vector.broadcast %squeeze3A_314 : i32 to vector<16xi32>
          %gather3A_316 = arith.constant 0 : i32
          %gather3A_317 = arith.constant 0 : i32
          %gather3A_318 = tpu.memref_slice %arg6[%and3A_79, %gather3A_316, %gather3A_317] : memref<2x16x1664xf32, #tpu.memory_space<vmem>> -> memref<1x16x1664xf32, #tpu.memory_space<vmem>>
          %gather3A_319 = tpu.memref_squeeze %gather3A_318 : memref<1x16x1664xf32, #tpu.memory_space<vmem>> -> memref<16x1664xf32, #tpu.memory_space<vmem>>
          %gather3A_320 = tpu.vector_load_idx %gather3A_319[%iota3A, %broadcast_in_dim3A_315] : memref<16x1664xf32, #tpu.memory_space<vmem>>[vector<16xi32>, vector<16xi32>], vector<16xf32>,
          %mul3A_321 = arith.constant 16 : i32
          %mul3A_322 = arith.muli %scan3A_288, %mul3A_321 : i32
          %add3A_323 = arith.constant 1 : i32
          %add3A_324 = arith.addi %mul3A_322, %add3A_323 : i32
          %swap3A_325 = arith.index_cast %and3A_259 : i32 to index
          %swap3A_326 = arith.index_cast %add3A_324 : i32 to index
          %swap3A_327 = arith.constant 0 : index
          %swap3A_328 = tpu.vector_load %arg12[%swap3A_325, %swap3A_326, %swap3A_327] {strides = array<i32>} : memref<2x64x128xf32, #tpu.memory_space<vmem>>, vector<16xf32>,
          tpu.vector_store %arg12[%swap3A_325, %swap3A_326, %swap3A_327], %gather3A_320 {strides = array<i32>} : memref<2x64x128xf32, #tpu.memory_space<vmem>>, vector<16xf32>,
          %slice3A_329 = vector.extract_strided_slice %min3A_300 {offsets = [2], sizes = [1], strides = [1]} : vector<16xi32> to vector<1xi32>
          %squeeze3A_330 = vector.extract %slice3A_329[0] : i32 from vector<1xi32>
          %broadcast_in_dim3A_331 = vector.broadcast %squeeze3A_330 : i32 to vector<16xi32>
          %gather3A_332 = arith.constant 0 : i32
          %gather3A_333 = arith.constant 0 : i32
          %gather3A_334 = tpu.memref_slice %arg6[%and3A_79, %gather3A_332, %gather3A_333] : memref<2x16x1664xf32, #tpu.memory_space<vmem>> -> memref<1x16x1664xf32, #tpu.memory_space<vmem>>
          %gather3A_335 = tpu.memref_squeeze %gather3A_334 : memref<1x16x1664xf32, #tpu.memory_space<vmem>> -> memref<16x1664xf32, #tpu.memory_space<vmem>>
          %gather3A_336 = tpu.vector_load_idx %gather3A_335[%iota3A, %broadcast_in_dim3A_331] : memref<16x1664xf32, #tpu.memory_space<vmem>>[vector<16xi32>, vector<16xi32>], vector<16xf32>,
          %mul3A_337 = arith.constant 16 : i32
          %mul3A_338 = arith.muli %scan3A_288, %mul3A_337 : i32
          %add3A_339 = arith.constant 2 : i32
          %add3A_340 = arith.addi %mul3A_338, %add3A_339 : i32
          %swap3A_341 = arith.index_cast %and3A_259 : i32 to index
          %swap3A_342 = arith.index_cast %add3A_340 : i32 to index
          %swap3A_343 = arith.constant 0 : index
          %swap3A_344 = tpu.vector_load %arg12[%swap3A_341, %swap3A_342, %swap3A_343] {strides = array<i32>} : memref<2x64x128xf32, #tpu.memory_space<vmem>>, vector<16xf32>,
          tpu.vector_store %arg12[%swap3A_341, %swap3A_342, %swap3A_343], %gather3A_336 {strides = array<i32>} : memref<2x64x128xf32, #tpu.memory_space<vmem>>, vector<16xf32>,
          %slice3A_345 = vector.extract_strided_slice %min3A_300 {offsets = [3], sizes = [1], strides = [1]} : vector<16xi32> to vector<1xi32>
          %squeeze3A_346 = vector.extract %slice3A_345[0] : i32 from vector<1xi32>
          %broadcast_in_dim3A_347 = vector.broadcast %squeeze3A_346 : i32 to vector<16xi32>
          %gather3A_348 = arith.constant 0 : i32
          %gather3A_349 = arith.constant 0 : i32
          %gather3A_350 = tpu.memref_slice %arg6[%and3A_79, %gather3A_348, %gather3A_349] : memref<2x16x1664xf32, #tpu.memory_space<vmem>> -> memref<1x16x1664xf32, #tpu.memory_space<vmem>>
          %gather3A_351 = tpu.memref_squeeze %gather3A_350 : memref<1x16x1664xf32, #tpu.memory_space<vmem>> -> memref<16x1664xf32, #tpu.memory_space<vmem>>
          %gather3A_352 = tpu.vector_load_idx %gather3A_351[%iota3A, %broadcast_in_dim3A_347] : memref<16x1664xf32, #tpu.memory_space<vmem>>[vector<16xi32>, vector<16xi32>], vector<16xf32>,
          %mul3A_353 = arith.constant 16 : i32
          %mul3A_354 = arith.muli %scan3A_288, %mul3A_353 : i32
          %add3A_355 = arith.constant 3 : i32
          %add3A_356 = arith.addi %mul3A_354, %add3A_355 : i32
          %swap3A_357 = arith.index_cast %and3A_259 : i32 to index
          %swap3A_358 = arith.index_cast %add3A_356 : i32 to index
          %swap3A_359 = arith.constant 0 : index
          %swap3A_360 = tpu.vector_load %arg12[%swap3A_357, %swap3A_358, %swap3A_359] {strides = array<i32>} : memref<2x64x128xf32, #tpu.memory_space<vmem>>, vector<16xf32>,
          tpu.vector_store %arg12[%swap3A_357, %swap3A_358, %swap3A_359], %gather3A_352 {strides = array<i32>} : memref<2x64x128xf32, #tpu.memory_space<vmem>>, vector<16xf32>,
          %slice3A_361 = vector.extract_strided_slice %min3A_300 {offsets = [4], sizes = [1], strides = [1]} : vector<16xi32> to vector<1xi32>
          %squeeze3A_362 = vector.extract %slice3A_361[0] : i32 from vector<1xi32>
          %broadcast_in_dim3A_363 = vector.broadcast %squeeze3A_362 : i32 to vector<16xi32>
          %gather3A_364 = arith.constant 0 : i32
          %gather3A_365 = arith.constant 0 : i32
          %gather3A_366 = tpu.memref_slice %arg6[%and3A_79, %gather3A_364, %gather3A_365] : memref<2x16x1664xf32, #tpu.memory_space<vmem>> -> memref<1x16x1664xf32, #tpu.memory_space<vmem>>
          %gather3A_367 = tpu.memref_squeeze %gather3A_366 : memref<1x16x1664xf32, #tpu.memory_space<vmem>> -> memref<16x1664xf32, #tpu.memory_space<vmem>>
          %gather3A_368 = tpu.vector_load_idx %gather3A_367[%iota3A, %broadcast_in_dim3A_363] : memref<16x1664xf32, #tpu.memory_space<vmem>>[vector<16xi32>, vector<16xi32>], vector<16xf32>,
          %mul3A_369 = arith.constant 16 : i32
          %mul3A_370 = arith.muli %scan3A_288, %mul3A_369 : i32
          %add3A_371 = arith.constant 4 : i32
          %add3A_372 = arith.addi %mul3A_370, %add3A_371 : i32
          %swap3A_373 = arith.index_cast %and3A_259 : i32 to index
          %swap3A_374 = arith.index_cast %add3A_372 : i32 to index
          %swap3A_375 = arith.constant 0 : index
          %swap3A_376 = tpu.vector_load %arg12[%swap3A_373, %swap3A_374, %swap3A_375] {strides = array<i32>} : memref<2x64x128xf32, #tpu.memory_space<vmem>>, vector<16xf32>,
          tpu.vector_store %arg12[%swap3A_373, %swap3A_374, %swap3A_375], %gather3A_368 {strides = array<i32>} : memref<2x64x128xf32, #tpu.memory_space<vmem>>, vector<16xf32>,
          %slice3A_377 = vector.extract_strided_slice %min3A_300 {offsets = [5], sizes = [1], strides = [1]} : vector<16xi32> to vector<1xi32>
          %squeeze3A_378 = vector.extract %slice3A_377[0] : i32 from vector<1xi32>
          %broadcast_in_dim3A_379 = vector.broadcast %squeeze3A_378 : i32 to vector<16xi32>
          %gather3A_380 = arith.constant 0 : i32
          %gather3A_381 = arith.constant 0 : i32
          %gather3A_382 = tpu.memref_slice %arg6[%and3A_79, %gather3A_380, %gather3A_381] : memref<2x16x1664xf32, #tpu.memory_space<vmem>> -> memref<1x16x1664xf32, #tpu.memory_space<vmem>>
          %gather3A_383 = tpu.memref_squeeze %gather3A_382 : memref<1x16x1664xf32, #tpu.memory_space<vmem>> -> memref<16x1664xf32, #tpu.memory_space<vmem>>
          %gather3A_384 = tpu.vector_load_idx %gather3A_383[%iota3A, %broadcast_in_dim3A_379] : memref<16x1664xf32, #tpu.memory_space<vmem>>[vector<16xi32>, vector<16xi32>], vector<16xf32>,
          %mul3A_385 = arith.constant 16 : i32
          %mul3A_386 = arith.muli %scan3A_288, %mul3A_385 : i32
          %add3A_387 = arith.constant 5 : i32
          %add3A_388 = arith.addi %mul3A_386, %add3A_387 : i32
          %swap3A_389 = arith.index_cast %and3A_259 : i32 to index
          %swap3A_390 = arith.index_cast %add3A_388 : i32 to index
          %swap3A_391 = arith.constant 0 : index
          %swap3A_392 = tpu.vector_load %arg12[%swap3A_389, %swap3A_390, %swap3A_391] {strides = array<i32>} : memref<2x64x128xf32, #tpu.memory_space<vmem>>, vector<16xf32>,
          tpu.vector_store %arg12[%swap3A_389, %swap3A_390, %swap3A_391], %gather3A_384 {strides = array<i32>} : memref<2x64x128xf32, #tpu.memory_space<vmem>>, vector<16xf32>,
          %slice3A_393 = vector.extract_strided_slice %min3A_300 {offsets = [6], sizes = [1], strides = [1]} : vector<16xi32> to vector<1xi32>
          %squeeze3A_394 = vector.extract %slice3A_393[0] : i32 from vector<1xi32>
          %broadcast_in_dim3A_395 = vector.broadcast %squeeze3A_394 : i32 to vector<16xi32>
          %gather3A_396 = arith.constant 0 : i32
          %gather3A_397 = arith.constant 0 : i32
          %gather3A_398 = tpu.memref_slice %arg6[%and3A_79, %gather3A_396, %gather3A_397] : memref<2x16x1664xf32, #tpu.memory_space<vmem>> -> memref<1x16x1664xf32, #tpu.memory_space<vmem>>
          %gather3A_399 = tpu.memref_squeeze %gather3A_398 : memref<1x16x1664xf32, #tpu.memory_space<vmem>> -> memref<16x1664xf32, #tpu.memory_space<vmem>>
          %gather3A_400 = tpu.vector_load_idx %gather3A_399[%iota3A, %broadcast_in_dim3A_395] : memref<16x1664xf32, #tpu.memory_space<vmem>>[vector<16xi32>, vector<16xi32>], vector<16xf32>,
          %mul3A_401 = arith.constant 16 : i32
          %mul3A_402 = arith.muli %scan3A_288, %mul3A_401 : i32
          %add3A_403 = arith.constant 6 : i32
          %add3A_404 = arith.addi %mul3A_402, %add3A_403 : i32
          %swap3A_405 = arith.index_cast %and3A_259 : i32 to index
          %swap3A_406 = arith.index_cast %add3A_404 : i32 to index
          %swap3A_407 = arith.constant 0 : index
          %swap3A_408 = tpu.vector_load %arg12[%swap3A_405, %swap3A_406, %swap3A_407] {strides = array<i32>} : memref<2x64x128xf32, #tpu.memory_space<vmem>>, vector<16xf32>,
          tpu.vector_store %arg12[%swap3A_405, %swap3A_406, %swap3A_407], %gather3A_400 {strides = array<i32>} : memref<2x64x128xf32, #tpu.memory_space<vmem>>, vector<16xf32>,
          %slice3A_409 = vector.extract_strided_slice %min3A_300 {offsets = [7], sizes = [1], strides = [1]} : vector<16xi32> to vector<1xi32>
          %squeeze3A_410 = vector.extract %slice3A_409[0] : i32 from vector<1xi32>
          %broadcast_in_dim3A_411 = vector.broadcast %squeeze3A_410 : i32 to vector<16xi32>
          %gather3A_412 = arith.constant 0 : i32
          %gather3A_413 = arith.constant 0 : i32
          %gather3A_414 = tpu.memref_slice %arg6[%and3A_79, %gather3A_412, %gather3A_413] : memref<2x16x1664xf32, #tpu.memory_space<vmem>> -> memref<1x16x1664xf32, #tpu.memory_space<vmem>>
          %gather3A_415 = tpu.memref_squeeze %gather3A_414 : memref<1x16x1664xf32, #tpu.memory_space<vmem>> -> memref<16x1664xf32, #tpu.memory_space<vmem>>
          %gather3A_416 = tpu.vector_load_idx %gather3A_415[%iota3A, %broadcast_in_dim3A_411] : memref<16x1664xf32, #tpu.memory_space<vmem>>[vector<16xi32>, vector<16xi32>], vector<16xf32>,
          %mul3A_417 = arith.constant 16 : i32
          %mul3A_418 = arith.muli %scan3A_288, %mul3A_417 : i32
          %add3A_419 = arith.constant 7 : i32
          %add3A_420 = arith.addi %mul3A_418, %add3A_419 : i32
          %swap3A_421 = arith.index_cast %and3A_259 : i32 to index
          %swap3A_422 = arith.index_cast %add3A_420 : i32 to index
          %swap3A_423 = arith.constant 0 : index
          %swap3A_424 = tpu.vector_load %arg12[%swap3A_421, %swap3A_422, %swap3A_423] {strides = array<i32>} : memref<2x64x128xf32, #tpu.memory_space<vmem>>, vector<16xf32>,
          tpu.vector_store %arg12[%swap3A_421, %swap3A_422, %swap3A_423], %gather3A_416 {strides = array<i32>} : memref<2x64x128xf32, #tpu.memory_space<vmem>>, vector<16xf32>,
          %slice3A_425 = vector.extract_strided_slice %min3A_300 {offsets = [8], sizes = [1], strides = [1]} : vector<16xi32> to vector<1xi32>
          %squeeze3A_426 = vector.extract %slice3A_425[0] : i32 from vector<1xi32>
          %broadcast_in_dim3A_427 = vector.broadcast %squeeze3A_426 : i32 to vector<16xi32>
          %gather3A_428 = arith.constant 0 : i32
          %gather3A_429 = arith.constant 0 : i32
          %gather3A_430 = tpu.memref_slice %arg6[%and3A_79, %gather3A_428, %gather3A_429] : memref<2x16x1664xf32, #tpu.memory_space<vmem>> -> memref<1x16x1664xf32, #tpu.memory_space<vmem>>
          %gather3A_431 = tpu.memref_squeeze %gather3A_430 : memref<1x16x1664xf32, #tpu.memory_space<vmem>> -> memref<16x1664xf32, #tpu.memory_space<vmem>>
          %gather3A_432 = tpu.vector_load_idx %gather3A_431[%iota3A, %broadcast_in_dim3A_427] : memref<16x1664xf32, #tpu.memory_space<vmem>>[vector<16xi32>, vector<16xi32>], vector<16xf32>,
          %mul3A_433 = arith.constant 16 : i32
          %mul3A_434 = arith.muli %scan3A_288, %mul3A_433 : i32
          %add3A_435 = arith.constant 8 : i32
          %add3A_436 = arith.addi %mul3A_434, %add3A_435 : i32
          %swap3A_437 = arith.index_cast %and3A_259 : i32 to index
          %swap3A_438 = arith.index_cast %add3A_436 : i32 to index
          %swap3A_439 = arith.constant 0 : index
          %swap3A_440 = tpu.vector_load %arg12[%swap3A_437, %swap3A_438, %swap3A_439] {strides = array<i32>} : memref<2x64x128xf32, #tpu.memory_space<vmem>>, vector<16xf32>,
          tpu.vector_store %arg12[%swap3A_437, %swap3A_438, %swap3A_439], %gather3A_432 {strides = array<i32>} : memref<2x64x128xf32, #tpu.memory_space<vmem>>, vector<16xf32>,
          %slice3A_441 = vector.extract_strided_slice %min3A_300 {offsets = [9], sizes = [1], strides = [1]} : vector<16xi32> to vector<1xi32>
          %squeeze3A_442 = vector.extract %slice3A_441[0] : i32 from vector<1xi32>
          %broadcast_in_dim3A_443 = vector.broadcast %squeeze3A_442 : i32 to vector<16xi32>
          %gather3A_444 = arith.constant 0 : i32
          %gather3A_445 = arith.constant 0 : i32
          %gather3A_446 = tpu.memref_slice %arg6[%and3A_79, %gather3A_444, %gather3A_445] : memref<2x16x1664xf32, #tpu.memory_space<vmem>> -> memref<1x16x1664xf32, #tpu.memory_space<vmem>>
          %gather3A_447 = tpu.memref_squeeze %gather3A_446 : memref<1x16x1664xf32, #tpu.memory_space<vmem>> -> memref<16x1664xf32, #tpu.memory_space<vmem>>
          %gather3A_448 = tpu.vector_load_idx %gather3A_447[%iota3A, %broadcast_in_dim3A_443] : memref<16x1664xf32, #tpu.memory_space<vmem>>[vector<16xi32>, vector<16xi32>], vector<16xf32>,
          %mul3A_449 = arith.constant 16 : i32
          %mul3A_450 = arith.muli %scan3A_288, %mul3A_449 : i32
          %add3A_451 = arith.constant 9 : i32
          %add3A_452 = arith.addi %mul3A_450, %add3A_451 : i32
          %swap3A_453 = arith.index_cast %and3A_259 : i32 to index
          %swap3A_454 = arith.index_cast %add3A_452 : i32 to index
          %swap3A_455 = arith.constant 0 : index
          %swap3A_456 = tpu.vector_load %arg12[%swap3A_453, %swap3A_454, %swap3A_455] {strides = array<i32>} : memref<2x64x128xf32, #tpu.memory_space<vmem>>, vector<16xf32>,
          tpu.vector_store %arg12[%swap3A_453, %swap3A_454, %swap3A_455], %gather3A_448 {strides = array<i32>} : memref<2x64x128xf32, #tpu.memory_space<vmem>>, vector<16xf32>,
          %slice3A_457 = vector.extract_strided_slice %min3A_300 {offsets = [10], sizes = [1], strides = [1]} : vector<16xi32> to vector<1xi32>
          %squeeze3A_458 = vector.extract %slice3A_457[0] : i32 from vector<1xi32>
          %broadcast_in_dim3A_459 = vector.broadcast %squeeze3A_458 : i32 to vector<16xi32>
          %gather3A_460 = arith.constant 0 : i32
          %gather3A_461 = arith.constant 0 : i32
          %gather3A_462 = tpu.memref_slice %arg6[%and3A_79, %gather3A_460, %gather3A_461] : memref<2x16x1664xf32, #tpu.memory_space<vmem>> -> memref<1x16x1664xf32, #tpu.memory_space<vmem>>
          %gather3A_463 = tpu.memref_squeeze %gather3A_462 : memref<1x16x1664xf32, #tpu.memory_space<vmem>> -> memref<16x1664xf32, #tpu.memory_space<vmem>>
          %gather3A_464 = tpu.vector_load_idx %gather3A_463[%iota3A, %broadcast_in_dim3A_459] : memref<16x1664xf32, #tpu.memory_space<vmem>>[vector<16xi32>, vector<16xi32>], vector<16xf32>,
          %mul3A_465 = arith.constant 16 : i32
          %mul3A_466 = arith.muli %scan3A_288, %mul3A_465 : i32
          %add3A_467 = arith.constant 10 : i32
          %add3A_468 = arith.addi %mul3A_466, %add3A_467 : i32
          %swap3A_469 = arith.index_cast %and3A_259 : i32 to index
          %swap3A_470 = arith.index_cast %add3A_468 : i32 to index
          %swap3A_471 = arith.constant 0 : index
          %swap3A_472 = tpu.vector_load %arg12[%swap3A_469, %swap3A_470, %swap3A_471] {strides = array<i32>} : memref<2x64x128xf32, #tpu.memory_space<vmem>>, vector<16xf32>,
          tpu.vector_store %arg12[%swap3A_469, %swap3A_470, %swap3A_471], %gather3A_464 {strides = array<i32>} : memref<2x64x128xf32, #tpu.memory_space<vmem>>, vector<16xf32>,
          %slice3A_473 = vector.extract_strided_slice %min3A_300 {offsets = [11], sizes = [1], strides = [1]} : vector<16xi32> to vector<1xi32>
          %squeeze3A_474 = vector.extract %slice3A_473[0] : i32 from vector<1xi32>
          %broadcast_in_dim3A_475 = vector.broadcast %squeeze3A_474 : i32 to vector<16xi32>
          %gather3A_476 = arith.constant 0 : i32
          %gather3A_477 = arith.constant 0 : i32
          %gather3A_478 = tpu.memref_slice %arg6[%and3A_79, %gather3A_476, %gather3A_477] : memref<2x16x1664xf32, #tpu.memory_space<vmem>> -> memref<1x16x1664xf32, #tpu.memory_space<vmem>>
          %gather3A_479 = tpu.memref_squeeze %gather3A_478 : memref<1x16x1664xf32, #tpu.memory_space<vmem>> -> memref<16x1664xf32, #tpu.memory_space<vmem>>
          %gather3A_480 = tpu.vector_load_idx %gather3A_479[%iota3A, %broadcast_in_dim3A_475] : memref<16x1664xf32, #tpu.memory_space<vmem>>[vector<16xi32>, vector<16xi32>], vector<16xf32>,
          %mul3A_481 = arith.constant 16 : i32
          %mul3A_482 = arith.muli %scan3A_288, %mul3A_481 : i32
          %add3A_483 = arith.constant 11 : i32
          %add3A_484 = arith.addi %mul3A_482, %add3A_483 : i32
          %swap3A_485 = arith.index_cast %and3A_259 : i32 to index
          %swap3A_486 = arith.index_cast %add3A_484 : i32 to index
          %swap3A_487 = arith.constant 0 : index
          %swap3A_488 = tpu.vector_load %arg12[%swap3A_485, %swap3A_486, %swap3A_487] {strides = array<i32>} : memref<2x64x128xf32, #tpu.memory_space<vmem>>, vector<16xf32>,
          tpu.vector_store %arg12[%swap3A_485, %swap3A_486, %swap3A_487], %gather3A_480 {strides = array<i32>} : memref<2x64x128xf32, #tpu.memory_space<vmem>>, vector<16xf32>,
          %slice3A_489 = vector.extract_strided_slice %min3A_300 {offsets = [12], sizes = [1], strides = [1]} : vector<16xi32> to vector<1xi32>
          %squeeze3A_490 = vector.extract %slice3A_489[0] : i32 from vector<1xi32>
          %broadcast_in_dim3A_491 = vector.broadcast %squeeze3A_490 : i32 to vector<16xi32>
          %gather3A_492 = arith.constant 0 : i32
          %gather3A_493 = arith.constant 0 : i32
          %gather3A_494 = tpu.memref_slice %arg6[%and3A_79, %gather3A_492, %gather3A_493] : memref<2x16x1664xf32, #tpu.memory_space<vmem>> -> memref<1x16x1664xf32, #tpu.memory_space<vmem>>
          %gather3A_495 = tpu.memref_squeeze %gather3A_494 : memref<1x16x1664xf32, #tpu.memory_space<vmem>> -> memref<16x1664xf32, #tpu.memory_space<vmem>>
          %gather3A_496 = tpu.vector_load_idx %gather3A_495[%iota3A, %broadcast_in_dim3A_491] : memref<16x1664xf32, #tpu.memory_space<vmem>>[vector<16xi32>, vector<16xi32>], vector<16xf32>,
          %mul3A_497 = arith.constant 16 : i32
          %mul3A_498 = arith.muli %scan3A_288, %mul3A_497 : i32
          %add3A_499 = arith.constant 12 : i32
          %add3A_500 = arith.addi %mul3A_498, %add3A_499 : i32
          %swap3A_501 = arith.index_cast %and3A_259 : i32 to index
          %swap3A_502 = arith.index_cast %add3A_500 : i32 to index
          %swap3A_503 = arith.constant 0 : index
          %swap3A_504 = tpu.vector_load %arg12[%swap3A_501, %swap3A_502, %swap3A_503] {strides = array<i32>} : memref<2x64x128xf32, #tpu.memory_space<vmem>>, vector<16xf32>,
          tpu.vector_store %arg12[%swap3A_501, %swap3A_502, %swap3A_503], %gather3A_496 {strides = array<i32>} : memref<2x64x128xf32, #tpu.memory_space<vmem>>, vector<16xf32>,
          %slice3A_505 = vector.extract_strided_slice %min3A_300 {offsets = [13], sizes = [1], strides = [1]} : vector<16xi32> to vector<1xi32>
          %squeeze3A_506 = vector.extract %slice3A_505[0] : i32 from vector<1xi32>
          %broadcast_in_dim3A_507 = vector.broadcast %squeeze3A_506 : i32 to vector<16xi32>
          %gather3A_508 = arith.constant 0 : i32
          %gather3A_509 = arith.constant 0 : i32
          %gather3A_510 = tpu.memref_slice %arg6[%and3A_79, %gather3A_508, %gather3A_509] : memref<2x16x1664xf32, #tpu.memory_space<vmem>> -> memref<1x16x1664xf32, #tpu.memory_space<vmem>>
          %gather3A_511 = tpu.memref_squeeze %gather3A_510 : memref<1x16x1664xf32, #tpu.memory_space<vmem>> -> memref<16x1664xf32, #tpu.memory_space<vmem>>
          %gather3A_512 = tpu.vector_load_idx %gather3A_511[%iota3A, %broadcast_in_dim3A_507] : memref<16x1664xf32, #tpu.memory_space<vmem>>[vector<16xi32>, vector<16xi32>], vector<16xf32>,
          %mul3A_513 = arith.constant 16 : i32
          %mul3A_514 = arith.muli %scan3A_288, %mul3A_513 : i32
          %add3A_515 = arith.constant 13 : i32
          %add3A_516 = arith.addi %mul3A_514, %add3A_515 : i32
          %swap3A_517 = arith.index_cast %and3A_259 : i32 to index
          %swap3A_518 = arith.index_cast %add3A_516 : i32 to index
          %swap3A_519 = arith.constant 0 : index
          %swap3A_520 = tpu.vector_load %arg12[%swap3A_517, %swap3A_518, %swap3A_519] {strides = array<i32>} : memref<2x64x128xf32, #tpu.memory_space<vmem>>, vector<16xf32>,
          tpu.vector_store %arg12[%swap3A_517, %swap3A_518, %swap3A_519], %gather3A_512 {strides = array<i32>} : memref<2x64x128xf32, #tpu.memory_space<vmem>>, vector<16xf32>,
          %slice3A_521 = vector.extract_strided_slice %min3A_300 {offsets = [14], sizes = [1], strides = [1]} : vector<16xi32> to vector<1xi32>
          %squeeze3A_522 = vector.extract %slice3A_521[0] : i32 from vector<1xi32>
          %broadcast_in_dim3A_523 = vector.broadcast %squeeze3A_522 : i32 to vector<16xi32>
          %gather3A_524 = arith.constant 0 : i32
          %gather3A_525 = arith.constant 0 : i32
          %gather3A_526 = tpu.memref_slice %arg6[%and3A_79, %gather3A_524, %gather3A_525] : memref<2x16x1664xf32, #tpu.memory_space<vmem>> -> memref<1x16x1664xf32, #tpu.memory_space<vmem>>
          %gather3A_527 = tpu.memref_squeeze %gather3A_526 : memref<1x16x1664xf32, #tpu.memory_space<vmem>> -> memref<16x1664xf32, #tpu.memory_space<vmem>>
          %gather3A_528 = tpu.vector_load_idx %gather3A_527[%iota3A, %broadcast_in_dim3A_523] : memref<16x1664xf32, #tpu.memory_space<vmem>>[vector<16xi32>, vector<16xi32>], vector<16xf32>,
          %mul3A_529 = arith.constant 16 : i32
          %mul3A_530 = arith.muli %scan3A_288, %mul3A_529 : i32
          %add3A_531 = arith.constant 14 : i32
          %add3A_532 = arith.addi %mul3A_530, %add3A_531 : i32
          %swap3A_533 = arith.index_cast %and3A_259 : i32 to index
          %swap3A_534 = arith.index_cast %add3A_532 : i32 to index
          %swap3A_535 = arith.constant 0 : index
          %swap3A_536 = tpu.vector_load %arg12[%swap3A_533, %swap3A_534, %swap3A_535] {strides = array<i32>} : memref<2x64x128xf32, #tpu.memory_space<vmem>>, vector<16xf32>,
          tpu.vector_store %arg12[%swap3A_533, %swap3A_534, %swap3A_535], %gather3A_528 {strides = array<i32>} : memref<2x64x128xf32, #tpu.memory_space<vmem>>, vector<16xf32>,
          %slice3A_537 = vector.extract_strided_slice %min3A_300 {offsets = [15], sizes = [1], strides = [1]} : vector<16xi32> to vector<1xi32>
          %squeeze3A_538 = vector.extract %slice3A_537[0] : i32 from vector<1xi32>
          %broadcast_in_dim3A_539 = vector.broadcast %squeeze3A_538 : i32 to vector<16xi32>
          %gather3A_540 = arith.constant 0 : i32
          %gather3A_541 = arith.constant 0 : i32
          %gather3A_542 = tpu.memref_slice %arg6[%and3A_79, %gather3A_540, %gather3A_541] : memref<2x16x1664xf32, #tpu.memory_space<vmem>> -> memref<1x16x1664xf32, #tpu.memory_space<vmem>>
          %gather3A_543 = tpu.memref_squeeze %gather3A_542 : memref<1x16x1664xf32, #tpu.memory_space<vmem>> -> memref<16x1664xf32, #tpu.memory_space<vmem>>
          %gather3A_544 = tpu.vector_load_idx %gather3A_543[%iota3A, %broadcast_in_dim3A_539] : memref<16x1664xf32, #tpu.memory_space<vmem>>[vector<16xi32>, vector<16xi32>], vector<16xf32>,
          %mul3A_545 = arith.constant 16 : i32
          %mul3A_546 = arith.muli %scan3A_288, %mul3A_545 : i32
          %add3A_547 = arith.constant 15 : i32
          %add3A_548 = arith.addi %mul3A_546, %add3A_547 : i32
          %swap3A_549 = arith.index_cast %and3A_259 : i32 to index
          %swap3A_550 = arith.index_cast %add3A_548 : i32 to index
          %swap3A_551 = arith.constant 0 : index
          %swap3A_552 = tpu.vector_load %arg12[%swap3A_549, %swap3A_550, %swap3A_551] {strides = array<i32>} : memref<2x64x128xf32, #tpu.memory_space<vmem>>, vector<16xf32>,
          tpu.vector_store %arg12[%swap3A_549, %swap3A_550, %swap3A_551], %gather3A_544 {strides = array<i32>} : memref<2x64x128xf32, #tpu.memory_space<vmem>>, vector<16xf32>,
          %scan3A_553 = arith.constant 0 : i32
          scf.yield %scan3A_553 : i32
        }
        %scan3A_277 = arith.constant 4 : i32
        %dma_start3A = arith.constant 0 : i32
        %dma_start3A_278 = arith.constant 0 : i32
        %dma_start3A_279 = tpu.memref_slice %arg12[%and3A_259, %dma_start3A, %dma_start3A_278] : memref<2x64x128xf32, #tpu.memory_space<vmem>> -> memref<1x64x128xf32, #tpu.memory_space<vmem>>
        %dma_start3A_280 = tpu.memref_squeeze %dma_start3A_279 : memref<1x64x128xf32, #tpu.memory_space<vmem>> -> memref<64x128xf32, #tpu.memory_space<vmem>>
        %dma_start3A_281 = arith.constant 0 : i32
        %dma_start3A_282 = tpu.memref_slice %arg11[%and3A_259, %dma_start3A_281] : memref<2x64xi32, #tpu.memory_space<vmem>> -> memref<1x64xi32, #tpu.memory_space<vmem>>
        %dma_start3A_283 = tpu.memref_squeeze %dma_start3A_282 : memref<1x64xi32, #tpu.memory_space<vmem>> -> memref<64xi32, #tpu.memory_space<vmem>>
        %dma_start3A_284 = arith.constant 0 : i32
        %dma_start3A_285 = arith.constant 0 : i32
        %dma_start3A_286 = tpu.memref_slice %arg16[%dma_start3A_284, %dma_start3A_285] : memref<4232x128xf32, #tpu.memory_space<vmem_shared>> -> memref<4232x128xf32, #tpu.memory_space<vmem_shared>>
        tpu.enqueue_indirect_dma source(%dma_start3A_280 : memref<64x128xf32, #tpu.memory_space<vmem>>) target(%dma_start3A_286 : memref<4232x128xf32, #tpu.memory_space<vmem_shared>>) offsets(%dma_start3A_283 : memref<64xi32, #tpu.memory_space<vmem>>) semaphore(%arg20 : memref<!tpu.dma_semaphore, #tpu.memory_space<semaphore_mem>>)
        %while3A_287 = arith.constant 0 : i32
        scf.yield %while3A_287 : i32
      }
      %min3A = arith.constant 2 : i32
      %min3A_235 = arith.minsi %shift_right_logical3A_222, %min3A : i32
      %while3A_236 = arith.constant 0 : i32
      %while3A_237 = arith.constant 0 : i32
      %while3A_238 = arith.subi %min3A_235, %while3A_236 : i32
      %while3A_239 = arith.addi %while3A_236, %while3A_238 : i32
      %while3A_240 = arith.constant 1 : i32
      %while3A_241 = arith.divsi %while3A_238, %while3A_240 : i32
      %while3A_242 = arith.muli %while3A_241, %while3A_240 : i32
      %while3A_243 = arith.addi %while3A_236, %while3A_242 : i32
      %while3A_244 = arith.constant 1 : i32
      %while3A_245 = scf.for %while3A_254 = %while3A_236 to %while3A_243 step %while3A_244 iter_args(%while3A_255 = %while3A_237) -> (i32)  : i32 {
        %dma_wait3A = arith.constant 0 : i32
        %dma_wait3A_256 = arith.constant 0 : i32
        %dma_wait3A_257 = arith.constant 0 : i32
        %dma_wait3A_258 = tpu.memref_slice %arg12[%dma_wait3A, %dma_wait3A_256, %dma_wait3A_257] : memref<2x64x128xf32, #tpu.memory_space<vmem>> -> memref<1x64x128xf32, #tpu.memory_space<vmem>>
        %dma_wait3A_259 = tpu.memref_squeeze %dma_wait3A_258 : memref<1x64x128xf32, #tpu.memory_space<vmem>> -> memref<64x128xf32, #tpu.memory_space<vmem>>
        %dma_wait3A_260 = arith.constant 0 : i32
        %dma_wait3A_261 = arith.constant 0 : i32
        %dma_wait3A_262 = tpu.memref_slice %arg3[%dma_wait3A_260, %dma_wait3A_261] : memref<832x100000xf32, #tpu.memory_space<hbm>> -> memref<64x128xf32, #tpu.memory_space<hbm>>
        %dma_wait3A_263 = arith.constant 0 : i32
        %dma_wait3A_264 = arith.constant 0 : i32
        %dma_wait3A_265 = tpu.memref_slice %arg12[%dma_wait3A, %dma_wait3A_263, %dma_wait3A_264] : memref<2x64x128xf32, #tpu.memory_space<vmem>> -> memref<1x64x128xf32, #tpu.memory_space<vmem>>
        %dma_wait3A_266 = tpu.memref_squeeze %dma_wait3A_265 : memref<1x64x128xf32, #tpu.memory_space<vmem>> -> memref<64x128xf32, #tpu.memory_space<vmem>>
        %dma_wait3A_267 = arith.constant 0 : i32
        %dma_wait3A_268 = arith.constant 0 : i32
        %dma_wait3A_269 = tpu.memref_slice %arg3[%dma_wait3A_267, %dma_wait3A_268] : memref<832x100000xf32, #tpu.memory_space<hbm>> -> memref<64x128xf32, #tpu.memory_space<hbm>>
        tpu.wait_dma2 semaphore(%arg20 : memref<!tpu.dma_semaphore, #tpu.memory_space<semaphore_mem>>) src(%dma_wait3A_269 : memref<64x128xf32, #tpu.memory_space<hbm>>) dst(%dma_wait3A_266 : memref<64x128xf32, #tpu.memory_space<vmem>>)
        %while3A_270 = arith.constant 0 : i32
        scf.yield %while3A_270 : i32
      }
      %while3A_246 = arith.constant 1 : i32
      %while3A_247 = scf.for %while3A_254 = %while3A_243 to %while3A_239 step %while3A_246 iter_args(%while3A_255 = %while3A_245) -> (i32)  : i32 {
        %dma_wait3A = arith.constant 0 : i32
        %dma_wait3A_256 = arith.constant 0 : i32
        %dma_wait3A_257 = arith.constant 0 : i32
        %dma_wait3A_258 = tpu.memref_slice %arg12[%dma_wait3A, %dma_wait3A_256, %dma_wait3A_257] : memref<2x64x128xf32, #tpu.memory_space<vmem>> -> memref<1x64x128xf32, #tpu.memory_space<vmem>>
        %dma_wait3A_259 = tpu.memref_squeeze %dma_wait3A_258 : memref<1x64x128xf32, #tpu.memory_space<vmem>> -> memref<64x128xf32, #tpu.memory_space<vmem>>
        %dma_wait3A_260 = arith.constant 0 : i32
        %dma_wait3A_261 = arith.constant 0 : i32
        %dma_wait3A_262 = tpu.memref_slice %arg3[%dma_wait3A_260, %dma_wait3A_261] : memref<832x100000xf32, #tpu.memory_space<hbm>> -> memref<64x128xf32, #tpu.memory_space<hbm>>
        %dma_wait3A_263 = arith.constant 0 : i32
        %dma_wait3A_264 = arith.constant 0 : i32
        %dma_wait3A_265 = tpu.memref_slice %arg12[%dma_wait3A, %dma_wait3A_263, %dma_wait3A_264] : memref<2x64x128xf32, #tpu.memory_space<vmem>> -> memref<1x64x128xf32, #tpu.memory_space<vmem>>
        %dma_wait3A_266 = tpu.memref_squeeze %dma_wait3A_265 : memref<1x64x128xf32, #tpu.memory_space<vmem>> -> memref<64x128xf32, #tpu.memory_space<vmem>>
        %dma_wait3A_267 = arith.constant 0 : i32
        %dma_wait3A_268 = arith.constant 0 : i32
        %dma_wait3A_269 = tpu.memref_slice %arg3[%dma_wait3A_267, %dma_wait3A_268] : memref<832x100000xf32, #tpu.memory_space<hbm>> -> memref<64x128xf32, #tpu.memory_space<hbm>>
        tpu.wait_dma2 semaphore(%arg20 : memref<!tpu.dma_semaphore, #tpu.memory_space<semaphore_mem>>) src(%dma_wait3A_269 : memref<64x128xf32, #tpu.memory_space<hbm>>) dst(%dma_wait3A_266 : memref<64x128xf32, #tpu.memory_space<vmem>>)
        %while3A_270 = arith.constant 0 : i32
        scf.yield %while3A_270 : i32
      }
      %eq3A_248 = arith.constant 3 : i32
      %eq3A_249 = arith.cmpi eq, %and3A_74, %eq3A_248 : i32
      %convert_element_type3A_250 = arith.extui %eq3A_249 : i1 to i32
      %cond3A_251 = arith.constant 0 : i32
      %cond3A_252 = arith.cmpi ne, %convert_element_type3A_250, %cond3A_251 : i32
      scf.if %cond3A_252 {
        %barrier3A = arith.constant 0 : index
        tpu.barrier barrier_id(%barrier3A)
        %dma_start3A = arith.constant 0 : i32
        %dma_start3A_254 = arith.constant 0 : i32
        %dma_start3A_255 = tpu.memref_slice %arg15[%dma_start3A, %dma_start3A_254] : memref<4x64xi32, #tpu.memory_space<vmem>> -> memref<1x64xi32, #tpu.memory_space<vmem>>
        %dma_start3A_256 = tpu.memref_squeeze %dma_start3A_255 : memref<1x64xi32, #tpu.memory_space<vmem>> -> memref<64xi32, #tpu.memory_space<vmem>>
        %dma_start3A_257 = arith.constant 0 : i32
        %dma_start3A_258 = arith.constant 0 : i32
        %dma_start3A_259 = tpu.memref_slice %arg16[%dma_start3A_257, %dma_start3A_258] : memref<4232x128xf32, #tpu.memory_space<vmem_shared>> -> memref<4232x128xf32, #tpu.memory_space<vmem_shared>>
        tpu.enqueue_indirect_dma source(%dma_start3A_259 : memref<4232x128xf32, #tpu.memory_space<vmem_shared>>) target(%arg13 : memref<64x128xf32, #tpu.memory_space<vmem>>) offsets(%dma_start3A_256 : memref<64xi32, #tpu.memory_space<vmem>>) semaphore(%arg19 : memref<!tpu.dma_semaphore, #tpu.memory_space<semaphore_mem>>)
        %dma_wait3A = arith.constant 0 : i32
        %dma_wait3A_260 = arith.constant 0 : i32
        %dma_wait3A_261 = tpu.memref_slice %arg15[%dma_wait3A, %dma_wait3A_260] : memref<4x64xi32, #tpu.memory_space<vmem>> -> memref<1x64xi32, #tpu.memory_space<vmem>>
        %dma_wait3A_262 = tpu.memref_squeeze %dma_wait3A_261 : memref<1x64xi32, #tpu.memory_space<vmem>> -> memref<64xi32, #tpu.memory_space<vmem>>
        %dma_wait3A_263 = arith.constant 0 : i32
        %dma_wait3A_264 = arith.constant 0 : i32
        %dma_wait3A_265 = tpu.memref_slice %arg16[%dma_wait3A_263, %dma_wait3A_264] : memref<4232x128xf32, #tpu.memory_space<vmem_shared>> -> memref<4232x128xf32, #tpu.memory_space<vmem_shared>>
        tpu.wait_indirect_dma semaphore(%arg19 : memref<!tpu.dma_semaphore, #tpu.memory_space<semaphore_mem>>) src(%dma_wait3A_265 : memref<4232x128xf32, #tpu.memory_space<vmem_shared>>) dst(%arg13 : memref<64x128xf32, #tpu.memory_space<vmem>>)
        %scan3A_266 = arith.constant 0 : i32
        %scan3A_267 = arith.constant 0 : i32
        %scan3A_268 = arith.constant 16 : i32
        %scan3A_269 = arith.addi %scan3A_267, %scan3A_268 : i32
        %scan3A_270 = arith.constant 1 : i32
        %scan3A_271 = scf.for %scan3A_346 = %scan3A_267 to %scan3A_269 step %scan3A_270 iter_args(%scan3A_347 = %scan3A_266) -> (i32)  : i32 {
          %scan3A_348 = arith.constant 0 : i32
          %scan3A_349 = arith.constant 0 : i32
          %scan3A_350 = arith.constant 4 : i32
          %scan3A_351 = arith.addi %scan3A_349, %scan3A_350 : i32
          %scan3A_352 = arith.constant 1 : i32
          %scan3A_353 = scf.for %scan3A_356 = %scan3A_349 to %scan3A_351 step %scan3A_352 iter_args(%scan3A_357 = %scan3A_348) -> (i32)  : i32 {
            %broadcast_in_dim3A = vector.broadcast %scan3A_346 : i32 to vector<16xi32>
            %mul3A_358 = arith.constant 16 : i32
            %mul3A_359 = arith.muli %scan3A_356, %mul3A_358 : i32
            %add3A_360 = vector.broadcast %mul3A_359 : i32 to vector<16xi32>
            %add3A_361 = arith.addi %iota3A, %add3A_360 : vector<16xi32>
            %gather3A = tpu.vector_load_idx %arg13[%add3A_361, %broadcast_in_dim3A] : memref<64x128xf32, #tpu.memory_space<vmem>>[vector<16xi32>, vector<16xi32>], vector<16xf32>,
            %mul3A_362 = arith.constant 16 : i32
            %mul3A_363 = arith.muli %scan3A_356, %mul3A_362 : i32
            %add3A_364 = arith.constant 0 : i32
            %add3A_365 = arith.addi %add3A_364, %mul3A_363 : i32
            %swap3A_366 = arith.index_cast %scan3A_346 : i32 to index
            %swap3A_367 = arith.index_cast %add3A_365 : i32 to index
            %swap3A_368 = tpu.vector_load %arg14[%swap3A_366, %swap3A_367] {strides = array<i32>} : memref<16x256xf32, #tpu.memory_space<vmem>>, vector<16xf32>,
            tpu.vector_store %arg14[%swap3A_366, %swap3A_367], %gather3A {strides = array<i32>} : memref<16x256xf32, #tpu.memory_space<vmem>>, vector<16xf32>,
            %scan3A_369 = arith.constant 0 : i32
            scf.yield %scan3A_369 : i32
          }
          %scan3A_354 = arith.constant 4 : i32
          %scan3A_355 = arith.constant 0 : i32
          scf.yield %scan3A_355 : i32
        }
        %scan3A_272 = arith.constant 16 : i32
        %dma_start3A_273 = arith.constant 1 : i32
        %dma_start3A_274 = arith.constant 0 : i32
        %dma_start3A_275 = tpu.memref_slice %arg15[%dma_start3A_273, %dma_start3A_274] : memref<4x64xi32, #tpu.memory_space<vmem>> -> memref<1x64xi32, #tpu.memory_space<vmem>>
        %dma_start3A_276 = tpu.memref_squeeze %dma_start3A_275 : memref<1x64xi32, #tpu.memory_space<vmem>> -> memref<64xi32, #tpu.memory_space<vmem>>
        %dma_start3A_277 = arith.constant 0 : i32
        %dma_start3A_278 = arith.constant 0 : i32
        %dma_start3A_279 = tpu.memref_slice %arg16[%dma_start3A_277, %dma_start3A_278] : memref<4232x128xf32, #tpu.memory_space<vmem_shared>> -> memref<4232x128xf32, #tpu.memory_space<vmem_shared>>
        tpu.enqueue_indirect_dma source(%dma_start3A_279 : memref<4232x128xf32, #tpu.memory_space<vmem_shared>>) target(%arg13 : memref<64x128xf32, #tpu.memory_space<vmem>>) offsets(%dma_start3A_276 : memref<64xi32, #tpu.memory_space<vmem>>) semaphore(%arg19 : memref<!tpu.dma_semaphore, #tpu.memory_space<semaphore_mem>>)
        %dma_wait3A_280 = arith.constant 1 : i32
        %dma_wait3A_281 = arith.constant 0 : i32
        %dma_wait3A_282 = tpu.memref_slice %arg15[%dma_wait3A_280, %dma_wait3A_281] : memref<4x64xi32, #tpu.memory_space<vmem>> -> memref<1x64xi32, #tpu.memory_space<vmem>>
        %dma_wait3A_283 = tpu.memref_squeeze %dma_wait3A_282 : memref<1x64xi32, #tpu.memory_space<vmem>> -> memref<64xi32, #tpu.memory_space<vmem>>
        %dma_wait3A_284 = arith.constant 0 : i32
        %dma_wait3A_285 = arith.constant 0 : i32
        %dma_wait3A_286 = tpu.memref_slice %arg16[%dma_wait3A_284, %dma_wait3A_285] : memref<4232x128xf32, #tpu.memory_space<vmem_shared>> -> memref<4232x128xf32, #tpu.memory_space<vmem_shared>>
        tpu.wait_indirect_dma semaphore(%arg19 : memref<!tpu.dma_semaphore, #tpu.memory_space<semaphore_mem>>) src(%dma_wait3A_286 : memref<4232x128xf32, #tpu.memory_space<vmem_shared>>) dst(%arg13 : memref<64x128xf32, #tpu.memory_space<vmem>>)
        %scan3A_287 = arith.constant 0 : i32
        %scan3A_288 = arith.constant 0 : i32
        %scan3A_289 = arith.constant 16 : i32
        %scan3A_290 = arith.addi %scan3A_288, %scan3A_289 : i32
        %scan3A_291 = arith.constant 1 : i32
        %scan3A_292 = scf.for %scan3A_346 = %scan3A_288 to %scan3A_290 step %scan3A_291 iter_args(%scan3A_347 = %scan3A_287) -> (i32)  : i32 {
          %scan3A_348 = arith.constant 0 : i32
          %scan3A_349 = arith.constant 0 : i32
          %scan3A_350 = arith.constant 4 : i32
          %scan3A_351 = arith.addi %scan3A_349, %scan3A_350 : i32
          %scan3A_352 = arith.constant 1 : i32
          %scan3A_353 = scf.for %scan3A_356 = %scan3A_349 to %scan3A_351 step %scan3A_352 iter_args(%scan3A_357 = %scan3A_348) -> (i32)  : i32 {
            %broadcast_in_dim3A = vector.broadcast %scan3A_346 : i32 to vector<16xi32>
            %mul3A_358 = arith.constant 16 : i32
            %mul3A_359 = arith.muli %scan3A_356, %mul3A_358 : i32
            %add3A_360 = vector.broadcast %mul3A_359 : i32 to vector<16xi32>
            %add3A_361 = arith.addi %iota3A, %add3A_360 : vector<16xi32>
            %gather3A = tpu.vector_load_idx %arg13[%add3A_361, %broadcast_in_dim3A] : memref<64x128xf32, #tpu.memory_space<vmem>>[vector<16xi32>, vector<16xi32>], vector<16xf32>,
            %mul3A_362 = arith.constant 16 : i32
            %mul3A_363 = arith.muli %scan3A_356, %mul3A_362 : i32
            %add3A_364 = arith.constant 64 : i32
            %add3A_365 = arith.addi %add3A_364, %mul3A_363 : i32
            %swap3A_366 = arith.index_cast %scan3A_346 : i32 to index
            %swap3A_367 = arith.index_cast %add3A_365 : i32 to index
            %swap3A_368 = tpu.vector_load %arg14[%swap3A_366, %swap3A_367] {strides = array<i32>} : memref<16x256xf32, #tpu.memory_space<vmem>>, vector<16xf32>,
            tpu.vector_store %arg14[%swap3A_366, %swap3A_367], %gather3A {strides = array<i32>} : memref<16x256xf32, #tpu.memory_space<vmem>>, vector<16xf32>,
            %scan3A_369 = arith.constant 0 : i32
            scf.yield %scan3A_369 : i32
          }
          %scan3A_354 = arith.constant 4 : i32
          %scan3A_355 = arith.constant 0 : i32
          scf.yield %scan3A_355 : i32
        }
        %scan3A_293 = arith.constant 16 : i32
        %dma_start3A_294 = arith.constant 2 : i32
        %dma_start3A_295 = arith.constant 0 : i32
        %dma_start3A_296 = tpu.memref_slice %arg15[%dma_start3A_294, %dma_start3A_295] : memref<4x64xi32, #tpu.memory_space<vmem>> -> memref<1x64xi32, #tpu.memory_space<vmem>>
        %dma_start3A_297 = tpu.memref_squeeze %dma_start3A_296 : memref<1x64xi32, #tpu.memory_space<vmem>> -> memref<64xi32, #tpu.memory_space<vmem>>
        %dma_start3A_298 = arith.constant 0 : i32
        %dma_start3A_299 = arith.constant 0 : i32
        %dma_start3A_300 = tpu.memref_slice %arg16[%dma_start3A_298, %dma_start3A_299] : memref<4232x128xf32, #tpu.memory_space<vmem_shared>> -> memref<4232x128xf32, #tpu.memory_space<vmem_shared>>
        tpu.enqueue_indirect_dma source(%dma_start3A_300 : memref<4232x128xf32, #tpu.memory_space<vmem_shared>>) target(%arg13 : memref<64x128xf32, #tpu.memory_space<vmem>>) offsets(%dma_start3A_297 : memref<64xi32, #tpu.memory_space<vmem>>) semaphore(%arg19 : memref<!tpu.dma_semaphore, #tpu.memory_space<semaphore_mem>>)
        %dma_wait3A_301 = arith.constant 2 : i32
        %dma_wait3A_302 = arith.constant 0 : i32
        %dma_wait3A_303 = tpu.memref_slice %arg15[%dma_wait3A_301, %dma_wait3A_302] : memref<4x64xi32, #tpu.memory_space<vmem>> -> memref<1x64xi32, #tpu.memory_space<vmem>>
        %dma_wait3A_304 = tpu.memref_squeeze %dma_wait3A_303 : memref<1x64xi32, #tpu.memory_space<vmem>> -> memref<64xi32, #tpu.memory_space<vmem>>
        %dma_wait3A_305 = arith.constant 0 : i32
        %dma_wait3A_306 = arith.constant 0 : i32
        %dma_wait3A_307 = tpu.memref_slice %arg16[%dma_wait3A_305, %dma_wait3A_306] : memref<4232x128xf32, #tpu.memory_space<vmem_shared>> -> memref<4232x128xf32, #tpu.memory_space<vmem_shared>>
        tpu.wait_indirect_dma semaphore(%arg19 : memref<!tpu.dma_semaphore, #tpu.memory_space<semaphore_mem>>) src(%dma_wait3A_307 : memref<4232x128xf32, #tpu.memory_space<vmem_shared>>) dst(%arg13 : memref<64x128xf32, #tpu.memory_space<vmem>>)
        %scan3A_308 = arith.constant 0 : i32
        %scan3A_309 = arith.constant 0 : i32
        %scan3A_310 = arith.constant 16 : i32
        %scan3A_311 = arith.addi %scan3A_309, %scan3A_310 : i32
        %scan3A_312 = arith.constant 1 : i32
        %scan3A_313 = scf.for %scan3A_346 = %scan3A_309 to %scan3A_311 step %scan3A_312 iter_args(%scan3A_347 = %scan3A_308) -> (i32)  : i32 {
          %scan3A_348 = arith.constant 0 : i32
          %scan3A_349 = arith.constant 0 : i32
          %scan3A_350 = arith.constant 4 : i32
          %scan3A_351 = arith.addi %scan3A_349, %scan3A_350 : i32
          %scan3A_352 = arith.constant 1 : i32
          %scan3A_353 = scf.for %scan3A_356 = %scan3A_349 to %scan3A_351 step %scan3A_352 iter_args(%scan3A_357 = %scan3A_348) -> (i32)  : i32 {
            %broadcast_in_dim3A = vector.broadcast %scan3A_346 : i32 to vector<16xi32>
            %mul3A_358 = arith.constant 16 : i32
            %mul3A_359 = arith.muli %scan3A_356, %mul3A_358 : i32
            %add3A_360 = vector.broadcast %mul3A_359 : i32 to vector<16xi32>
            %add3A_361 = arith.addi %iota3A, %add3A_360 : vector<16xi32>
            %gather3A = tpu.vector_load_idx %arg13[%add3A_361, %broadcast_in_dim3A] : memref<64x128xf32, #tpu.memory_space<vmem>>[vector<16xi32>, vector<16xi32>], vector<16xf32>,
            %mul3A_362 = arith.constant 16 : i32
            %mul3A_363 = arith.muli %scan3A_356, %mul3A_362 : i32
            %add3A_364 = arith.constant 128 : i32
            %add3A_365 = arith.addi %add3A_364, %mul3A_363 : i32
            %swap3A_366 = arith.index_cast %scan3A_346 : i32 to index
            %swap3A_367 = arith.index_cast %add3A_365 : i32 to index
            %swap3A_368 = tpu.vector_load %arg14[%swap3A_366, %swap3A_367] {strides = array<i32>} : memref<16x256xf32, #tpu.memory_space<vmem>>, vector<16xf32>,
            tpu.vector_store %arg14[%swap3A_366, %swap3A_367], %gather3A {strides = array<i32>} : memref<16x256xf32, #tpu.memory_space<vmem>>, vector<16xf32>,
            %scan3A_369 = arith.constant 0 : i32
            scf.yield %scan3A_369 : i32
          }
          %scan3A_354 = arith.constant 4 : i32
          %scan3A_355 = arith.constant 0 : i32
          scf.yield %scan3A_355 : i32
        }
        %scan3A_314 = arith.constant 16 : i32
        %dma_start3A_315 = arith.constant 3 : i32
        %dma_start3A_316 = arith.constant 0 : i32
        %dma_start3A_317 = tpu.memref_slice %arg15[%dma_start3A_315, %dma_start3A_316] : memref<4x64xi32, #tpu.memory_space<vmem>> -> memref<1x64xi32, #tpu.memory_space<vmem>>
        %dma_start3A_318 = tpu.memref_squeeze %dma_start3A_317 : memref<1x64xi32, #tpu.memory_space<vmem>> -> memref<64xi32, #tpu.memory_space<vmem>>
        %dma_start3A_319 = arith.constant 0 : i32
        %dma_start3A_320 = arith.constant 0 : i32
        %dma_start3A_321 = tpu.memref_slice %arg16[%dma_start3A_319, %dma_start3A_320] : memref<4232x128xf32, #tpu.memory_space<vmem_shared>> -> memref<4232x128xf32, #tpu.memory_space<vmem_shared>>
        tpu.enqueue_indirect_dma source(%dma_start3A_321 : memref<4232x128xf32, #tpu.memory_space<vmem_shared>>) target(%arg13 : memref<64x128xf32, #tpu.memory_space<vmem>>) offsets(%dma_start3A_318 : memref<64xi32, #tpu.memory_space<vmem>>) semaphore(%arg19 : memref<!tpu.dma_semaphore, #tpu.memory_space<semaphore_mem>>)
        %dma_wait3A_322 = arith.constant 3 : i32
        %dma_wait3A_323 = arith.constant 0 : i32
        %dma_wait3A_324 = tpu.memref_slice %arg15[%dma_wait3A_322, %dma_wait3A_323] : memref<4x64xi32, #tpu.memory_space<vmem>> -> memref<1x64xi32, #tpu.memory_space<vmem>>
        %dma_wait3A_325 = tpu.memref_squeeze %dma_wait3A_324 : memref<1x64xi32, #tpu.memory_space<vmem>> -> memref<64xi32, #tpu.memory_space<vmem>>
        %dma_wait3A_326 = arith.constant 0 : i32
        %dma_wait3A_327 = arith.constant 0 : i32
        %dma_wait3A_328 = tpu.memref_slice %arg16[%dma_wait3A_326, %dma_wait3A_327] : memref<4232x128xf32, #tpu.memory_space<vmem_shared>> -> memref<4232x128xf32, #tpu.memory_space<vmem_shared>>
        tpu.wait_indirect_dma semaphore(%arg19 : memref<!tpu.dma_semaphore, #tpu.memory_space<semaphore_mem>>) src(%dma_wait3A_328 : memref<4232x128xf32, #tpu.memory_space<vmem_shared>>) dst(%arg13 : memref<64x128xf32, #tpu.memory_space<vmem>>)
        %scan3A_329 = arith.constant 0 : i32
        %scan3A_330 = arith.constant 0 : i32
        %scan3A_331 = arith.constant 16 : i32
        %scan3A_332 = arith.addi %scan3A_330, %scan3A_331 : i32
        %scan3A_333 = arith.constant 1 : i32
        %scan3A_334 = scf.for %scan3A_346 = %scan3A_330 to %scan3A_332 step %scan3A_333 iter_args(%scan3A_347 = %scan3A_329) -> (i32)  : i32 {
          %scan3A_348 = arith.constant 0 : i32
          %scan3A_349 = arith.constant 0 : i32
          %scan3A_350 = arith.constant 4 : i32
          %scan3A_351 = arith.addi %scan3A_349, %scan3A_350 : i32
          %scan3A_352 = arith.constant 1 : i32
          %scan3A_353 = scf.for %scan3A_356 = %scan3A_349 to %scan3A_351 step %scan3A_352 iter_args(%scan3A_357 = %scan3A_348) -> (i32)  : i32 {
            %broadcast_in_dim3A = vector.broadcast %scan3A_346 : i32 to vector<16xi32>
            %mul3A_358 = arith.constant 16 : i32
            %mul3A_359 = arith.muli %scan3A_356, %mul3A_358 : i32
            %add3A_360 = vector.broadcast %mul3A_359 : i32 to vector<16xi32>
            %add3A_361 = arith.addi %iota3A, %add3A_360 : vector<16xi32>
            %gather3A = tpu.vector_load_idx %arg13[%add3A_361, %broadcast_in_dim3A] : memref<64x128xf32, #tpu.memory_space<vmem>>[vector<16xi32>, vector<16xi32>], vector<16xf32>,
            %mul3A_362 = arith.constant 16 : i32
            %mul3A_363 = arith.muli %scan3A_356, %mul3A_362 : i32
            %add3A_364 = arith.constant 192 : i32
            %add3A_365 = arith.addi %add3A_364, %mul3A_363 : i32
            %swap3A_366 = arith.index_cast %scan3A_346 : i32 to index
            %swap3A_367 = arith.index_cast %add3A_365 : i32 to index
            %swap3A_368 = tpu.vector_load %arg14[%swap3A_366, %swap3A_367] {strides = array<i32>} : memref<16x256xf32, #tpu.memory_space<vmem>>, vector<16xf32>,
            tpu.vector_store %arg14[%swap3A_366, %swap3A_367], %gather3A {strides = array<i32>} : memref<16x256xf32, #tpu.memory_space<vmem>>, vector<16xf32>,
            %scan3A_369 = arith.constant 0 : i32
            scf.yield %scan3A_369 : i32
          }
          %scan3A_354 = arith.constant 4 : i32
          %scan3A_355 = arith.constant 0 : i32
          scf.yield %scan3A_355 : i32
        }
        %scan3A_335 = arith.constant 16 : i32
        %mul3A_336 = arith.constant 32 : i32
        %mul3A_337 = arith.muli %add3A_77, %mul3A_336 : i32
        %mul3A_338 = arith.constant 16 : i32
        %mul3A_339 = arith.muli %and3A_72, %mul3A_338 : i32
        %add3A_340 = arith.addi %mul3A_337, %mul3A_339 : i32
        %multiple_of3A_341 = tpu.assume_multiple %add3A_340, 8 : i32
        %mul3A_342 = arith.constant 256 : i32
        %mul3A_343 = arith.muli %mul3A_342, %arg1 : i32
        %multiple_of3A_344 = tpu.assume_multiple %mul3A_343, 128 : i32
        "tpu.region"() ({
          %run_scoped3A = tpu.sem_alloc : memref<!tpu.dma_semaphore, #tpu.memory_space<semaphore_mem>>
          %dma_start3A_346 = tpu.memref_slice %arg5[%multiple_of3A_341, %multiple_of3A_344] : memref<832x4096xf32, #tpu.memory_space<hbm>> -> memref<16x256xf32, #tpu.memory_space<hbm>>
          %dma_start3A_347 = tpu.memref_slice %arg5[%multiple_of3A_341, %multiple_of3A_344] : memref<832x4096xf32, #tpu.memory_space<hbm>> -> memref<16x256xf32, #tpu.memory_space<hbm>>
          tpu.enqueue_dma source(%arg14 : memref<16x256xf32, #tpu.memory_space<vmem>>) target(%dma_start3A_347 : memref<16x256xf32, #tpu.memory_space<hbm>>) target_semaphore(%run_scoped3A : memref<!tpu.dma_semaphore, #tpu.memory_space<semaphore_mem>>)
          %dma_wait3A_348 = tpu.memref_slice %arg5[%multiple_of3A_341, %multiple_of3A_344] : memref<832x4096xf32, #tpu.memory_space<hbm>> -> memref<16x256xf32, #tpu.memory_space<hbm>>
          %dma_wait3A_349 = tpu.memref_slice %arg5[%multiple_of3A_341, %multiple_of3A_344] : memref<832x4096xf32, #tpu.memory_space<hbm>> -> memref<16x256xf32, #tpu.memory_space<hbm>>
          tpu.wait_dma2 semaphore(%run_scoped3A : memref<!tpu.dma_semaphore, #tpu.memory_space<semaphore_mem>>) src(%arg14 : memref<16x256xf32, #tpu.memory_space<vmem>>) dst(%dma_wait3A_349 : memref<16x256xf32, #tpu.memory_space<hbm>>)
          tpu.yield
        }) : () -> ()
        %barrier3A_345 = arith.constant 0 : index
        tpu.barrier barrier_id(%barrier3A_345)
      } else {
      }
      %scan3A_253 = arith.constant 0 : i32
      scf.yield %scan3A_253 : i32
    }
    %scan3A_64 = arith.constant 104 : i32
    return
  }
}

</mosaic_0001>

<sc_bundles>
// kernel: kernel.3.cloned.1.call-start
scs
__scs_entry_jumppad:
0x0: {  	(pc) =	sbr.rel $0x88, $3  }
0x1: {  	(tag) =	ssettag $0x0;
	lr =	simm.s32 $0x1  }
0x2: {  	[smem:$0x3F9F] =	sst lr;
	_ =	strace $0xD0000000  }
0x3: {  	_ = 	snop  }
0x4: {  	_ = 	snop  }
0x5: {  	_ = 	snop  }
0x6: {  	_ = 	snop  }
0x7: {  	_ = 	snop  }
__scs_overlays_trampoline_lowered:
0x8: {  	[smem:$0x3FAE] =	sst s0  }
0x9: {  	[smem:$0x3FAF] =	sst s1  }
0xa: {  	[smem:$0x3FB0] =	sst s2  }
0xb: {  	[smem:$0x3FB1] =	sst s3  }
0xc: {  	[smem:$0x3FB2] =	sst s4  }
0xd: {  	[smem:$0x3FB3] =	sst s5  }
0xe: {  	[smem:$0x3FB4] =	sst s6  }
0xf: {  	[smem:$0x3FB5] =	sst s7  }
0x10: {  	[smem:$0x3FB6] =	sst s8  }
0x11: {  	[smem:$0x3FB7] =	sst s9;
	s0 =	simm.s32 @!p0 $0x0  }
0x12: {  	s1 =	sld [smem:$0x3F9D];
	s0 =	simm.s32 @p0 $0x1  }
0x13: {  	[smem:$0x3FB8] =	sst s0;
	s0 =	simm.s32 @!p1 $0x0  }
0x14: {  	s2 =	sld [smem:$0x3F9C];
	s0 =	simm.s32 @p1 $0x1  }
0x15: {  	[smem:$0x3FB9] =	sst s0;
	s0 =	simm.s32 @!p2 $0x0  }
0x16: {  	s3 =	sld [smem:$0x3FDB];
	s0 =	simm.s32 @p2 $0x1  }
0x17: {  	s4 =	simm.s32 $0x1BF5;
	[smem:$0x3FBB] =	sst s0  }
0x18: {  	s0 =	sld [smem:$0x3F9E];
	_ =	swait.ge [sflag:s4], $0x0  }
0x19: {  	s7 =	sld [smem:$0x3F9F]  }
0x1a: {  	s8 =	sadd.s32 $0xFFFFE003, lr  }
0x1b: {  	s9 =	sadd.s32 $0xFFFFFEF7, lr;
	s5 =	simm.s32 $0xFFFFFFFF;
	p2 =	slt.u32 s8, $0xFFFFF086  }
0x1c: {  	p1 =	slt.u32 s9, $0xF7A;
	s5 =	simm.s32 @!p2 $0x0  }
0x1d: {  	s5 =	simm.s32 @p1 $0x1;
	p0 =	seq.s32 s7, s2  }
0x1e: {  	s7 =	smul.u32 @!p0 $0xF7A, s2;
	p2 =	seq.s32 @!p0 s5, $0x0  }
0x1f: {  	s9 =	smul.u32 $0xF7A, s1;
	s8 =	simm.s32 @!p0 $0x1BF5;
	p2 =	por !p2, p0  }
0x20: {  	[sflag:s8] =	ssyncset.s32 @!p0 $0xFFFFF086;
	s6 =	sadd.s32 @!p0 s3, s7;
	s7 =	simm.s32 @!p0 $0x108  }
0x21: {  	s3 =	sadd.s32 s3, s9;
	s6 =	sadd.s32 @!p0 $0x88, s6;
	s7 =	simm.s32 @p2 $0x1082  }
0x22: {  	[simem:s7], [sflag:s8] =	dma.local @!p0 [hbm:s6], $0xF7A  }
0x23: {  	s9 =	sor.u32 $0xD0000000, s2;
	s6 =	simm.s32 $0x108;
	_ =	swait.ge @!p0 [sflag:s8], $0x0  }
0x24: {  	s3 =	sadd.s32 $0x88, s3;
	s6 =	simm.s32 @!p1 $0x1082;
	[sflag:s4] =	ssyncset.s32 $0xFFFFF086  }
0x25: {  	[simem:s6], [sflag:s4] =	dma.local [hbm:s3], $0xF7A  }
0x26: {  	[smem:$0x3F9F] =	sst s1;
	(tag) =	ssettag s2;
	_ =	strace s9  }
0x27: {  	s1 =	sld [smem:$0x3FAF]  }
0x28: {  	s2 =	sld [smem:$0x3FB0]  }
0x29: {  	s4 =	sld [smem:$0x3FB2]  }
0x2a: {  	p0 =	seq.s32 s5, $0x0;
	s5 =	sld [smem:$0x3FB3]  }
0x2b: {  	s6 =	sld [smem:$0x3FB4]  }
0x2c: {  	s7 =	sld [smem:$0x3FB5]  }
0x2d: {  	s3 =	simm.s32 $0x108;
	s8 =	sld [smem:$0x3FB6]  }
0x2e: {  	s3 =	simm.s32 @!p0 $0x1082;
	s9 =	sld [smem:$0x3FB7]  }
0x2f: {  	lr =	sadd.s32 s0, s3;
	s0 =	sld [smem:$0x3FAE]  }
0x30: {  	s3 =	sld [smem:$0x3FB1]  }
0x31: {  	[smem:$0x3FBA] =	sst s10  }
0x32: {  	s10 =	sld [smem:$0x3FB8];
	_ =	sdelay $0x3  }
0x33: {  	p0 =	seq.s32 s10, $0x1;
	s10 =	sld [smem:$0x3FBA];
	_ =	sdelay $0x3  }
0x34: {  	[smem:$0x3FBA] =	sst s10  }
0x35: {  	s10 =	sld [smem:$0x3FB9];
	_ =	sdelay $0x3  }
0x36: {  	p1 =	seq.s32 s10, $0x1;
	s10 =	sld [smem:$0x3FBA];
	_ =	sdelay $0x3  }
0x37: {  	[smem:$0x3FBA] =	sst s10  }
0x38: {  	s10 =	sld [smem:$0x3FBB]  }
0x39: {  	_ = 	snop;
	(pc) =	sbr.ind lr, $3  }
0x3a: {  	_ = 	snop  }
0x3b: {  	_ = 	snop  }
0x3c: {  	p2 =	seq.s32 s10, $0x1;
	s10 =	sld [smem:$0x3FBA]  }
0x3d: {  	_ =	shalt  }
0x3e: {  	_ =	shalt  }
0x3f: {  	_ =	shalt  }
0x40: {  	_ =	shalt  }
0x41: {  	_ =	shalt  }
0x42: {  	_ =	shalt  }
0x43: {  	_ =	shalt  }
0x44: {  	_ =	shalt  }
0x45: {  	_ =	shalt  }
0x46: {  	_ =	shalt  }
0x47: {  	_ =	shalt  }
0x48: {  	_ =	shalt  }
0x49: {  	_ =	shalt  }
0x4a: {  	_ =	shalt  }
0x4b: {  	_ =	shalt  }
0x4c: {  	_ =	shalt  }
0x4d: {  	_ =	shalt  }
0x4e: {  	_ =	shalt  }
0x4f: {  	_ =	shalt  }
0x50: {  	_ =	shalt  }
0x51: {  	_ =	shalt  }
0x52: {  	_ =	shalt  }
0x53: {  	_ =	shalt  }
0x54: {  	_ =	shalt  }
0x55: {  	_ =	shalt  }
0x56: {  	_ =	shalt  }
0x57: {  	_ =	shalt  }
0x58: {  	_ =	shalt  }
0x59: {  	_ =	shalt  }
0x5a: {  	_ =	shalt  }
0x5b: {  	_ =	shalt  }
0x5c: {  	_ =	shalt  }
0x5d: {  	_ =	shalt  }
0x5e: {  	_ =	shalt  }
0x5f: {  	_ =	shalt  }
0x60: {  	_ =	shalt  }
0x61: {  	_ =	shalt  }
0x62: {  	_ =	shalt  }
0x63: {  	_ =	shalt  }
0x64: {  	_ =	shalt  }
0x65: {  	_ =	shalt  }
0x66: {  	_ =	shalt  }
0x67: {  	_ =	shalt  }
0x68: {  	_ =	shalt  }
0x69: {  	_ =	shalt  }
0x6a: {  	_ =	shalt  }
0x6b: {  	_ =	shalt  }
0x6c: {  	_ =	shalt  }
0x6d: {  	_ =	shalt  }
0x6e: {  	_ =	shalt  }
0x6f: {  	_ =	shalt  }
0x70: {  	_ =	shalt  }
0x71: {  	_ =	shalt  }
0x72: {  	_ =	shalt  }
0x73: {  	_ =	shalt  }
0x74: {  	_ =	shalt  }
0x75: {  	_ =	shalt  }
0x76: {  	_ =	shalt  }
0x77: {  	_ =	shalt  }
0x78: {  	_ =	shalt  }
0x79: {  	_ =	shalt  }
0x7a: {  	_ =	shalt  }
0x7b: {  	_ =	shalt  }
0x7c: {  	_ =	shalt  }
0x7d: {  	_ =	shalt  }
0x7e: {  	_ =	shalt  }
0x7f: {  	_ =	shalt  }
0x80: {  	_ =	shalt  }
0x81: {  	_ =	shalt  }
0x82: {  	_ =	shalt  }
0x83: {  	_ =	shalt  }
0x84: {  	_ =	shalt  }
0x85: {  	_ =	shalt  }
0x86: {  	_ =	shalt  }
0x87: {  	_ =	shalt  }
.Lfunc_end0:
.L_simem_size_0:
called_computation_lowered:
.L_overlay_start_0:
0x88: {  	s2 =	sld [smem:$0x3FD9]  }
0x89: {  	s3 =	sld [smem:$0x3FFE];
	_ =	sdelay $0x1  }
0x8a: {  	s1 =	srdreg.scid  }
0x8b: {  	s0 =	sand.u32 $0x1, s1  }
0x8c: {  	s17 =	sshll.u32 s0, $0xA;
	s2 =	sadd.s32 s3, s2  }
0x8d: {  	s2 =	sadd.s32 s2, s17  }
0x8e: {  	[smem:$0x3FC6] =	sst s2  }
0x8f: {  	_ = 	snop  }
0x90: {  	s2 =	sld [smem:$0x3FC8]  }
0x91: {  	s18 =	sld [smem:$0x3FD0];
	(tm) =	ssettm $0x1  }
0x92: {  	s4 =	sld [smem:$0x3FFB];
	_ =	sdelay $0x3  }
0x93: {  	_ =	strace s4  }
0x94: {  	s4 =	sld [smem:$0x3FFC];
	_ =	sdelay $0x3  }
0x95: {  	_ =	strace s4  }
0x96: {  	s4 =	sld [smem:$0x3FFD];
	_ =	sdelay $0x3  }
0x97: {  	_ =	strace s4  }
0x98: {  	_ =	strace $0x8FFFFFFF  }
0x99: {  	s19 =	sld [smem:$0x3FDB];
	_ =	sdelay $0x1  }
0x9a: {  	s5 =	simm.s32 $_scs_section_size  }
0x9b: {  	s6 =	simm.s32 $_size__tile_overlayer_lowered;
	s7 =	simm.s32 $_tile_overlayer_lowered  }
0x9c: {  	s22 =	simm.s32 $0x1BFF;
	s21 =	sshll.u32 s7, $0x1;
	s4 =	sadd.s32 s5, s19  }
0x9d: {  	s8 =	simm.s32 $0x0;
	s20 =	sshll.u32 s6, $0x1;
	s6 =	sadd.s32 s21, s4  }
0x9e: {  	[timem:s8], [sflag:s22] =	dma.local [hbm:s6], s20  }
0x9f: {  	_ =	swait.ge [sflag:s22], s20  }
0xa0: {  	s5 =	ssub.s32 $0x0, s20;
	[sflag:s22] =	ssyncset.done $0x0  }
0xa1: {  	[sflag:s22] =	ssyncadd.s32 s5;
	_ =	sdelay $0x1  }
0xa2: {  	s23 =	simm.s32 $0x1B8B  }
0xa3: {  	_ =	swait.ge [sflag:s23], $0x1  }
0xa4: {  	[sflag:s23] =	ssyncset.done $0x0  }
0xa5: {  	s25 =	simm.s32 $0x1B8E;
	s24 =	sld [smem:$0x3FFE];
	[sflag:s23] =	ssyncadd.s32 $0xFFFFFFFF  }
0xa6: {  	s26 =	simm.s32 $execute0_lowered;
	[smem:$0x3FD2] =	sst s25  }
0xa7: {  	s6 =	sshll.u32 s26, $0x1;
	_ =	strace $0x80000046;
	[dreg:$0x1] =	wrdreg $0xFFFFFFFF  }
0xa8: {  	s28 =	simm.s32 $_size_execute0_lowered;
	s4 =	sadd.s32 s4, s6;
	[dreg:$0x0] =	wrdreg $0x0  }
0xa9: {  	s6 =	sshll.u32 s28, $0x1;
	[dreg:$0x2] =	wrdreg s4  }
0xaa: {  	[dreg:$0x3] =	wrdreg s6  }
0xab: {  	[dreg:$0x4] =	wrdreg $0xC0  }
0xac: {  	_ =	task [dreg:s8], $0x5FFFF  }
0xad: {  	[dreg:$0x1] =	wrdreg $0xFFFFFFFF  }
0xae: {  	[dreg:$0x0] =	wrdreg $0x60  }
0xaf: {  	[dreg:$0x2] =	wrdreg s24  }
0xb0: {  	[dreg:$0x3] =	wrdreg s2  }
0xb1: {  	[dreg:$0x4] =	wrdreg s18  }
0xb2: {  	[dreg:$0x5] =	wrdreg $0x174000  }
0xb3: {  	[dreg:$0x6] =	wrdreg $0x9  }
0xb4: {  	_ =	task.clear_ibuf [dreg:s8], $0x7FFFF;
	_ =	strace $0x90000046  }
0xb5: {  	s29 =	simm.s32 $0x9;
	_ =	strace $0x80000048  }
0xb6: {  	_ =	swait.ge [sflag:s29], $0x1  }
0xb7: {  	[sflag:s29] =	ssyncadd.s32 $0xFFFFFFFF  }
0xb8: {  	_ =	strace $0x90000048  }
0xb9: {  	_ =	sfence  }
0xba: {  	s30 =	sld [smem:$0x0];
	_ =	sdelay $0x2  }
0xbb: {  	s31 =	sshll.u32 s1, $0xD;
	s1 =	sshrl.u32 s1, $0x2  }
0xbc: {  	s3 =	sand.u32 $0x4000, s31;
	s1 =	sadd.s32 s1, s30  }
0xbd: {  	s0 =	sor.u32 s3, s0;
	s1 =	sshll.u32 s1, $0x11  }
0xbe: {  	s0 =	sor.u32 s1, s0  }
0xbf: {  	s0 =	sadd.s32 $0x8F2B, s0  }
0xc0: {  	[sflag:s0] =	ssyncadd.remote.s32 $0x1  }
0xc1: {  	_ =	sfence.sel $0xFFFF  }
0xc2: {  	[dreg:$0x0] =	wrdreg $0xFFFFFFFF;
	(pc) =	sbr.abs _section_cstart, $3  }
0xc3: {  	[dreg:$0x1] =	wrdreg $0xFFFFFFFF  }
0xc4: {  	_ =	task.clear_ibuf [dreg:s8], $0x2FFFF;
	_ =	strace $0x9FFFFFFF  }
0xc5: {  	(tm) =	ssettm $0x7FFFFFFF  }
tec
execute0_lowered:
.L_overlay_start_1:
0x0: {  	(tag) =	ssettag $0x1  }
0x1: {  	s0 =	rddreg [dreg:$0x0]  }
0x2: {  	v0 =	vimm.s32 $0x3780;
	vm0 =	vcmask $0x300;
	s9 =	rddreg [dreg:$0x1]  }
0x3: {  	vm1 =	vcmask $0x704;
	s1 =	rddreg [dreg:$0x2];
	v0 =	vsel vm0, $0x0, v0  }
0x4: {  	vm2 =	vcmask $0xB08;
	s14 =	rddreg [dreg:$0x3];
	s3 =	srdreg.scid;
	v0 =	vsel vm1, $0x80, v0  }
0x5: {  	vm3 =	vcmask $0xF0C;
	vm4 =	vcmask $0x1310;
	s2 =	simm.s32 $0x0;
	s15 =	stileid.u32;
	s19 =	simm.s32 $0x2;
	v0 =	vsel vm2, $0x100, v0  }
0x6: {  	vm5 =	vcmask $0x1714;
	vm6 =	vcmask $0x1B18;
	s20 =	simm.s32 $0x40;
	s21 =	simm.s32 $0x17200;
	s22 =	simm.s32 $0x14200;
	v0 =	vsel vm3, $0x180, v0  }
0x7: {  	vm8 =	vcmask $0x2320;
	vm9 =	vcmask $0x2724;
	s23 =	simm.s32 $0x3;
	s24 =	simm.s32 $0x17280;
	s25 =	simm.s32 $0x17300;
	v1 =	vsel vm4, $0x200, v0  }
0x8: {  	vm10 =	vcmask $0x2B28;
	v7 =	vimm.s32 $0xECA86420;
	s30 =	simm.s32 $0x800;
	s31 =	simm.s32 $0x8000;
	s4 =	sand.u32 $0x1, s3;
	v2 =	vsel vm5, $0x280, v1  }
0x9: {  	vm11 =	vcmask $0x2F2C;
	[smem:$0x7FF] =	sst s2;
	s6 =	smul.u32 $0x3400, s15;
	s26 =	sadd.s32 $0x400, s0;
	vm3 =	vcmask $0x1F1C;
	v3 =	vsel vm6, $0x300, v2  }
0xa: {  	vm7 =	vcmask $0x3B38;
	vm12 =	vmmov $0xff;
	s0 =	sadd.s32 $0x3800, s0;
	_ =	strace $0x80000047;
	s7 =	ssub.s32 $0x2, s4;
	v4 =	vsel vm3, $0x380, v3  }
0xb: {  	v10 =	vimm.s32 $0x0;
	v9 =	vunpack.c.l.s4.s8 v7;
	[dreg:$0x9] =	wrdreg s26;
	s17 =	smul.u32 $0xD, s4;
	s28 =	sshrl.u32 s7, $0x1;
	v5 =	vsel vm8, $0x3400, v4  }
0xc: {  	s5 =	smul.u32 $0x27B6000, s4;
	[dreg:$0xa] =	wrdreg s0;
	vm1 =	vcmask $0x3734;
	s0 =	ssub.s32 s7, s28;
	v1 =	vlaneseq.u32;
	v6 =	vsel vm9, $0x3480, v5  }
.Ltmp0:
0xd: {  	s7 =	sshll.u32 s15, $0x8;
	[dreg:$0xd] =	wrdreg s17;
	v0 =	vmov s15;
	v2 =	vmul.u32 $0x80, v1;
	v6 =	vsel vm10, $0x3500, v6;
	(pc) =	sbr.rel .LBB2_1-.Ltmp0, $4  }
0xe: {  	s5 =	sadd.s32 s6, s5;
	s0 =	smax.u32 s0, $0x1;
	[dreg:$0xb] =	wrdreg s7;
	v11 =	vmul.u32 $0x20000, v1;
	vm3 =	vcmask $0x3330;
	v6 =	vsel vm11, $0x3580, v6  }
0xf: {  	s5 =	sshrl.u32 s5, $0x3;
	s18 =	sadd.s32 s1, s7;
	[dreg:$0xf] =	wrdreg s0;
	v3 =	vmul.u32 $0x1000, v1;
	v4 =	vor.u32 $0x800, v2;
	v8 =	vsel vm3, $0x3600, v6  }
0x10: {  	s3 =	simm.s32 $0x4;
	s29 =	sadd.s32 s9, s5;
	[dreg:$0xe] =	wrdreg s18;
	v5 =	vor.u32 $0x1000, v2;
	v6 =	vor.u32 $0x1800, v2;
	v7 =	vsel vm1, $0x3680, v8  }
0x11: {  	s26 =	simm.s32 $0x17380;
	s1 =	simm.s32 $0x0;
	[dreg:$0xc] =	wrdreg s29;
	v8 =	vunpack.c.0.s8.s32 v9;
	v9 =	vmul.u32 $0x2, v1;
	v7 =	vsel vm7, $0x3700, v7  }
.LBB2_42:
0x12: {  	s1 =	rddreg [dreg:$0x10]  }
0x13: {  	s0 =	rddreg [dreg:$0xf];
	s1 =	sadd.s32 $0x1, s1  }
0x14: {  	p0 =	sne.s32 s1, s0  }
.Ltmp1:
0x15: {  	_ = 	snop;
	(pc) =	sbr.rel @!p0 .LBB2_43-.Ltmp1, $1  }
0x16: {  	_ =	sdelay $0x3  }
.LBB2_1:
0x17: {  	s2 =	simm.s32 $0x0  }
0x18: {  	s0 =	sadd.s32 $0x0, s7;
	s29 =	sand.u32 $0x30, s2;
	s4 =	sand.u32 $0x180, s2  }
0x19: {  	[dreg:$0x10] =	wrdreg s1;
	v12 =	vor.u32 s0, v1;
	s1 =	sor.u32 s29, s4  }
0x1a: {  	s0 =	simm.s32 $0x10;
	[tilespmem:s1+$0x17200] =	vst v12;
	s1 =	simm.s32 $0x0  }
.LBB2_2:
0x1b: {  	p0 =	sne.s32 s0, $0xF0  }
.Ltmp2:
0x1c: {  	_ = 	snop;
	(pc) =	sbr.rel @p0 .LBB2_2-.Ltmp2, $4  }
0x1d: {  	s1 =	sadd.s32 $0x20, s1  }
0x1e: {  	s4 =	sadd.s32 s0, s7;
	s5 =	sand.u32 $0x30, s0;
	s6 =	sand.u32 $0x180, s1  }
0x1f: {  	v12 =	vor.u32 s4, v1;
	s29 =	sor.u32 s5, s6  }
0x20: {  	s0 =	sadd.s32 $0x10, s0;
	[tilespmem:s29+$0x17200] =	vst v12  }
.Ltmp3:
0x21: {  	(pc) =	sbr.rel .LBB2_4-.Ltmp3, $4  }
0x22: {  	_ = 	snop  }
0x23: {  	s13 =	simm.s32 $0x0  }
0x24: {  	s0 =	rddreg [dreg:$0xc];
	s1 =	simm.s32 $0x3400;
	s2 =	simm.s32 $0xC3800  }
0x25: {  	[tilespmem:s13], [sflag:$0x1] =	stream.strided.gather [hbm4b:s0+s1], $0x6800, s2, s1, $0x38;
	[tilespmem:$0x1F840] =	vst v63  }
.LBB2_41:
0x26: {  	s13 =	sadd.s32 $0x1, s13  }
0x27: {  	p0 =	sne.s32 s13, $0x68  }
.Ltmp4:
0x28: {  	_ = 	snop;
	(pc) =	sbr.rel @!p0 .LBB2_42-.Ltmp4, $1  }
0x29: {  	_ =	sdelay $0x3  }
.LBB2_4:
0x2a: {  	p0 =	seq.s32 s13, $0x67  }
.Ltmp5:
0x2b: {  	_ = 	snop;
	(pc) =	sbr.rel @p0 .LBB2_12-.Ltmp5, $3  }
0x2c: {  	_ =	sdelay $0x1  }
0x2d: {  	s0 =	sshrl.u32 s13, $0x3  }
0x2e: {  	s28 =	sand.u32 $0x1, s13;
	s16 =	sadd.s32 s17, s0  }
0x2f: {  	s5 =	sadd.s32 $0x1, s13  }
0x30: {  	s4 =	sshll.u32 s5, $0x4  }
0x31: {  	p1 =	seq.s32 s28, $0x1;
	s0 =	sshrl.u32 s5, $0x3;
	s4 =	sand.u32 $0x30, s4  }
0x32: {  	s6 =	sshll.u32 s5, $0x2;
	s0 =	sadd.s32 s17, s0;
	s4 =	sor.u32 s15, s4  }
0x33: {  	s6 =	sand.u32 $0x10, s6;
	s0 =	sshll.u32 s0, $0x5;
	p2 =	sgt.u32 s4, $0x3B  }
0x34: {  	s0 =	sor.u32 s6, s0;
	p0 =	por !p1, p2  }
0x35: {  	s6 =	sshrl.u32 @!p0 s0, $0x3;
	s8 =	smul.u32 @!p0 $0x3400, s4  }
0x36: {  	s6 =	smul.u32 @!p0 $0xC3800, s6;
	_ =	sdelay $0x1  }
0x37: {  	s6 =	sadd.s32 @!p0 s8, s6  }
0x38: {  	s5 =	sand.u32 $0x1, s5;
	s10 =	simm.s32 @!p0 $0xC3800;
	s6 =	sshrl.u32 @!p0 s6, $0x3  }
0x39: {  	s11 =	simm.s32 @!p0 $0x0;
	s8 =	simm.s32 @!p0 $0x3400;
	s6 =	sadd.s32 @!p0 s9, s6  }
0x3a: {  	[tilespmem:s11], [sflag:$0x1] =	stream.strided.gather @!p0 [hbm4b:s6+s8], $0x6800, s10, s8, $0x38;
	[tilespmem:$0x1F840] =	vst v63  }
0x3b: {  	p0 =	seq.s32 s5, $0x1  }
0x3c: {  	p2 =	por p2, !p0  }
.Ltmp6:
0x3d: {  	_ = 	snop;
	(pc) =	sbr.rel @p2 .LBB2_7-.Ltmp6, $1  }
0x3e: {  	_ =	sdelay $0x3  }
0x3f: {  	s0 =	sshrl.u32 s0, $0x3;
	s4 =	smul.u32 $0x3400, s4  }
0x40: {  	s0 =	smul.u32 $0xC3800, s0  }
.Ltmp7:
0x41: {  	_ = 	snop;
	(pc) =	sbr.rel .LBB2_8-.Ltmp7, $4  }
0x42: {  	s0 =	sadd.s32 s4, s0  }
0x43: {  	s1 =	simm.s32 $0x3400;
	s0 =	sshrl.u32 s0, $0x3  }
0x44: {  	s2 =	simm.s32 $0xC3800;
	s29 =	simm.s32 $0x6800;
	s0 =	sadd.s32 s9, s0  }
0x45: {  	[tilespmem:s29], [sflag:$0x2] =	stream.strided.gather [hbm4b:s0+s1], $0x6800, s2, s1, $0x38;
	[tilespmem:$0x1F840] =	vst v63  }
.LBB2_7:
0x46: {  	p2 =	seq.s32 s4, $0x3C  }
0x47: {  	p1 =	por !p2, !p1  }
0x48: {  	p1 =	por !p1, !p1  }
0x49: {  	s4 =	sshrl.u32 @p1 s0, $0x3  }
0x4a: {  	s4 =	smul.u32 @p1 $0xC3800, s4;
	_ =	sdelay $0x1  }
0x4b: {  	s4 =	sshrl.u32 @p1 s4, $0x3  }
0x4c: {  	s4 =	sadd.s32 @p1 s9, s4  }
0x4d: {  	s6 =	simm.s32 @p1 $0x0;
	p3 =	por @p1 $0x1, $0x1;
	s5 =	sadd.s32 @p1 $0x18600, s4  }
0x4e: {  	[tilespmem:s6], [sflag:$0x1] =	stream.linear.gather @p1 [hbm4b:s5+s6], $0x400, $0x38;
	[tilespmem:$0x1F840] =	vst v63  }
0x4f: {  	p3 =	por @!p1 p2, p2;
	s4 =	sadd.s32 @p1 $0x30D00, s4;
	s5 =	simm.s32 @p1 $0x3400  }
0x50: {  	[tilespmem:s5], [sflag:$0x1] =	stream.linear.gather @p1 [hbm4b:s4+s6], $0x400, $0x38;
	[tilespmem:$0x1F840] =	vst v63  }
0x51: {  	s1 =	rddreg [dreg:$0xa];
	p0 =	por !p3, !p0;
	s4 =	sshll.u32 @p1 s0, $0x4  }
0x52: {  	p0 =	por !p0, !p0;
	s5 =	simm.s32 @p1 $0x400;
	s4 =	sadd.s32 @p1 s1, s4  }
0x53: {  	[tilespmem:s5], [sflag:$0x1] =	stream.linear.gather @p1 [hbm4b:s4+s6], $0x400, $0x38;
	[tilespmem:$0x1F840] =	vst v63  }
0x54: {  	s5 =	sshrl.u32 @p0 s0, $0x3  }
0x55: {  	s8 =	simm.s32 @p1 $0x3800;
	s4 =	sadd.s32 @p1 $0x80, s4;
	s5 =	smul.u32 @p0 $0xC3800, s5  }
0x56: {  	[tilespmem:s8], [sflag:$0x1] =	stream.linear.gather @p1 [hbm4b:s4+s6], $0x400, $0x38;
	[tilespmem:$0x1F840] =	vst v63  }
0x57: {  	s4 =	sshrl.u32 @p0 s5, $0x3  }
0x58: {  	s4 =	sadd.s32 @p0 s9, s4  }
0x59: {  	s6 =	simm.s32 @p0 $0x0;
	s8 =	simm.s32 @p0 $0x6800;
	s5 =	sadd.s32 @p0 $0x18600, s4  }
0x5a: {  	[tilespmem:s8], [sflag:$0x2] =	stream.linear.gather @p0 [hbm4b:s5+s6], $0x400, $0x38;
	[tilespmem:$0x1F840] =	vst v63  }
0x5b: {  	s0 =	sshll.u32 @p0 s0, $0x4;
	s4 =	sadd.s32 @p0 $0x30D00, s4;
	s5 =	simm.s32 @p0 $0x9C00  }
0x5c: {  	[tilespmem:s5], [sflag:$0x2] =	stream.linear.gather @p0 [hbm4b:s4+s6], $0x400, $0x38;
	[tilespmem:$0x1F840] =	vst v63  }
0x5d: {  	s0 =	sadd.s32 @p0 s1, s0;
	s4 =	simm.s32 @p0 $0x6C00  }
0x5e: {  	[tilespmem:s4], [sflag:$0x2] =	stream.linear.gather @p0 [hbm4b:s0+s6], $0x400, $0x38;
	[tilespmem:$0x1F840] =	vst v63  }
0x5f: {  	s0 =	sadd.s32 @p0 $0x80, s0;
	s4 =	simm.s32 @p0 $0xA000  }
0x60: {  	[tilespmem:s4], [sflag:$0x2] =	stream.linear.gather @p0 [hbm4b:s0+s6], $0x400, $0x38;
	[tilespmem:$0x1F840] =	vst v63  }
.LBB2_8:
0x61: {  	s0 =	sand.u32 $0x7, s13  }
0x62: {  	p0 =	sne.s32 s0, $0x0  }
.Ltmp8:
0x63: {  	_ = 	snop;
	(pc) =	sbr.rel @p0 .LBB2_12-.Ltmp8, $1  }
0x64: {  	_ =	sdelay $0x3  }
0x65: {  	[dreg:$0x13] =	wrdreg s28  }
0x66: {  	[dreg:$0x11] =	wrdreg s13  }
0x67: {  	[dreg:$0x12] =	wrdreg s16  }
0x68: {  	s0 =	sshll.u32 s16, $0x9;
	s1 =	rddreg [dreg:$0x9];
	s4 =	simm.s32 $0x0  }
0x69: {  	s7 =	simm.s32 $0xD000;
	s31 =	simm.s32 $0x5;
	s0 =	sadd.s32 s1, s0  }
0x6a: {  	[tilespmem:s7], [sflag:$0x5] =	stream.linear.gather [hbm4b:s0+s4], $0x1000, $0x38;
	[tilespmem:$0x1F840] =	vst v63  }
0x6b: {  	_ =	swait.ge [sflag:s31], $0x1000  }
0x6c: {  	[sflag:s31] =	ssyncset.done $0x0  }
0x6d: {  	[sflag:s31] =	ssyncadd.s32 $0xFFFFF000  }
0x6e: {  	v12 =	vld [tilespmem:s7+$0x0];
	_ =	sdelay $0x4  }
0x6f: {  	(v2sf) =	vpush v12, $0x0  }
0x70: {  	(v2sf) =	vpush v12, $0x7;
	_ =	sdelay $0x2  }
0x71: {  	(v2sf) =	vpush v12, $0x1  }
0x72: {  	(v2sf) =	vpush v12, $0x2;
	_ =	sdelay $0x1  }
0x73: {  	(v2sf) =	vpush v12, $0xE;
	_ =	sdelay $0x2  }
0x74: {  	(v2sf) =	vpush v12, $0x3  }
0x75: {  	(v2sf) =	vpush v12, $0x4;
	_ =	sdelay $0x1  }
0x76: {  	(v2sf) =	vpush v12, $0xC  }
0x77: {  	(v2sf) =	vpush v12, $0x8  }
0x78: {  	(v2sf) =	vpush v12, $0xB;
	s1 =	spop (v2sf)  }
0x79: {  	s5 =	spop (v2sf);
	s2 =	smulhi.u32 $0x4EC4EC4F, s1  }
0x7a: {  	s0 =	sshra.s32 s1, $0x1F;
	s11 =	sshra.s32 s5, $0x1F;
	s5 =	smulhi.u32 $0x4EC4EC4F, s5  }
0x7b: {  	s0 =	smul.u32 $0x4EC4EC4F, s0  }
0x7c: {  	s10 =	spop (v2sf);
	s11 =	smul.u32 $0x4EC4EC4F, s11  }
0x7d: {  	(v2sf) =	vpush v12, $0x9;
	s12 =	spop (v2sf);
	s20 =	smulhi.u32 $0x4EC4EC4F, s10  }
0x7e: {  	s10 =	sshra.s32 s10, $0x1F;
	s22 =	smulhi.u32 $0x4EC4EC4F, s12  }
0x7f: {  	(v2sf) =	vpush v12, $0xA;
	s3 =	spop (v2sf);
	s10 =	smul.u32 $0x4EC4EC4F, s10  }
0x80: {  	(v2sf) =	vpush v12, $0x5;
	s12 =	sshra.s32 s12, $0x1F;
	s6 =	smulhi.u32 $0x4EC4EC4F, s3  }
0x81: {  	s13 =	sshra.s32 s3, $0x1F;
	s12 =	smul.u32 $0x4EC4EC4F, s12  }
0x82: {  	(v2sf) =	vpush v12, $0x6;
	s0 =	sadd.s32 s0, s2;
	s19 =	spop (v2sf);
	s13 =	smul.u32 $0x4EC4EC4F, s13  }
0x83: {  	s21 =	spop (v2sf);
	s9 =	sshra.s32 s19, $0x1F;
	s26 =	smulhi.u32 $0x4EC4EC4F, s19  }
0x84: {  	(v2sf) =	vpush v12, $0xD;
	s8 =	sadd.s32 s11, s5;
	s3 =	sshra.s32 s21, $0x1F;
	s28 =	smul.u32 $0x4EC4EC4F, s9  }
0x85: {  	s25 =	sshra.s32 s8, $0x1F;
	s23 =	spop (v2sf);
	s3 =	smul.u32 $0x4EC4EC4F, s3  }
0x86: {  	(v2sf) =	vpush v12, $0xF;
	s24 =	spop (v2sf);
	s17 =	sshra.s32 s23, $0x1F;
	s23 =	smulhi.u32 $0x4EC4EC4F, s23  }
0x87: {  	s29 =	spop (v2sf);
	s16 =	sshra.s32 s24, $0x1F;
	s24 =	smulhi.u32 $0x4EC4EC4F, s24  }
0x88: {  	s10 =	sadd.s32 s10, s20;
	s20 =	sadd.s32 s12, s22;
	s14 =	smulhi.u32 $0x4EC4EC4F, s29  }
0x89: {  	s19 =	sshra.s32 s10, $0x1F;
	s15 =	sadd.s32 s13, s6;
	s13 =	smul.u32 $0x4EC4EC4F, s16  }
0x8a: {  	s5 =	sshrl.u32 s10, $0x1F;
	s30 =	sshra.s32 s29, $0x1F;
	s16 =	smul.u32 $0x4EC4EC4F, s17  }
0x8b: {  	s10 =	sshra.s32 s10, $0x9;
	s6 =	sshra.s32 s20, $0x9;
	s22 =	smul.u32 $0x4EC4EC4F, s30  }
0x8c: {  	s28 =	sadd.s32 s28, s26;
	s30 =	smulhi.u32 $0x4EC4EC4F, s21;
	s9 =	spop (v2sf)  }
0x8d: {  	s29 =	sshrl.u32 s20, $0x1F;
	s1 =	sshra.s32 s9, $0x1F;
	s9 =	smulhi.u32 $0x4EC4EC4F, s9  }
0x8e: {  	s23 =	sadd.s32 s16, s23;
	s18 =	spop (v2sf);
	s1 =	smul.u32 $0x4EC4EC4F, s1  }
0x8f: {  	s11 =	sshra.s32 s18, $0x1F;
	s31 =	spop (v2sf);
	s18 =	smulhi.u32 $0x4EC4EC4F, s18  }
0x90: {  	s24 =	sadd.s32 s13, s24;
	s14 =	sadd.s32 s22, s14;
	s26 =	smulhi.u32 $0x4EC4EC4F, s31  }
0x91: {  	s22 =	sshrl.u32 s28, $0x1F;
	s17 =	spop (v2sf);
	s11 =	smul.u32 $0x4EC4EC4F, s11  }
0x92: {  	s3 =	sadd.s32 s3, s30;
	s12 =	sshra.s32 s31, $0x1F;
	s2 =	smulhi.u32 $0x4EC4EC4F, s17  }
0x93: {  	v13 =	vmov s25;
	s31 =	sshra.s32 s17, $0x1F;
	s12 =	smul.u32 $0x4EC4EC4F, s12;
	s25 =	spop (v2sf)  }
0x94: {  	s17 =	sshra.s32 s0, $0x9;
	s1 =	sadd.s32 s1, s9;
	s30 =	smul.u32 $0x4EC4EC4F, s31  }
0x95: {  	v13 =	vsel vm0, s17, v13;
	s31 =	spop (v2sf);
	s17 =	sshra.s32 s28, $0x9;
	s21 =	smulhi.u32 $0x4EC4EC4F, s25  }
0x96: {  	vm13 =	vcmask $0x704;
	vm14 =	vmmov vm3;
	vm3 =	vcmask $0xF0C;
	s13 =	sadd.s32 s12, s26;
	s26 =	sshra.s32 s0, $0x1F;
	s0 =	sshrl.u32 s0, $0x1F  }
0x97: {  	vm15 =	vmmov vm11;
	s11 =	sadd.s32 s11, s18;
	v13 =	vsel vm13, s26, v13;
	s16 =	sadd.s32 s30, s2;
	s2 =	smulhi.u32 $0x4EC4EC4F, s31;
	v14 =	vmov s0  }
0x98: {  	vm11 =	vcmask $0x1F1C;
	s26 =	sshra.s32 s25, $0x1F;
	s30 =	sshra.s32 s31, $0x1F;
	s31 =	sshrl.u32 s23, $0x1F;
	v13 =	vsel vm2, s10, v13;
	v14 =	vnsel vm0, $0x0, v14  }
0x99: {  	s12 =	sshra.s32 s28, $0x1F;
	s0 =	sshrl.u32 s24, $0x1F;
	s25 =	smul.u32 $0x4EC4EC4F, s26;
	v15 =	vmov s31;
	v13 =	vsel vm3, s19, v13;
	v14 =	vsel vm2, s5, v14  }
0x9a: {  	s28 =	sshra.s32 s20, $0x1F;
	s20 =	sshrl.u32 s15, $0x1F;
	s26 =	sshra.s32 s23, $0x9;
	v17 =	vmov s0;
	v13 =	vsel vm4, s6, v13;
	v14 =	vsel vm4, s29, v14  }
0x9b: {  	s10 =	sshrl.u32 s3, $0x1F;
	v16 =	vmov s26;
	s29 =	sshrl.u32 s1, $0x1F;
	s31 =	sadd.s32 s25, s21;
	v13 =	vsel vm5, s28, v13;
	v14 =	vsel vm6, s22, v14  }
0x9c: {  	s19 =	sshrl.u32 s14, $0x1F;
	v17 =	vsel vm2, s29, v17;
	s18 =	sshra.s32 s31, $0x9;
	s0 =	sshrl.u32 s31, $0x1F;
	v13 =	vsel vm6, s17, v13;
	v14 =	vsel vm8, s10, v14  }
0x9d: {  	s26 =	sshrl.u32 s13, $0x1F;
	s21 =	sshra.s32 s15, $0x9;
	s17 =	sshra.s32 s24, $0x9;
	v16 =	vsel vm2, s18, v16;
	v15 =	vsel vm2, s0, v15;
	v13 =	vsel vm11, s12, v13  }
0x9e: {  	s28 =	smul.u32 $0x4EC4EC4F, s30;
	s24 =	sshra.s32 s3, $0x9;
	v18 =	vmov s17;
	s17 =	sshrl.u32 s11, $0x1F;
	v16 =	vsel vm4, s21, v16;
	v15 =	vsel vm4, s20, v15  }
0x9f: {  	s1 =	sshra.s32 s1, $0x9;
	s29 =	sshrl.u32 s16, $0x1F;
	s3 =	sshra.s32 s3, $0x1F;
	v14 =	vsel vm10, s26, v14;
	v13 =	vsel vm8, s24, v13;
	v17 =	vsel vm4, s17, v17  }
0xa0: {  	s30 =	sshra.s32 s13, $0x9;
	s22 =	sshra.s32 s11, $0x9;
	s2 =	sadd.s32 s28, s2;
	v18 =	vsel vm2, s1, v18;
	v14 =	vsel vm14, s29, v14;
	v13 =	vsel vm9, s3, v13  }
0xa1: {  	s10 =	sshra.s32 s13, $0x1F;
	s25 =	sshrl.u32 s2, $0x1F;
	s28 =	sshra.s32 s2, $0x9;
	v17 =	vsel vm6, s19, v17;
	v18 =	vsel vm4, s22, v18;
	v13 =	vsel vm10, s30, v13  }
0xa2: {  	s23 =	sshra.s32 s14, $0x9;
	s12 =	sshra.s32 s16, $0x9;
	v15 =	vsel vm6, s25, v15;
	v16 =	vsel vm6, s28, v16;
	v13 =	vsel vm15, s10, v13  }
0xa3: {  	s31 =	sshrl.u32 s8, $0x1F;
	s24 =	sshra.s32 s16, $0x1F;
	v18 =	vsel vm6, s23, v18;
	v15 =	vcombine.low v17, v15;
	v13 =	vsel vm14, s12, v13  }
0xa4: {  	v14 =	vsel vm7, s31, v14;
	s30 =	sshra.s32 s8, $0x9;
	v16 =	vcombine.low v18, v16;
	v13 =	vsel vm1, s24, v13  }
0xa5: {  	v14 =	vperm.xlane v14, v9;
	v15 =	vperm.xlane v15, v8;
	v13 =	vsel vm7, s30, v13  }
0xa6: {  	v16 =	vperm.xlane v16, v8;
	v13 =	vperm.xlane v13, v9  }
0xa7: {  	vm9 =	vmmov vm5;
	vm5 =	vmmov vm13;
	vm13 =	vmmov vm12  }
0xa8: {  	vm1 =	vlt.s32 v12, $0x1;
	v14 =	vsel vm12, v14, v15;
	v13 =	vsel vm12, v13, v16  }
0xa9: {  	v15 =	vsub.s32 $0x0, v12;
	vm12 =	vmmov vm14;
	v13 =	vadd.s32 v14, v13  }
0xaa: {  	s11 =	simm.s32 $0x10;
	s23 =	simm.s32 $0x0;
	vm14 =	vmmov vm7;
	vm7 =	vmmov vm3;
	v14 =	vmul.u32 $0xFFFFF980, v13  }
.LBB2_10:
0xab: {  	_ = 	snop  }
0xac: {  	vm3 =	vne.s32 v14, v15  }
0xad: {  	vm1 =	vmand vm1, vm3  }
0xae: {  	v14 =	vmov s4;
	v15 =	vsel vm1, $0xFFFFFFFF, v10  }
0xaf: {  	v14 =	vshll.u32 v14, $0x11;
	v13 =	vadd.s32 v15, v13  }
0xb0: {  	v14 =	vor.u32 v11, v14;
	v13 =	vand.u32 $0xF, v13  }
0xb1: {  	v12 =	vadd.s32 v14, v12;
	vm1 =	veq.s32 v13, v0  }
0xb2: {  	[tilespmem:s23+$0xF080] =	vst.msk vm1, v12;
	v12 =	vmpcnt.ones.xlane vm1  }
0xb3: {  	s7 =	sadd.s32 $0x10, s7  }
0xb4: {  	(v2sf) =	vpush v12, $0x0;
	v12 =	vld [tilespmem:s7+$0x0];
	_ =	sdelay $0x4  }
0xb5: {  	(v2sf) =	vpush v12, $0x0  }
0xb6: {  	(v2sf) =	vpush v12, $0x7;
	_ =	sdelay $0x2  }
0xb7: {  	(v2sf) =	vpush v12, $0x1  }
0xb8: {  	(v2sf) =	vpush v12, $0x2;
	_ =	sdelay $0x1  }
0xb9: {  	(v2sf) =	vpush v12, $0xE;
	_ =	sdelay $0x1  }
0xba: {  	(v2sf) =	vpush v12, $0x3  }
0xbb: {  	(v2sf) =	vpush v12, $0x4;
	_ =	sdelay $0x1  }
0xbc: {  	(v2sf) =	vpush v12, $0xC;
	_ =	sdelay $0x1  }
0xbd: {  	(v2sf) =	vpush v12, $0x8;
	s2 =	spop (v2sf)  }
0xbe: {  	s0 =	smov.u32 s11;
	s3 =	spop (v2sf)  }
0xbf: {  	s1 =	smov.u32 s0;
	s19 =	smulhi.u32 $0x4EC4EC4F, s3;
	s4 =	spop (v2sf)  }
0xc0: {  	[dreg:$0x6] =	wrdreg s1;
	(v2sf) =	vpush v12, $0xB;
	s22 =	sshra.s32 s3, $0x1F;
	s1 =	smulhi.u32 $0x4EC4EC4F, s4  }
0xc1: {  	s5 =	sshra.s32 s4, $0x1F;
	s22 =	smul.u32 $0x4EC4EC4F, s22  }
0xc2: {  	s23 =	sadd.s32 s23, s2;
	s2 =	spop (v2sf);
	s0 =	smul.u32 $0x4EC4EC4F, s5  }
0xc3: {  	(v2sf) =	vpush v12, $0x9;
	s3 =	sshra.s32 s2, $0x1F;
	s6 =	spop (v2sf);
	s2 =	smulhi.u32 $0x4EC4EC4F, s2  }
0xc4: {  	[dreg:$0x5] =	wrdreg s7;
	s7 =	smulhi.u32 $0x4EC4EC4F, s6  }
0xc5: {  	s10 =	spop (v2sf);
	s3 =	smul.u32 $0x4EC4EC4F, s3  }
0xc6: {  	(v2sf) =	vpush v12, $0xA;
	s9 =	sshra.s32 s6, $0x1F;
	s19 =	sadd.s32 s22, s19;
	s13 =	smulhi.u32 $0x4EC4EC4F, s10  }
0xc7: {  	s10 =	sshra.s32 s10, $0x1F;
	s14 =	spop (v2sf);
	s12 =	sadd.s32 s0, s1  }
0xc8: {  	s18 =	sshra.s32 s14, $0x1F;
	s29 =	spop (v2sf);
	s10 =	smul.u32 $0x4EC4EC4F, s10  }
0xc9: {  	(v2sf) =	vpush v12, $0x5;
	s1 =	sshra.s32 s12, $0x1F;
	s2 =	sadd.s32 s3, s2;
	s5 =	smulhi.u32 $0x4EC4EC4F, s14  }
0xca: {  	(v2sf) =	vpush v12, $0x6;
	s20 =	sshra.s32 s29, $0x1F;
	s24 =	spop (v2sf);
	s26 =	smul.u32 $0x4EC4EC4F, s18  }
0xcb: {  	s21 =	sshra.s32 s2, $0x1F;
	s16 =	sadd.s32 s10, s13;
	s10 =	smul.u32 $0x4EC4EC4F, s9  }
0xcc: {  	s25 =	spop (v2sf);
	s31 =	sshra.s32 s24, $0x1F;
	s20 =	smul.u32 $0x4EC4EC4F, s20  }
0xcd: {  	(v2sf) =	vpush v12, $0xD;
	[dreg:$0x7] =	wrdreg s21;
	s14 =	smulhi.u32 $0x4EC4EC4F, s24;
	s8 =	sshra.s32 s25, $0x1F  }
0xce: {  	s0 =	sadd.s32 s26, s5;
	s25 =	smulhi.u32 $0x4EC4EC4F, s25;
	s5 =	sshrl.u32 s19, $0x1F  }
0xcf: {  	(v2sf) =	vpush v12, $0xF;
	s17 =	spop (v2sf);
	s6 =	sadd.s32 s10, s7;
	s26 =	sshrl.u32 s0, $0x1F  }
0xd0: {  	v13 =	vmov s1;
	s1 =	smul.u32 $0x4EC4EC4F, s8;
	s24 =	sshra.s32 s0, $0x1F;
	s0 =	sshra.s32 s0, $0x9  }
0xd1: {  	v14 =	vmov s5;
	s5 =	sshra.s32 s19, $0x1F;
	s19 =	sshra.s32 s19, $0x9;
	s15 =	smulhi.u32 $0x4EC4EC4F, s17  }
0xd2: {  	s3 =	sshrl.u32 s6, $0x1F;
	s28 =	spop (v2sf);
	s9 =	sshra.s32 s17, $0x1F  }
0xd3: {  	s7 =	sshra.s32 s6, $0x9;
	v13 =	vsel vm0, s19, v13;
	s6 =	sshra.s32 s6, $0x1F;
	s19 =	sshrl.u32 s16, $0x1F  }
0xd4: {  	[dreg:$0x8] =	wrdreg s7;
	s30 =	sshra.s32 s28, $0x1F;
	s9 =	smul.u32 $0x4EC4EC4F, s9  }
0xd5: {  	s16 =	sshra.s32 s16, $0x9;
	s18 =	spop (v2sf);
	s30 =	smul.u32 $0x4EC4EC4F, s30  }
0xd6: {  	s7 =	sshrl.u32 s2, $0x1F;
	s10 =	sshra.s32 s18, $0x1F;
	s18 =	smulhi.u32 $0x4EC4EC4F, s18  }
0xd7: {  	s2 =	sshra.s32 s2, $0x9;
	s13 =	sadd.s32 s9, s15;
	s9 =	smul.u32 $0x4EC4EC4F, s31  }
0xd8: {  	v14 =	vnsel vm0, $0x0, v14;
	s1 =	sadd.s32 s1, s25;
	v13 =	vsel vm5, s5, v13;
	s5 =	smul.u32 $0x4EC4EC4F, s10;
	s8 =	spop (v2sf)  }
0xd9: {  	s25 =	sshrl.u32 s1, $0x1F;
	v14 =	vsel vm2, s7, v14;
	s21 =	spop (v2sf);
	s15 =	smulhi.u32 $0x4EC4EC4F, s8  }
0xda: {  	s1 =	sshra.s32 s1, $0x9;
	v14 =	vsel vm4, s3, v14;
	s4 =	sshra.s32 s8, $0x1F;
	s17 =	smulhi.u32 $0x4EC4EC4F, s21  }
0xdb: {  	v14 =	vsel vm6, s26, v14;
	s26 =	rddreg [dreg:$0x7];
	s31 =	sshra.s32 s21, $0x1F;
	s4 =	smul.u32 $0x4EC4EC4F, s4  }
0xdc: {  	s14 =	sadd.s32 s9, s14;
	s8 =	spop (v2sf);
	s7 =	smul.u32 $0x4EC4EC4F, s31  }
0xdd: {  	s5 =	sadd.s32 s5, s18;
	s22 =	sshra.s32 s8, $0x1F;
	s31 =	smulhi.u32 $0x4EC4EC4F, s29  }
0xde: {  	v13 =	vsel vm2, s2, v13;
	s21 =	spop (v2sf);
	s29 =	sshrl.u32 s14, $0x1F;
	s2 =	smulhi.u32 $0x4EC4EC4F, s8  }
0xdf: {  	s14 =	sshra.s32 s14, $0x9;
	s4 =	sadd.s32 s4, s15;
	s15 =	smulhi.u32 $0x4EC4EC4F, s28  }
0xe0: {  	vm3 =	vcmask $0x2724;
	v13 =	vsel vm7, s26, v13;
	s26 =	smul.u32 $0x4EC4EC4F, s22;
	s3 =	sadd.s32 s20, s31;
	s31 =	rddreg [dreg:$0x8]  }
0xe1: {  	v17 =	vmov s25;
	v18 =	vmov s1;
	s9 =	smulhi.u32 $0x4EC4EC4F, s21;
	s21 =	sshra.s32 s21, $0x1F;
	v13 =	vsel vm4, s31, v13;
	s8 =	sadd.s32 s30, s15  }
0xe2: {  	v15 =	vmov s29;
	v16 =	vmov s14;
	s20 =	sshrl.u32 s3, $0x1F;
	s2 =	sadd.s32 s26, s2;
	v13 =	vsel vm9, s6, v13;
	s30 =	sshrl.u32 s8, $0x1F  }
0xe3: {  	v14 =	vsel vm8, s20, v14;
	s15 =	sshra.s32 s2, $0x9;
	s22 =	sshrl.u32 s2, $0x1F;
	s25 =	sshra.s32 s8, $0x9;
	v13 =	vsel vm6, s0, v13;
	v17 =	vsel vm2, s30, v17  }
0xe4: {  	s29 =	smul.u32 $0x4EC4EC4F, s21;
	s21 =	sshrl.u32 s5, $0x1F;
	s26 =	sshrl.u32 s4, $0x1F;
	v16 =	vsel vm2, s15, v16;
	v15 =	vsel vm2, s22, v15;
	v18 =	vsel vm2, s25, v18  }
0xe5: {  	s10 =	sshrl.u32 s13, $0x1F;
	s7 =	sadd.s32 s7, s17;
	s20 =	sshra.s32 s3, $0x9;
	v14 =	vsel vm10, s26, v14;
	v13 =	vsel vm11, s24, v13;
	v17 =	vsel vm4, s21, v17  }
0xe6: {  	s28 =	sshra.s32 s3, $0x1F;
	s6 =	sshrl.u32 s7, $0x1F;
	s24 =	sadd.s32 s29, s9;
	v16 =	vsel vm4, s16, v16;
	v15 =	vsel vm4, s19, v15;
	v13 =	vsel vm8, s20, v13  }
0xe7: {  	s31 =	sshra.s32 s4, $0x9;
	v14 =	vsel vm12, s6, v14;
	v17 =	vsel vm6, s10, v17;
	s30 =	sshrl.u32 s24, $0x1F;
	v13 =	vsel vm3, s28, v13  }
0xe8: {  	s18 =	sshra.s32 s4, $0x1F;
	s2 =	sshra.s32 s24, $0x9;
	s28 =	sshra.s32 s5, $0x9;
	vm3 =	vcmask $0x3734;
	v15 =	vsel vm6, s30, v15;
	v13 =	vsel vm10, s31, v13  }
0xe9: {  	s13 =	sshra.s32 s13, $0x9;
	s20 =	sshra.s32 s7, $0x9;
	v16 =	vsel vm6, s2, v16;
	v18 =	vsel vm4, s28, v18;
	v13 =	vsel vm15, s18, v13  }
0xea: {  	s17 =	sshrl.u32 s12, $0x1F;
	s29 =	sshra.s32 s7, $0x1F;
	v15 =	vcombine.low v17, v15;
	v18 =	vsel vm6, s13, v18;
	v13 =	vsel vm12, s20, v13  }
0xeb: {  	v14 =	vsel vm14, s17, v14;
	s31 =	sshra.s32 s12, $0x9;
	v16 =	vcombine.low v18, v16;
	v13 =	vsel vm3, s29, v13  }
0xec: {  	p0 =	sne.s32 s11, $0xFF0;
	v14 =	vperm.xlane v14, v9;
	v15 =	vperm.xlane v15, v8;
	v13 =	vsel vm14, s31, v13  }
.Ltmp9:
0xed: {  	v16 =	vperm.xlane v16, v8;
	v13 =	vperm.xlane v13, v9;
	(pc) =	sbr.rel @p0 .LBB2_10-.Ltmp9, $4  }
0xee: {  	_ = 	snop  }
0xef: {  	v14 =	vsel vm13, v14, v15;
	v13 =	vsel vm13, v13, v16  }
0xf0: {  	s4 =	rddreg [dreg:$0x6];
	v13 =	vadd.s32 v14, v13  }
0xf1: {  	s11 =	sadd.s32 $0x10, s11;
	vm1 =	vlt.s32 v12, $0x1;
	s7 =	rddreg [dreg:$0x5];
	v15 =	vsub.s32 $0x0, v12;
	v14 =	vmul.u32 $0xFFFFF980, v13  }
0xf2: {  	_ = 	snop  }
0xf3: {  	vm3 =	vne.s32 v14, v15  }
0xf4: {  	vm1 =	vmand vm1, vm3  }
0xf5: {  	v62 =	vsel vm1, $0xFFFFFFFF, v10  }
0xf6: {  	v13 =	vadd.s32 v62, v13  }
0xf7: {  	v13 =	vand.u32 $0xF, v13  }
0xf8: {  	vm1 =	veq.s32 v13, v0  }
0xf9: {  	v13 =	vmpcnt.ones.xlane vm1;
	_ =	sdelay $0x1  }
0xfa: {  	(v2sf) =	vpush v13, $0x0;
	_ =	sdelay $0x7  }
0xfb: {  	s9 =	rddreg [dreg:$0x1]  }
0xfc: {  	s14 =	rddreg [dreg:$0x3]  }
0xfd: {  	s7 =	rddreg [dreg:$0xb]  }
0xfe: {  	s15 =	stileid.u32;
	s17 =	rddreg [dreg:$0xd]  }
0xff: {  	s18 =	rddreg [dreg:$0xe];
	s19 =	simm.s32 $0x2;
	s20 =	simm.s32 $0x40  }
0x100: {  	v63 =	vmov s4;
	s21 =	simm.s32 $0x17200;
	s22 =	simm.s32 $0x14200;
	s24 =	simm.s32 $0x17280  }
0x101: {  	s25 =	simm.s32 $0x17300;
	s26 =	simm.s32 $0x17380;
	s13 =	rddreg [dreg:$0x11];
	v13 =	vshll.u32 v63, $0x11  }
0x102: {  	vm5 =	vmmov vm9;
	vm9 =	vcmask $0x2724;
	s30 =	simm.s32 $0x800;
	s16 =	rddreg [dreg:$0x12];
	v13 =	vor.u32 v11, v13;
	s0 =	spop (v2sf)  }
0x103: {  	vm11 =	vmmov vm15;
	vm7 =	vmmov vm14;
	s31 =	simm.s32 $0x8000;
	s28 =	rddreg [dreg:$0x13];
	v12 =	vadd.s32 v13, v12;
	s0 =	sadd.s32 s23, s0  }
0x104: {  	s3 =	simm.s32 $0x4;
	vm3 =	vmmov vm12;
	vm12 =	vmmov vm13;
	[tilespmem:s23+$0xF080] =	vst.msk vm1, v12;
	vm1 =	vcmask $0x3734;
	s23 =	simm.s32 $0x3;
	[smem:$0x0] =	sst s0  }
.LBB2_12:
0x105: {  	s6 =	sld [smem:$0x0];
	_ =	sdelay $0x2  }
0x106: {  	s0 =	sadd.s32 $0xF, s6  }
0x107: {  	s0 =	sshrl.u32 s0, $0x4  }
0x108: {  	p0 =	seq.s32 s0, $0x0  }
.Ltmp10:
0x109: {  	_ = 	snop;
	(pc) =	sbr.rel @p0 .LBB2_13-.Ltmp10, $4  }
0x10a: {  	_ = 	snop  }
0x10b: {  	s4 =	sand.u32 $0x3, s13  }
0x10c: {  	s1 =	sshll.u32 s4, $0x4  }
0x10d: {  	s5 =	sor.u32 s15, s1  }
0x10e: {  	s1 =	simm.s32 $0xF080  }
0x10f: {  	v15 =	vld [tilespmem:s1+$0x0];
	_ =	sdelay $0x3  }
0x110: {  	vm14 =	vmmov vm6;
	vm6 =	vmmov vm4;
	vm4 =	vmmov vm2  }
0x111: {  	vm15 =	vmmov vm1;
	vm10 =	vmmov vm8;
	v16 =	vand.u32 $0x1FFFF, v15  }
0x112: {  	vm8 =	vmmov vm0;
	vm0 =	vmmov vm11;
	s29 =	smul.u32 $0xFFFFF980, s5;
	s8 =	simm.s32 $0x0;
	p1 =	sne.s32 s0, $0x1;
	v13 =	vmulhi.u32 $0x276277, v16  }
.Ltmp11:
0x113: {  	vm13 =	vmmov vm9;
	v12 =	vmov s4;
	v17 =	vor.u32 s8, v1;
	(pc) =	sbr.rel @!p1 .LBB2_15-.Ltmp11, $4  }
0x114: {  	v15 =	vshrl.u32 v15, $0x5;
	v14 =	vshrl.u32 v13, $0x4;
	v13 =	vmov s6  }
0x115: {  	vm1 =	veq.s32 v14, v12;
	v14 =	vmov s29;
	vm3 =	vlt.s32 v17, v13  }
0x116: {  	v15 =	vand.u32 $0x7FFF000, v15;
	vm1 =	vmand vm3, vm1;
	v16 =	vadd.s32 v14, v16  }
0x117: {  	vm9 =	vmmov vm5;
	s10 =	sadd.s32 $0xFFFFFFFF, s0;
	p0 =	por $0x0, $0x0;
	v15 =	vadd.s32 v15, v16;
	v16 =	vmpcnt.ones.xlane vm1  }
0x118: {  	_ = 	snop  }
0x119: {  	(v2sf) =	vpush v16, $0x0;
	_ =	sdelay $0x1  }
0x11a: {  	[tilespmem:s8+$0xE000] =	vst.msk vm1, v15;
	s0 =	simm.s32 $0xF090  }
0x11b: {  	v15 =	vld [tilespmem:s0+$0x0];
	_ =	sdelay $0x4  }
0x11c: {  	v16 =	vand.u32 $0x1FFFF, v15  }
0x11d: {  	v17 =	vmulhi.u32 $0x276277, v16  }
0x11e: {  	s6 =	simm.s32 $0x10;
	p1 =	sne.s32 s10, $0x1  }
.Ltmp12:
0x11f: {  	v18 =	vor.u32 s6, v1;
	v17 =	vshrl.u32 v17, $0x4;
	(pc) =	sbr.rel @!p1 .LBB2_17-.Ltmp12, $4  }
0x120: {  	vm3 =	vlt.s32 v18, v13;
	v15 =	vshrl.u32 v15, $0x5;
	vm1 =	veq.s32 v17, v12  }
0x121: {  	v15 =	vand.u32 $0x7FFF000, v15;
	v16 =	vadd.s32 v14, v16;
	vm1 =	vmand vm3, vm1  }
0x122: {  	s10 =	sadd.s32 $0xFFFFFFFF, s10;
	v15 =	vadd.s32 v15, v16;
	v16 =	vmpcnt.ones.xlane vm1  }
0x123: {  	p0 =	por $0x1, $0x1;
	s11 =	simm.s32 $0x0;
	s12 =	spop (v2sf)  }
.LBB2_18:
0x124: {  	p1 =	sne.s32 s10, $0x1;
	s10 =	sadd.s32 $0xFFFFFFFF, s10;
	(v2sf) =	vpush v16, $0x0;
	s11 =	sadd.s32 s11, s12  }
0x125: {  	[tilespmem:s11+$0xE000] =	vst.msk vm1, v15  }
0x126: {  	s0 =	sadd.s32 $0x10, s0  }
0x127: {  	v15 =	vld [tilespmem:s0+$0x0];
	_ =	sdelay $0x4  }
0x128: {  	v16 =	vand.u32 $0x1FFFF, v15;
	v15 =	vshrl.u32 v15, $0x5  }
0x129: {  	v17 =	vmulhi.u32 $0x276277, v16;
	v15 =	vand.u32 $0x7FFF000, v15;
	v16 =	vadd.s32 v14, v16  }
0x12a: {  	s6 =	sadd.s32 $0x10, s6;
	v15 =	vadd.s32 v15, v16  }
.Ltmp13:
0x12b: {  	v16 =	vor.u32 s6, v1;
	v17 =	vshrl.u32 v17, $0x4;
	(pc) =	sbr.rel @p1 .LBB2_18-.Ltmp13, $4  }
0x12c: {  	vm3 =	vlt.s32 v16, v13;
	vm1 =	veq.s32 v17, v12  }
0x12d: {  	vm1 =	vmand vm3, vm1  }
0x12e: {  	v16 =	vmpcnt.ones.xlane vm1  }
0x12f: {  	s12 =	spop (v2sf)  }
.LBB2_19:
0x130: {  	(v2sf) =	vpush v16, $0x0;
	_ =	sdelay $0xb  }
.Ltmp14:
0x131: {  	_ = 	snop;
	(pc) =	sbr.rel .LBB2_20-.Ltmp14, $4  }
0x132: {  	vm5 =	vmmov vm9;
	vm9 =	vmmov vm13  }
0x133: {  	s0 =	sadd.s32 @p0 s11, s12;
	vm11 =	vmmov vm0;
	vm0 =	vmmov vm8;
	vm8 =	vmmov vm10  }
0x134: {  	vm10 =	vcmask $0x2B28;
	vm3 =	vcmask $0x3330;
	vm2 =	vmmov vm4;
	s8 =	smov.u32 @p0 s0;
	s29 =	spop (v2sf)  }
0x135: {  	vm4 =	vmmov vm6;
	vm6 =	vmmov vm14;
	[tilespmem:s8+$0xE000] =	vst.msk vm1, v15;
	vm1 =	vmmov vm15;
	s8 =	sadd.s32 s8, s29  }
.LBB2_13:
0x136: {  	s8 =	simm.s32 $0x0  }
.LBB2_20:
0x137: {  	v12 =	vmov s8  }
0x138: {  	s0 =	sadd.s32 $0x10, s8;
	s12 =	sadd.s32 $0x20, s8;
	s29 =	sadd.s32 $0x30, s8;
	v12 =	vshll.u32 v12, $0xC  }
0x139: {  	v13 =	vmov s0;
	v14 =	vmov s12;
	v15 =	vmov s29  }
0x13a: {  	v12 =	vadd.s32 v3, v12;
	v13 =	vshll.u32 v13, $0xC;
	v14 =	vshll.u32 v14, $0xC  }
0x13b: {  	p0 =	sne.s32 s28, $0x0;
	v15 =	vshll.u32 v15, $0xC;
	v12 =	vand.u32 $0x3F000, v12;
	v13 =	vadd.s32 v3, v13  }
0x13c: {  	p1 =	sgt.u32 @!p0 s5, $0x3B;
	v14 =	vadd.s32 v3, v14;
	v12 =	vor.u32 $0x1000000, v12;
	v13 =	vand.u32 $0x3F000, v13  }
0x13d: {  	p3 =	sgt.u32 s5, $0x3B;
	p2 =	por p1, p0;
	p1 =	seq.s32 s28, $0x1;
	v60 =	vadd.s32 v3, v15;
	v59 =	vand.u32 $0x3F000, v14;
	[tilespmem:s8+$0xE000] =	vst v12;
	v58 =	vor.u32 $0x1000000, v13  }
0x13e: {  	p3 =	por p3, !p1;
	v62 =	vand.u32 $0x3F000, v60;
	v61 =	vor.u32 $0x1000000, v59;
	[tilespmem:s8+$0xE010] =	vst v58  }
.Ltmp15:
0x13f: {  	v63 =	vor.u32 $0x1000000, v62;
	[tilespmem:s8+$0xE020] =	vst v61;
	(pc) =	sbr.rel @p3 .LBB2_22-.Ltmp15, $4  }
0x140: {  	s0 =	simm.s32 @!p2 $0x1;
	[tilespmem:s8+$0xE030] =	vst v63  }
0x141: {  	_ =	swait.ge @!p2 [sflag:s0], $0x6800  }
0x142: {  	[sflag:s0] =	ssyncset.done @!p2 $0x0  }
0x143: {  	[sflag:s0] =	ssyncadd.s32 @!p2 $0xFFFF9800  }
.Ltmp16:
0x144: {  	(pc) =	sbr.rel .LBB2_23-.Ltmp16, $4  }
0x145: {  	_ = 	snop  }
0x146: {  	_ =	swait.ge [sflag:s19], $0x6800  }
0x147: {  	[sflag:s19] =	ssyncset.done $0x0  }
0x148: {  	[sflag:s19] =	ssyncadd.s32 $0xFFFF9800  }
.LBB2_22:
0x149: {  	p2 =	sne.s32 @!p0 s5, $0x3C  }
0x14a: {  	p3 =	por p2, p0  }
0x14b: {  	p4 =	seq.s32 s5, $0x3C;
	s0 =	simm.s32 @!p3 $0x1  }
0x14c: {  	p2 =	por !p2, p0;
	p5 =	por @!p3 $0x1, $0x1;
	_ =	swait.ge @!p3 [sflag:s0], $0x800  }
0x14d: {  	p5 =	por @!p2 p4, p4;
	[sflag:s0] =	ssyncset.done @!p3 $0x0  }
0x14e: {  	p4 =	por @!p0 p5, p5;
	[sflag:s0] =	ssyncadd.s32 @!p3 $0xFFFFF800  }
0x14f: {  	p0 =	por !p4, !p1;
	_ =	swait.ge @!p3 [sflag:s0], $0x800  }
0x150: {  	p0 =	por !p0, !p0;
	[sflag:s0] =	ssyncset.done @!p3 $0x0  }
0x151: {  	[sflag:s0] =	ssyncadd.s32 @!p3 $0xFFFFF800;
	s0 =	simm.s32 @p0 $0x2  }
0x152: {  	_ =	swait.ge @p0 [sflag:s0], $0x800  }
0x153: {  	[sflag:s0] =	ssyncset.done @p0 $0x0  }
0x154: {  	[sflag:s0] =	ssyncadd.s32 @p0 $0xFFFFF800  }
0x155: {  	_ =	swait.ge @p0 [sflag:s0], $0x800  }
0x156: {  	[sflag:s0] =	ssyncset.done @p0 $0x0  }
0x157: {  	[sflag:s0] =	ssyncadd.s32 @p0 $0xFFFFF800  }
.LBB2_23:
0x158: {  	s0 =	sadd.s32 $0x3F, s8  }
0x159: {  	s8 =	sshrl.u32 s0, $0x6  }
0x15a: {  	p0 =	seq.s32 s8, $0x0  }
.Ltmp17:
0x15b: {  	_ = 	snop;
	(pc) =	sbr.rel @p0 .LBB2_31-.Ltmp17, $1  }
0x15c: {  	_ =	sdelay $0x3  }
0x15d: {  	s0 =	smul.u32 $0x1A000, s28  }
0x15e: {  	s10 =	smov.u32 s16;
	s6 =	smov.u32 s13;
	s11 =	simm.s32 $0x0  }
0x15f: {  	s28 =	simm.s32 $0xE000;
	p0 =	por $0x0, $0x0;
	s1 =	sshrl.u32 s0, $0x2  }
.LBB2_25:
0x160: {  	p1 =	slt.u32 s11, $0x2  }
0x161: {  	s0 =	simm.s32 @!p1 $0x4  }
0x162: {  	_ =	swait.ge @!p1 [sflag:s0], $0x2000  }
0x163: {  	s2 =	sshll.u32 s11, $0x8;
	[sflag:s0] =	ssyncset.done @!p1 $0x0  }
0x164: {  	s2 =	sshra.s32 s2, $0x2;
	[sflag:s0] =	ssyncadd.s32 @!p1 $0xFFFFE000  }
0x165: {  	v12 =	vld [tilespmem:s2+$0xE000];
	_ =	sdelay $0x3  }
0x166: {  	s13 =	sand.u32 $0x1, s11  }
0x167: {  	s12 =	sshll.u32 s13, $0x7;
	v12 =	vshrl.u32 v12, $0xC  }
0x168: {  	[tilespmem:s12+$0x10100] =	vst v12  }
0x169: {  	v12 =	vld [tilespmem:s2+$0xE010];
	_ =	sdelay $0x4  }
0x16a: {  	v12 =	vshrl.u32 v12, $0xC  }
0x16b: {  	[tilespmem:s12+$0x10110] =	vst v12  }
0x16c: {  	v12 =	vld [tilespmem:s2+$0xE020];
	_ =	sdelay $0x4  }
0x16d: {  	v12 =	vshrl.u32 v12, $0xC  }
0x16e: {  	[tilespmem:s12+$0x10120] =	vst v12  }
0x16f: {  	v13 =	vld [tilespmem:s2+$0xE030];
	_ =	sdelay $0x1  }
0x170: {  	v12 =	vmov s28;
	_ =	sdelay $0x2  }
0x171: {  	v13 =	vshrl.u32 v13, $0xC  }
0x172: {  	s5 =	simm.s32 $0x0;
	[tilespmem:s12+$0x10130] =	vst v13  }
0x173: {  	v13 =	vld.idx.msk [tilespmem:v12+s5+$0x0 ss:$0x1], $0xffff;
	_ =	sdelay $0x4  }
0x174: {  	v13 =	vand.u32 $0xFFF, v13  }
0x175: {  	v13 =	vmin.u32 v13, $0x67F  }
0x176: {  	v14 =	vbroadcast v13, $0x0;
	_ =	sdelay $0x1  }
0x177: {  	v15 =	vshll.u32 v14, $0x3  }
0x178: {  	v14 =	vand.u32 $0x7F, v14;
	v15 =	vand.u32 $0x3C00, v15  }
0x179: {  	v14 =	vor.u32 v14, v15  }
0x17a: {  	v14 =	vadd.s32 v7, v14  }
0x17b: {  	v15 =	vbroadcast v13, $0x1;
	_ =	sdelay $0x1  }
0x17c: {  	v16 =	vshll.u32 v15, $0x3  }
0x17d: {  	v15 =	vand.u32 $0x7F, v15;
	v16 =	vand.u32 $0x3C00, v16  }
0x17e: {  	v15 =	vor.u32 v15, v16;
	v14 =	vld.idx.msk [tilespmem:v14+s1+$0x0], $0xffff  }
0x17f: {  	s0 =	simm.s32 $0x1;
	v15 =	vadd.s32 v7, v15  }
0x180: {  	s0 =	simm.s32 @!p0 $0x0;
	v38 =	vbroadcast v13, $0x2  }
0x181: {  	s0 =	sshll.u32 s0, $0xD  }
0x182: {  	s5 =	sor.u32 $0x10600, s0;
	v17 =	vshll.u32 v38, $0x3  }
0x183: {  	v17 =	vand.u32 $0x3C00, v17;
	v16 =	vand.u32 $0x7F, v38;
	[tilespmem:s5+$0xFFFFFC00] =	vst v14  }
0x184: {  	v14 =	vor.u32 v16, v17;
	v15 =	vld.idx.msk [tilespmem:v15+s1+$0x0], $0xffff  }
0x185: {  	v14 =	vadd.s32 v7, v14  }
0x186: {  	v39 =	vbroadcast v13, $0x3;
	_ =	sdelay $0x1  }
0x187: {  	v40 =	vshll.u32 v39, $0x3  }
0x188: {  	v16 =	vand.u32 $0x7F, v39;
	v17 =	vand.u32 $0x3C00, v40;
	[tilespmem:s5+$0xFFFFFC80] =	vst v15  }
0x189: {  	v15 =	vor.u32 v16, v17;
	v14 =	vld.idx.msk [tilespmem:v14+s1+$0x0], $0xffff  }
0x18a: {  	v15 =	vadd.s32 v7, v15  }
0x18b: {  	v41 =	vbroadcast v13, $0x4;
	_ =	sdelay $0x1  }
0x18c: {  	v42 =	vshll.u32 v41, $0x3  }
0x18d: {  	v16 =	vand.u32 $0x7F, v41;
	v17 =	vand.u32 $0x3C00, v42;
	[tilespmem:s5+$0xFFFFFD00] =	vst v14  }
0x18e: {  	v14 =	vor.u32 v16, v17;
	v15 =	vld.idx.msk [tilespmem:v15+s1+$0x0], $0xffff  }
0x18f: {  	v14 =	vadd.s32 v7, v14  }
0x190: {  	v43 =	vbroadcast v13, $0x5;
	_ =	sdelay $0x1  }
0x191: {  	v44 =	vshll.u32 v43, $0x3  }
0x192: {  	v16 =	vand.u32 $0x7F, v43;
	v17 =	vand.u32 $0x3C00, v44;
	[tilespmem:s5+$0xFFFFFD80] =	vst v15  }
0x193: {  	v15 =	vor.u32 v16, v17;
	v14 =	vld.idx.msk [tilespmem:v14+s1+$0x0], $0xffff  }
0x194: {  	v15 =	vadd.s32 v7, v15  }
0x195: {  	v45 =	vbroadcast v13, $0x6;
	_ =	sdelay $0x1  }
0x196: {  	v46 =	vshll.u32 v45, $0x3  }
0x197: {  	v16 =	vand.u32 $0x7F, v45;
	v17 =	vand.u32 $0x3C00, v46;
	[tilespmem:s5+$0xFFFFFE00] =	vst v14  }
0x198: {  	v14 =	vor.u32 v16, v17;
	v15 =	vld.idx.msk [tilespmem:v15+s1+$0x0], $0xffff  }
0x199: {  	v14 =	vadd.s32 v7, v14  }
0x19a: {  	v47 =	vbroadcast v13, $0x7;
	_ =	sdelay $0x1  }
0x19b: {  	v48 =	vshll.u32 v47, $0x3  }
0x19c: {  	v16 =	vand.u32 $0x7F, v47;
	v17 =	vand.u32 $0x3C00, v48;
	[tilespmem:s5+$0xFFFFFE80] =	vst v15  }
0x19d: {  	v15 =	vor.u32 v16, v17;
	v14 =	vld.idx.msk [tilespmem:v14+s1+$0x0], $0xffff  }
0x19e: {  	v15 =	vadd.s32 v7, v15  }
0x19f: {  	v49 =	vbroadcast v13, $0x8;
	_ =	sdelay $0x1  }
0x1a0: {  	v50 =	vshll.u32 v49, $0x3  }
0x1a1: {  	v16 =	vand.u32 $0x7F, v49;
	v17 =	vand.u32 $0x3C00, v50;
	[tilespmem:s5+$0xFFFFFF00] =	vst v14  }
0x1a2: {  	v14 =	vor.u32 v16, v17;
	v15 =	vld.idx.msk [tilespmem:v15+s1+$0x0], $0xffff  }
0x1a3: {  	v14 =	vadd.s32 v7, v14  }
0x1a4: {  	v51 =	vbroadcast v13, $0x9;
	_ =	sdelay $0x1  }
0x1a5: {  	v52 =	vshll.u32 v51, $0x3  }
0x1a6: {  	v16 =	vand.u32 $0x7F, v51;
	v17 =	vand.u32 $0x3C00, v52;
	[tilespmem:s5+$0xFFFFFF80] =	vst v15  }
0x1a7: {  	v15 =	vor.u32 v16, v17;
	v14 =	vld.idx.msk [tilespmem:v14+s1+$0x0], $0xffff  }
0x1a8: {  	v15 =	vadd.s32 v7, v15  }
0x1a9: {  	v53 =	vbroadcast v13, $0xA;
	_ =	sdelay $0x1  }
0x1aa: {  	v54 =	vshll.u32 v53, $0x3  }
0x1ab: {  	v16 =	vand.u32 $0x7F, v53;
	v17 =	vand.u32 $0x3C00, v54;
	[tilespmem:s5+$0x0] =	vst v14  }
0x1ac: {  	v14 =	vor.u32 v16, v17;
	v15 =	vld.idx.msk [tilespmem:v15+s1+$0x0], $0xffff  }
0x1ad: {  	v14 =	vadd.s32 v7, v14  }
0x1ae: {  	v55 =	vbroadcast v13, $0xB;
	_ =	sdelay $0x1  }
0x1af: {  	v56 =	vshll.u32 v55, $0x3  }
0x1b0: {  	v16 =	vand.u32 $0x7F, v55;
	v17 =	vand.u32 $0x3C00, v56;
	[tilespmem:s5+$0x80] =	vst v15  }
0x1b1: {  	v15 =	vor.u32 v16, v17;
	v14 =	vld.idx.msk [tilespmem:v14+s1+$0x0], $0xffff  }
0x1b2: {  	v15 =	vadd.s32 v7, v15  }
0x1b3: {  	v57 =	vbroadcast v13, $0xC;
	_ =	sdelay $0x1  }
0x1b4: {  	v58 =	vshll.u32 v57, $0x3  }
0x1b5: {  	v16 =	vand.u32 $0x7F, v57;
	v17 =	vand.u32 $0x3C00, v58;
	[tilespmem:s5+$0x100] =	vst v14  }
0x1b6: {  	v14 =	vor.u32 v16, v17;
	v15 =	vld.idx.msk [tilespmem:v15+s1+$0x0], $0xffff  }
0x1b7: {  	v14 =	vadd.s32 v7, v14  }
0x1b8: {  	v59 =	vbroadcast v13, $0xD;
	_ =	sdelay $0x1  }
0x1b9: {  	v60 =	vshll.u32 v59, $0x3  }
0x1ba: {  	v16 =	vand.u32 $0x7F, v59;
	v17 =	vand.u32 $0x3C00, v60;
	[tilespmem:s5+$0x180] =	vst v15  }
0x1bb: {  	v15 =	vor.u32 v16, v17;
	v14 =	vld.idx.msk [tilespmem:v14+s1+$0x0], $0xffff  }
0x1bc: {  	v15 =	vadd.s32 v7, v15  }
0x1bd: {  	v61 =	vbroadcast v13, $0xE;
	_ =	sdelay $0x1  }
0x1be: {  	v62 =	vshll.u32 v61, $0x3  }
0x1bf: {  	v16 =	vand.u32 $0x7F, v61;
	v17 =	vand.u32 $0x3C00, v62;
	[tilespmem:s5+$0x200] =	vst v14  }
0x1c0: {  	v14 =	vor.u32 v16, v17;
	v15 =	vld.idx.msk [tilespmem:v15+s1+$0x0], $0xffff  }
0x1c1: {  	v14 =	vadd.s32 v7, v14  }
0x1c2: {  	v13 =	vbroadcast v13, $0xF;
	_ =	sdelay $0x1  }
0x1c3: {  	v63 =	vshll.u32 v13, $0x3  }
0x1c4: {  	v13 =	vand.u32 $0x7F, v13;
	v16 =	vand.u32 $0x3C00, v63;
	[tilespmem:s5+$0x280] =	vst v15  }
0x1c5: {  	v13 =	vor.u32 v13, v16;
	v14 =	vld.idx.msk [tilespmem:v14+s1+$0x0], $0xffff  }
0x1c6: {  	v13 =	vadd.s32 v7, v13;
	_ =	sdelay $0x3  }
0x1c7: {  	s29 =	simm.s32 $0x40;
	s16 =	sshll.u32 s13, $0xD;
	[tilespmem:s5+$0x300] =	vst v14  }
0x1c8: {  	s13 =	sor.u32 $0x10200, s16;
	s12 =	sor.u32 $0x10100, s12;
	s0 =	simm.s32 $0x80;
	v13 =	vld.idx.msk [tilespmem:v13+s1+$0x0], $0xffff  }
.LBB2_26:
0x1c9: {  	_ =	sdelay $0x2  }
0x1ca: {  	s2 =	sshra.s32 s29, $0x2  }
0x1cb: {  	s29 =	smov.u32 s0;
	s16 =	sadd.s32 $0x40, s0;
	[tilespmem:s5+$0x380] =	vst v13;
	s5 =	sadd.s32 $0x800, s5  }
0x1cc: {  	p1 =	sne.s32 s0, $0xC0;
	v13 =	vld.idx.msk [tilespmem:v12+s2+$0x0 ss:$0x1], $0xffff;
	_ =	sdelay $0x5  }
0x1cd: {  	v13 =	vand.u32 $0xFFF, v13  }
0x1ce: {  	v13 =	vmin.u32 v13, $0x67F  }
0x1cf: {  	v14 =	vbroadcast v13, $0x0;
	v15 =	vbroadcast v13, $0x1  }
0x1d0: {  	v16 =	vbroadcast v13, $0x2;
	v17 =	vbroadcast v13, $0x3  }
0x1d1: {  	v18 =	vshll.u32 v14, $0x3;
	v19 =	vand.u32 $0x7F, v15;
	v15 =	vshll.u32 v15, $0x3  }
0x1d2: {  	v14 =	vand.u32 $0x7F, v14;
	v18 =	vand.u32 $0x3C00, v18;
	v15 =	vand.u32 $0x3C00, v15  }
0x1d3: {  	v14 =	vor.u32 v14, v18;
	v15 =	vor.u32 v19, v15;
	v18 =	vshll.u32 v16, $0x3  }
0x1d4: {  	v16 =	vand.u32 $0x7F, v16;
	v14 =	vadd.s32 v7, v14;
	v18 =	vand.u32 $0x3C00, v18  }
0x1d5: {  	v19 =	vbroadcast v13, $0x4;
	v16 =	vor.u32 v16, v18;
	v18 =	vshll.u32 v17, $0x3  }
0x1d6: {  	v20 =	vbroadcast v13, $0x5;
	v17 =	vand.u32 $0x7F, v17;
	v18 =	vand.u32 $0x3C00, v18  }
0x1d7: {  	v21 =	vbroadcast v13, $0x6;
	v17 =	vor.u32 v17, v18;
	v18 =	vshll.u32 v19, $0x3  }
0x1d8: {  	v22 =	vshll.u32 v20, $0x3;
	v19 =	vand.u32 $0x7F, v19;
	v18 =	vand.u32 $0x3C00, v18  }
0x1d9: {  	v18 =	vor.u32 v19, v18;
	v19 =	vand.u32 $0x7F, v20;
	v20 =	vand.u32 $0x3C00, v22;
	v14 =	vld.idx.msk [tilespmem:v14+s1+$0x0], $0xffff  }
0x1da: {  	v22 =	vbroadcast v13, $0x7;
	v19 =	vor.u32 v19, v20;
	v20 =	vshll.u32 v21, $0x3  }
0x1db: {  	v15 =	vadd.s32 v7, v15;
	v21 =	vand.u32 $0x7F, v21;
	v20 =	vand.u32 $0x3C00, v20  }
0x1dc: {  	v23 =	vbroadcast v13, $0x8;
	v20 =	vor.u32 v21, v20;
	v21 =	vshll.u32 v22, $0x3  }
0x1dd: {  	v24 =	vbroadcast v13, $0x9;
	v22 =	vand.u32 $0x7F, v22;
	v21 =	vand.u32 $0x3C00, v21  }
0x1de: {  	v25 =	vbroadcast v13, $0xA;
	v21 =	vor.u32 v22, v21;
	v22 =	vshll.u32 v23, $0x3  }
0x1df: {  	v22 =	vand.u32 $0x3C00, v22;
	[tilespmem:s5+$0xFFFFFC00] =	vst v14;
	v14 =	vand.u32 $0x7F, v23;
	v23 =	vshll.u32 v24, $0x3  }
0x1e0: {  	v15 =	vld.idx.msk [tilespmem:v15+s1+$0x0], $0xffff;
	v14 =	vor.u32 v14, v22;
	v22 =	vand.u32 $0x7F, v24;
	v23 =	vand.u32 $0x3C00, v23  }
0x1e1: {  	v24 =	vbroadcast v13, $0xB;
	v22 =	vor.u32 v22, v23;
	v23 =	vshll.u32 v25, $0x3  }
0x1e2: {  	v16 =	vadd.s32 v7, v16;
	v25 =	vand.u32 $0x7F, v25;
	v23 =	vand.u32 $0x3C00, v23  }
0x1e3: {  	v26 =	vbroadcast v13, $0xC;
	v23 =	vor.u32 v25, v23;
	v25 =	vshll.u32 v24, $0x3  }
0x1e4: {  	v27 =	vbroadcast v13, $0xD;
	v24 =	vand.u32 $0x7F, v24;
	v25 =	vand.u32 $0x3C00, v25  }
0x1e5: {  	v28 =	vbroadcast v13, $0xE;
	v24 =	vor.u32 v24, v25;
	v25 =	vshll.u32 v26, $0x3  }
0x1e6: {  	[tilespmem:s5+$0xFFFFFC80] =	vst v15;
	v15 =	vand.u32 $0x7F, v26;
	v25 =	vand.u32 $0x3C00, v25;
	v26 =	vshll.u32 v27, $0x3  }
0x1e7: {  	v16 =	vld.idx.msk [tilespmem:v16+s1+$0x0], $0xffff;
	v15 =	vor.u32 v15, v25;
	v25 =	vand.u32 $0x7F, v27;
	v26 =	vand.u32 $0x3C00, v26  }
0x1e8: {  	v13 =	vbroadcast v13, $0xF;
	v25 =	vor.u32 v25, v26;
	v26 =	vshll.u32 v28, $0x3  }
0x1e9: {  	v17 =	vadd.s32 v7, v17;
	v27 =	vand.u32 $0x7F, v28;
	v26 =	vand.u32 $0x3C00, v26  }
0x1ea: {  	v26 =	vor.u32 v27, v26;
	v27 =	vshll.u32 v13, $0x3  }
0x1eb: {  	v13 =	vand.u32 $0x7F, v13;
	v27 =	vand.u32 $0x3C00, v27  }
0x1ec: {  	v13 =	vor.u32 v13, v27  }
0x1ed: {  	[tilespmem:s5+$0xFFFFFD00] =	vst v16  }
0x1ee: {  	v16 =	vld.idx.msk [tilespmem:v17+s1+$0x0], $0xffff;
	_ =	sdelay $0x1  }
0x1ef: {  	v17 =	vadd.s32 v7, v18;
	_ =	sdelay $0x3  }
0x1f0: {  	[tilespmem:s5+$0xFFFFFD80] =	vst v16  }
0x1f1: {  	v16 =	vld.idx.msk [tilespmem:v17+s1+$0x0], $0xffff;
	_ =	sdelay $0x1  }
0x1f2: {  	v17 =	vadd.s32 v7, v19;
	_ =	sdelay $0x3  }
0x1f3: {  	[tilespmem:s5+$0xFFFFFE00] =	vst v16  }
0x1f4: {  	v16 =	vld.idx.msk [tilespmem:v17+s1+$0x0], $0xffff;
	_ =	sdelay $0x1  }
0x1f5: {  	v17 =	vadd.s32 v7, v20;
	_ =	sdelay $0x3  }
0x1f6: {  	[tilespmem:s5+$0xFFFFFE80] =	vst v16  }
0x1f7: {  	v16 =	vld.idx.msk [tilespmem:v17+s1+$0x0], $0xffff;
	_ =	sdelay $0x1  }
0x1f8: {  	v17 =	vadd.s32 v7, v21;
	_ =	sdelay $0x3  }
0x1f9: {  	[tilespmem:s5+$0xFFFFFF00] =	vst v16  }
0x1fa: {  	v16 =	vld.idx.msk [tilespmem:v17+s1+$0x0], $0xffff;
	_ =	sdelay $0x1  }
0x1fb: {  	v14 =	vadd.s32 v7, v14;
	_ =	sdelay $0x3  }
0x1fc: {  	[tilespmem:s5+$0xFFFFFF80] =	vst v16  }
0x1fd: {  	v14 =	vld.idx.msk [tilespmem:v14+s1+$0x0], $0xffff;
	_ =	sdelay $0x1  }
0x1fe: {  	v16 =	vadd.s32 v7, v22;
	_ =	sdelay $0x3  }
0x1ff: {  	[tilespmem:s5+$0x0] =	vst v14  }
0x200: {  	v14 =	vld.idx.msk [tilespmem:v16+s1+$0x0], $0xffff;
	_ =	sdelay $0x1  }
0x201: {  	v16 =	vadd.s32 v7, v23;
	_ =	sdelay $0x3  }
0x202: {  	[tilespmem:s5+$0x80] =	vst v14  }
0x203: {  	v14 =	vld.idx.msk [tilespmem:v16+s1+$0x0], $0xffff;
	_ =	sdelay $0x1  }
0x204: {  	v16 =	vadd.s32 v7, v24;
	_ =	sdelay $0x3  }
0x205: {  	[tilespmem:s5+$0x100] =	vst v14  }
0x206: {  	v14 =	vld.idx.msk [tilespmem:v16+s1+$0x0], $0xffff;
	_ =	sdelay $0x1  }
0x207: {  	v15 =	vadd.s32 v7, v15;
	_ =	sdelay $0x3  }
0x208: {  	[tilespmem:s5+$0x180] =	vst v14  }
0x209: {  	v14 =	vld.idx.msk [tilespmem:v15+s1+$0x0], $0xffff;
	_ =	sdelay $0x1  }
0x20a: {  	v15 =	vadd.s32 v7, v25;
	_ =	sdelay $0x3  }
0x20b: {  	[tilespmem:s5+$0x200] =	vst v14  }
0x20c: {  	v14 =	vld.idx.msk [tilespmem:v15+s1+$0x0], $0xffff;
	_ =	sdelay $0x1  }
0x20d: {  	v15 =	vadd.s32 v7, v26;
	_ =	sdelay $0x3  }
0x20e: {  	[tilespmem:s5+$0x280] =	vst v14  }
0x20f: {  	v14 =	vld.idx.msk [tilespmem:v15+s1+$0x0], $0xffff;
	_ =	sdelay $0x1  }
0x210: {  	v13 =	vadd.s32 v7, v13  }
.Ltmp18:
0x211: {  	(pc) =	sbr.rel @p1 .LBB2_26-.Ltmp18, $3  }
0x212: {  	_ =	sdelay $0x1  }
0x213: {  	[tilespmem:s5+$0x300] =	vst v14  }
0x214: {  	s0 =	smov.u32 s16;
	v13 =	vld.idx.msk [tilespmem:v13+s1+$0x0], $0xffff  }
0x215: {  	_ =	sdelay $0x3  }
0x216: {  	s0 =	sshra.s32 s29, $0x2;
	[tilespmem:s5+$0x380] =	vst v13  }
0x217: {  	v12 =	vld.idx.msk [tilespmem:v12+s0+$0x0 ss:$0x1], $0xffff;
	_ =	sdelay $0x4  }
0x218: {  	v12 =	vand.u32 $0xFFF, v12  }
0x219: {  	v12 =	vmin.u32 v12, $0x67F  }
0x21a: {  	v23 =	vbroadcast v12, $0x0;
	_ =	sdelay $0x1  }
0x21b: {  	v14 =	vshll.u32 v23, $0x3  }
0x21c: {  	v13 =	vand.u32 $0x7F, v23;
	v14 =	vand.u32 $0x3C00, v14  }
0x21d: {  	v13 =	vor.u32 v13, v14  }
0x21e: {  	v13 =	vadd.s32 v7, v13  }
0x21f: {  	v24 =	vbroadcast v12, $0x1;
	_ =	sdelay $0x1  }
0x220: {  	v15 =	vshll.u32 v24, $0x3  }
0x221: {  	v15 =	vand.u32 $0x3C00, v15;
	v14 =	vand.u32 $0x7F, v24  }
0x222: {  	v14 =	vor.u32 v14, v15;
	v13 =	vld.idx.msk [tilespmem:v13+s1+$0x0], $0xffff  }
0x223: {  	v14 =	vadd.s32 v7, v14  }
0x224: {  	v25 =	vbroadcast v12, $0x2;
	_ =	sdelay $0x1  }
0x225: {  	s29 =	sadd.s32 $0x800, s5;
	v16 =	vshll.u32 v25, $0x3  }
0x226: {  	v16 =	vand.u32 $0x3C00, v16;
	v15 =	vand.u32 $0x7F, v25;
	[tilespmem:s29+$0xFFFFFC00] =	vst v13  }
0x227: {  	v26 =	vor.u32 v15, v16;
	v14 =	vld.idx.msk [tilespmem:v14+s1+$0x0], $0xffff  }
0x228: {  	v13 =	vadd.s32 v7, v26  }
0x229: {  	v27 =	vbroadcast v12, $0x3;
	_ =	sdelay $0x1  }
0x22a: {  	v28 =	vshll.u32 v27, $0x3  }
0x22b: {  	v15 =	vand.u32 $0x7F, v27;
	v16 =	vand.u32 $0x3C00, v28;
	[tilespmem:s29+$0xFFFFFC80] =	vst v14  }
0x22c: {  	v29 =	vor.u32 v15, v16;
	v13 =	vld.idx.msk [tilespmem:v13+s1+$0x0], $0xffff  }
0x22d: {  	v14 =	vadd.s32 v7, v29  }
0x22e: {  	v30 =	vbroadcast v12, $0x4;
	_ =	sdelay $0x1  }
0x22f: {  	v31 =	vshll.u32 v30, $0x3  }
0x230: {  	v15 =	vand.u32 $0x7F, v30;
	v16 =	vand.u32 $0x3C00, v31;
	[tilespmem:s29+$0xFFFFFD00] =	vst v13  }
0x231: {  	v32 =	vor.u32 v15, v16;
	v14 =	vld.idx.msk [tilespmem:v14+s1+$0x0], $0xffff  }
0x232: {  	v13 =	vadd.s32 v7, v32  }
0x233: {  	v33 =	vbroadcast v12, $0x5;
	_ =	sdelay $0x1  }
0x234: {  	v34 =	vshll.u32 v33, $0x3  }
0x235: {  	v15 =	vand.u32 $0x7F, v33;
	v16 =	vand.u32 $0x3C00, v34;
	[tilespmem:s29+$0xFFFFFD80] =	vst v14  }
0x236: {  	v35 =	vor.u32 v15, v16;
	v13 =	vld.idx.msk [tilespmem:v13+s1+$0x0], $0xffff  }
0x237: {  	v14 =	vadd.s32 v7, v35  }
0x238: {  	v36 =	vbroadcast v12, $0x6;
	_ =	sdelay $0x1  }
0x239: {  	v37 =	vshll.u32 v36, $0x3  }
0x23a: {  	v15 =	vand.u32 $0x7F, v36;
	v16 =	vand.u32 $0x3C00, v37;
	[tilespmem:s29+$0xFFFFFE00] =	vst v13  }
0x23b: {  	v38 =	vor.u32 v15, v16;
	v14 =	vld.idx.msk [tilespmem:v14+s1+$0x0], $0xffff  }
0x23c: {  	v13 =	vadd.s32 v7, v38  }
0x23d: {  	v39 =	vbroadcast v12, $0x7;
	_ =	sdelay $0x1  }
0x23e: {  	v40 =	vshll.u32 v39, $0x3  }
0x23f: {  	v15 =	vand.u32 $0x7F, v39;
	v16 =	vand.u32 $0x3C00, v40;
	[tilespmem:s29+$0xFFFFFE80] =	vst v14  }
0x240: {  	v41 =	vor.u32 v15, v16;
	v13 =	vld.idx.msk [tilespmem:v13+s1+$0x0], $0xffff  }
0x241: {  	v14 =	vadd.s32 v7, v41  }
0x242: {  	v42 =	vbroadcast v12, $0x8;
	_ =	sdelay $0x1  }
0x243: {  	v43 =	vshll.u32 v42, $0x3  }
0x244: {  	v15 =	vand.u32 $0x7F, v42;
	v16 =	vand.u32 $0x3C00, v43;
	[tilespmem:s29+$0xFFFFFF00] =	vst v13  }
0x245: {  	v44 =	vor.u32 v15, v16;
	v14 =	vld.idx.msk [tilespmem:v14+s1+$0x0], $0xffff  }
0x246: {  	v13 =	vadd.s32 v7, v44  }
0x247: {  	v45 =	vbroadcast v12, $0x9;
	_ =	sdelay $0x1  }
0x248: {  	v46 =	vshll.u32 v45, $0x3  }
0x249: {  	v15 =	vand.u32 $0x7F, v45;
	v16 =	vand.u32 $0x3C00, v46;
	[tilespmem:s29+$0xFFFFFF80] =	vst v14  }
0x24a: {  	v47 =	vor.u32 v15, v16;
	v13 =	vld.idx.msk [tilespmem:v13+s1+$0x0], $0xffff  }
0x24b: {  	v14 =	vadd.s32 v7, v47  }
0x24c: {  	v48 =	vbroadcast v12, $0xA;
	_ =	sdelay $0x1  }
0x24d: {  	v49 =	vshll.u32 v48, $0x3  }
0x24e: {  	v15 =	vand.u32 $0x7F, v48;
	v16 =	vand.u32 $0x3C00, v49;
	[tilespmem:s29+$0x0] =	vst v13  }
0x24f: {  	v50 =	vor.u32 v15, v16;
	v14 =	vld.idx.msk [tilespmem:v14+s1+$0x0], $0xffff  }
0x250: {  	v13 =	vadd.s32 v7, v50  }
0x251: {  	v51 =	vbroadcast v12, $0xB;
	_ =	sdelay $0x1  }
0x252: {  	v52 =	vshll.u32 v51, $0x3  }
0x253: {  	v15 =	vand.u32 $0x7F, v51;
	v16 =	vand.u32 $0x3C00, v52;
	[tilespmem:s29+$0x80] =	vst v14  }
0x254: {  	v53 =	vor.u32 v15, v16;
	v13 =	vld.idx.msk [tilespmem:v13+s1+$0x0], $0xffff  }
0x255: {  	v14 =	vadd.s32 v7, v53  }
0x256: {  	v54 =	vbroadcast v12, $0xC;
	_ =	sdelay $0x1  }
0x257: {  	v55 =	vshll.u32 v54, $0x3  }
0x258: {  	v15 =	vand.u32 $0x7F, v54;
	v16 =	vand.u32 $0x3C00, v55;
	[tilespmem:s29+$0x100] =	vst v13  }
0x259: {  	v56 =	vor.u32 v15, v16;
	v14 =	vld.idx.msk [tilespmem:v14+s1+$0x0], $0xffff  }
0x25a: {  	v13 =	vadd.s32 v7, v56  }
0x25b: {  	v57 =	vbroadcast v12, $0xD;
	_ =	sdelay $0x1  }
0x25c: {  	v58 =	vshll.u32 v57, $0x3  }
0x25d: {  	v15 =	vand.u32 $0x7F, v57;
	v16 =	vand.u32 $0x3C00, v58;
	[tilespmem:s29+$0x180] =	vst v14  }
0x25e: {  	v59 =	vor.u32 v15, v16;
	v13 =	vld.idx.msk [tilespmem:v13+s1+$0x0], $0xffff  }
0x25f: {  	v14 =	vadd.s32 v7, v59  }
0x260: {  	v60 =	vbroadcast v12, $0xE;
	_ =	sdelay $0x1  }
0x261: {  	v61 =	vshll.u32 v60, $0x3  }
0x262: {  	v15 =	vand.u32 $0x7F, v60;
	v16 =	vand.u32 $0x3C00, v61;
	[tilespmem:s29+$0x200] =	vst v13  }
0x263: {  	v62 =	vor.u32 v15, v16;
	v14 =	vld.idx.msk [tilespmem:v14+s1+$0x0], $0xffff  }
0x264: {  	v13 =	vadd.s32 v7, v62  }
0x265: {  	v12 =	vbroadcast v12, $0xF;
	_ =	sdelay $0x1  }
0x266: {  	v63 =	vshll.u32 v12, $0x3  }
0x267: {  	v12 =	vand.u32 $0x7F, v12;
	v15 =	vand.u32 $0x3C00, v63;
	[tilespmem:s29+$0x280] =	vst v14  }
0x268: {  	v12 =	vor.u32 v12, v15;
	v13 =	vld.idx.msk [tilespmem:v13+s1+$0x0], $0xffff  }
0x269: {  	v12 =	vadd.s32 v7, v12;
	_ =	sdelay $0x3  }
0x26a: {  	[tilespmem:s29+$0x300] =	vst v13  }
0x26b: {  	s11 =	sadd.s32 $0x1, s11;
	v12 =	vld.idx.msk [tilespmem:v12+s1+$0x0], $0xffff  }
0x26c: {  	p1 =	sne.s32 s11, s8  }
.Ltmp19:
0x26d: {  	_ = 	snop;
	(pc) =	sbr.rel @p1 .LBB2_25-.Ltmp19, $3  }
0x26e: {  	_ =	sdelay $0x1  }
0x26f: {  	s28 =	sadd.s32 $0x40, s28;
	p0 =	por !p0, !p0;
	[tilespmem:s29+$0x380] =	vst v12  }
0x270: {  	[spmem:s14] =	stream.indirect.scatter [tilespmem:s13], [sflag:$0x4], $0x80, s12, s20, $0xb8;
	[tilespmem:$0x1F840] =	vst v63  }
0x271: {  	s0 =	smin.u32 s8, $0x2  }
0x272: {  	p0 =	sne.s32 s0, $0x1  }
.Ltmp20:
0x273: {  	_ = 	snop;
	(pc) =	sbr.rel @!p0 .LBB2_30-.Ltmp20, $3  }
0x274: {  	_ =	sdelay $0x1  }
0x275: {  	_ =	swait.ge [sflag:s3], $0x2000  }
0x276: {  	s0 =	sadd.s32 $0xFFFFFFFF, s0;
	[sflag:s3] =	ssyncset.done $0x0  }
.LBB2_29:
0x277: {  	p0 =	sne.s32 s0, $0x1;
	s0 =	sadd.s32 $0xFFFFFFFF, s0;
	[sflag:s3] =	ssyncadd.s32 $0xFFFFE000  }
.Ltmp21:
0x278: {  	(pc) =	sbr.rel @p0 .LBB2_29-.Ltmp21, $3  }
0x279: {  	_ =	sdelay $0x1  }
0x27a: {  	_ =	swait.ge [sflag:s3], $0x2000  }
0x27b: {  	[sflag:s3] =	ssyncset.done $0x0  }
.LBB2_30:
0x27c: {  	[sflag:s3] =	ssyncadd.s32 $0xFFFFE000;
	s13 =	smov.u32 s6;
	s16 =	smov.u32 s10  }
.LBB2_31:
0x27d: {  	p0 =	sne.s32 s4, $0x3  }
.Ltmp22:
0x27e: {  	_ = 	snop;
	(pc) =	sbr.rel @p0 .LBB2_41-.Ltmp22, $1  }
0x27f: {  	_ =	sdelay $0x3  }
0x280: {  	s1 =	simm.s32 $0x0  }
0x281: {  	v12 =	vmov s1  }
0x282: {  	v12 =	vand.u32 $0x7F, v12  }
0x283: {  	v12 =	vbroadcast v12, $0x0;
	_ =	sdelay $0x1  }
0x284: {  	[bflag:$0x0] =	sbarrier.arrive $0xFFFF;
	v13 =	vor.u32 v2, v12  }
0x285: {  	[tilespmem:s22], [sflag:$0x3] =	stream.indirect.gather [spmem:s14], $0x80, s21, s20, $0xb8;
	[tilespmem:$0x1F840] =	vst v63  }
0x286: {  	_ =	swait.ge [sflag:s23], $0x2000  }
0x287: {  	[sflag:s23] =	ssyncset.done $0x0  }
0x288: {  	[sflag:s23] =	ssyncadd.s32 $0xFFFFE000  }
0x289: {  	v13 =	vld.idx.msk [tilespmem:v13+s22+$0x0], $0xffff  }
0x28a: {  	v14 =	vor.u32 v4, v12;
	_ =	sdelay $0x1  }
0x28b: {  	s0 =	sand.u32 $0x800, s1;
	s2 =	sand.u32 $0x380, s1  }
0x28c: {  	s0 =	sor.u32 s2, s0  }
0x28d: {  	[tilespmem:s0+$0x16200] =	vst v13  }
0x28e: {  	v13 =	vld.idx.msk [tilespmem:v14+s22+$0x0], $0xffff  }
0x28f: {  	v14 =	vor.u32 v5, v12;
	_ =	sdelay $0x2  }
0x290: {  	s5 =	sadd.s32 $0x16200, s0  }
0x291: {  	[tilespmem:s5+$0x10] =	vst v13  }
0x292: {  	v13 =	vld.idx.msk [tilespmem:v14+s22+$0x0], $0xffff  }
0x293: {  	v12 =	vor.u32 v6, v12;
	_ =	sdelay $0x1  }
0x294: {  	s29 =	simm.s32 $0x1  }
0x295: {  	s4 =	simm.s32 $0x0;
	s0 =	simm.s32 $0x2;
	v14 =	vmov s29  }
.LBB2_33:
0x296: {  	p0 =	sne.s32 s0, $0xF;
	v14 =	vand.u32 $0x7F, v14;
	[tilespmem:s5+$0x20] =	vst v13  }
0x297: {  	v14 =	vbroadcast v14, $0x0;
	v12 =	vld.idx.msk [tilespmem:v12+s22+$0x0], $0xffff;
	_ =	sdelay $0x1  }
0x298: {  	v13 =	vor.u32 v2, v14;
	_ =	sdelay $0x3  }
0x299: {  	[tilespmem:s5+$0x30] =	vst v12  }
0x29a: {  	v12 =	vld.idx.msk [tilespmem:v13+s22+$0x0], $0xffff;
	_ =	sdelay $0x1  }
0x29b: {  	v13 =	vor.u32 v4, v14  }
0x29c: {  	s1 =	sadd.s32 $0x80, s1;
	s4 =	sadd.s32 $0x100, s4  }
0x29d: {  	s2 =	sand.u32 $0x800, s4;
	s3 =	sand.u32 $0x380, s1  }
0x29e: {  	s2 =	sor.u32 s3, s2  }
0x29f: {  	[tilespmem:s2+$0x16200] =	vst v12  }
0x2a0: {  	v12 =	vld.idx.msk [tilespmem:v13+s22+$0x0], $0xffff;
	_ =	sdelay $0x1  }
0x2a1: {  	v13 =	vor.u32 v5, v14;
	_ =	sdelay $0x2  }
0x2a2: {  	s5 =	sadd.s32 $0x16200, s2  }
0x2a3: {  	[tilespmem:s5+$0x10] =	vst v12  }
0x2a4: {  	v13 =	vld.idx.msk [tilespmem:v13+s22+$0x0], $0xffff  }
.Ltmp23:
0x2a5: {  	(pc) =	sbr.rel @p0 .LBB2_33-.Ltmp23, $2  }
0x2a6: {  	v12 =	vor.u32 v6, v14;
	_ =	sdelay $0x2  }
0x2a7: {  	v14 =	vmov s0;
	s0 =	sadd.s32 $0x1, s0  }
0x2a8: {  	_ =	sdelay $0x1  }
0x2a9: {  	v14 =	vand.u32 $0x7F, v14  }
0x2aa: {  	[tilespmem:s5+$0x20] =	vst v13;
	v13 =	vbroadcast v14, $0x0  }
0x2ab: {  	v12 =	vld.idx.msk [tilespmem:v12+s22+$0x0], $0xffff  }
0x2ac: {  	v14 =	vor.u32 v2, v13;
	_ =	sdelay $0x3  }
0x2ad: {  	[tilespmem:s5+$0x30] =	vst v12  }
0x2ae: {  	v12 =	vld.idx.msk [tilespmem:v14+s22+$0x0], $0xffff  }
0x2af: {  	v14 =	vor.u32 v4, v13  }
0x2b0: {  	s0 =	sadd.s32 $0x80, s1;
	s12 =	sadd.s32 $0x100, s4  }
0x2b1: {  	s1 =	sand.u32 $0x800, s12;
	s0 =	sand.u32 $0x380, s0  }
0x2b2: {  	s0 =	sor.u32 s0, s1  }
0x2b3: {  	[tilespmem:s0+$0x16200] =	vst v12  }
0x2b4: {  	v12 =	vld.idx.msk [tilespmem:v14+s22+$0x0], $0xffff  }
0x2b5: {  	v14 =	vor.u32 v5, v13;
	_ =	sdelay $0x2  }
0x2b6: {  	s0 =	sadd.s32 $0x16200, s0  }
0x2b7: {  	[tilespmem:s0+$0x10] =	vst v12  }
0x2b8: {  	v12 =	vld.idx.msk [tilespmem:v14+s22+$0x0], $0xffff  }
0x2b9: {  	v13 =	vor.u32 v6, v13;
	_ =	sdelay $0x3  }
0x2ba: {  	[tilespmem:s0+$0x20] =	vst v12  }
0x2bb: {  	s1 =	simm.s32 $0x0;
	v12 =	vld.idx.msk [tilespmem:v13+s22+$0x0], $0xffff  }
0x2bc: {  	v13 =	vmov s1  }
0x2bd: {  	v13 =	vand.u32 $0x7F, v13  }
0x2be: {  	v14 =	vbroadcast v13, $0x0;
	_ =	sdelay $0x1  }
0x2bf: {  	[tilespmem:s0+$0x30] =	vst v12;
	v12 =	vor.u32 v2, v14  }
0x2c0: {  	[tilespmem:s22], [sflag:$0x3] =	stream.indirect.gather [spmem:s14], $0x80, s24, s20, $0xb8;
	[tilespmem:$0x1F840] =	vst v63  }
0x2c1: {  	_ =	swait.ge [sflag:s23], $0x2000  }
0x2c2: {  	[sflag:s23] =	ssyncset.done $0x0  }
0x2c3: {  	[sflag:s23] =	ssyncadd.s32 $0xFFFFE000  }
0x2c4: {  	v12 =	vld.idx.msk [tilespmem:v12+s22+$0x0], $0xffff  }
0x2c5: {  	v13 =	vor.u32 v4, v14  }
0x2c6: {  	s28 =	sand.u32 $0x800, s1;
	s2 =	sand.u32 $0x380, s1  }
0x2c7: {  	s0 =	sor.u32 s2, s28  }
0x2c8: {  	s0 =	sadd.s32 $0x16200, s0  }
0x2c9: {  	[tilespmem:s0+$0x40] =	vst v12  }
0x2ca: {  	v12 =	vld.idx.msk [tilespmem:v13+s22+$0x0], $0xffff  }
0x2cb: {  	v13 =	vor.u32 v5, v14;
	_ =	sdelay $0x3  }
0x2cc: {  	[tilespmem:s0+$0x50] =	vst v12  }
0x2cd: {  	v13 =	vld.idx.msk [tilespmem:v13+s22+$0x0], $0xffff  }
0x2ce: {  	v12 =	vor.u32 v6, v14;
	_ =	sdelay $0x1  }
0x2cf: {  	s29 =	simm.s32 $0x1  }
0x2d0: {  	s4 =	simm.s32 $0x0;
	s5 =	simm.s32 $0x2;
	v14 =	vmov s29  }
.LBB2_35:
0x2d1: {  	p0 =	sne.s32 s5, $0xF;
	v14 =	vand.u32 $0x7F, v14;
	[tilespmem:s0+$0x60] =	vst v13  }
0x2d2: {  	v14 =	vbroadcast v14, $0x0;
	v12 =	vld.idx.msk [tilespmem:v12+s22+$0x0], $0xffff;
	_ =	sdelay $0x1  }
0x2d3: {  	v13 =	vor.u32 v2, v14;
	_ =	sdelay $0x3  }
0x2d4: {  	[tilespmem:s0+$0x70] =	vst v12  }
0x2d5: {  	v12 =	vld.idx.msk [tilespmem:v13+s22+$0x0], $0xffff;
	_ =	sdelay $0x1  }
0x2d6: {  	s1 =	sadd.s32 $0x80, s1;
	s4 =	sadd.s32 $0x100, s4;
	v13 =	vor.u32 v4, v14  }
0x2d7: {  	s2 =	sand.u32 $0x380, s1;
	s0 =	sand.u32 $0x800, s4  }
0x2d8: {  	s0 =	sor.u32 s2, s0  }
0x2d9: {  	s0 =	sadd.s32 $0x16200, s0  }
0x2da: {  	[tilespmem:s0+$0x40] =	vst v12  }
0x2db: {  	v12 =	vld.idx.msk [tilespmem:v13+s22+$0x0], $0xffff;
	_ =	sdelay $0x1  }
0x2dc: {  	v13 =	vor.u32 v5, v14;
	_ =	sdelay $0x3  }
0x2dd: {  	[tilespmem:s0+$0x50] =	vst v12  }
0x2de: {  	v13 =	vld.idx.msk [tilespmem:v13+s22+$0x0], $0xffff  }
.Ltmp24:
0x2df: {  	(pc) =	sbr.rel @p0 .LBB2_35-.Ltmp24, $2  }
0x2e0: {  	v12 =	vor.u32 v6, v14;
	_ =	sdelay $0x2  }
0x2e1: {  	v14 =	vmov s5;
	s5 =	sadd.s32 $0x1, s5  }
0x2e2: {  	_ =	sdelay $0x1  }
0x2e3: {  	v14 =	vand.u32 $0x7F, v14  }
0x2e4: {  	[tilespmem:s0+$0x60] =	vst v13;
	v13 =	vbroadcast v14, $0x0  }
0x2e5: {  	v12 =	vld.idx.msk [tilespmem:v12+s22+$0x0], $0xffff  }
0x2e6: {  	v14 =	vor.u32 v2, v13;
	_ =	sdelay $0x3  }
0x2e7: {  	[tilespmem:s0+$0x70] =	vst v12  }
0x2e8: {  	v12 =	vld.idx.msk [tilespmem:v14+s22+$0x0], $0xffff  }
0x2e9: {  	s11 =	sadd.s32 $0x80, s1;
	s12 =	sadd.s32 $0x100, s4;
	v14 =	vor.u32 v4, v13  }
0x2ea: {  	s1 =	sand.u32 $0x800, s12;
	s0 =	sand.u32 $0x380, s11  }
0x2eb: {  	s0 =	sor.u32 s0, s1  }
0x2ec: {  	s0 =	sadd.s32 $0x16200, s0  }
0x2ed: {  	[tilespmem:s0+$0x40] =	vst v12  }
0x2ee: {  	v12 =	vld.idx.msk [tilespmem:v14+s22+$0x0], $0xffff  }
0x2ef: {  	v14 =	vor.u32 v5, v13;
	_ =	sdelay $0x3  }
0x2f0: {  	[tilespmem:s0+$0x50] =	vst v12  }
0x2f1: {  	v12 =	vld.idx.msk [tilespmem:v14+s22+$0x0], $0xffff  }
0x2f2: {  	v13 =	vor.u32 v6, v13;
	_ =	sdelay $0x3  }
0x2f3: {  	[tilespmem:s0+$0x60] =	vst v12  }
0x2f4: {  	s1 =	simm.s32 $0x0;
	v12 =	vld.idx.msk [tilespmem:v13+s22+$0x0], $0xffff  }
0x2f5: {  	v13 =	vmov s1  }
0x2f6: {  	v13 =	vand.u32 $0x7F, v13  }
0x2f7: {  	v14 =	vbroadcast v13, $0x0;
	_ =	sdelay $0x1  }
0x2f8: {  	[tilespmem:s0+$0x70] =	vst v12;
	v12 =	vor.u32 v2, v14  }
0x2f9: {  	[tilespmem:s22], [sflag:$0x3] =	stream.indirect.gather [spmem:s14], $0x80, s25, s20, $0xb8;
	[tilespmem:$0x1F840] =	vst v63  }
0x2fa: {  	_ =	swait.ge [sflag:s23], $0x2000  }
0x2fb: {  	[sflag:s23] =	ssyncset.done $0x0  }
0x2fc: {  	[sflag:s23] =	ssyncadd.s32 $0xFFFFE000  }
0x2fd: {  	v12 =	vld.idx.msk [tilespmem:v12+s22+$0x0], $0xffff  }
0x2fe: {  	v13 =	vor.u32 v4, v14;
	_ =	sdelay $0x1  }
0x2ff: {  	s28 =	sand.u32 $0x800, s1;
	s2 =	sand.u32 $0x380, s1  }
0x300: {  	s0 =	sor.u32 s2, s28  }
0x301: {  	[tilespmem:s0+$0x16600] =	vst v12  }
0x302: {  	v12 =	vld.idx.msk [tilespmem:v13+s22+$0x0], $0xffff  }
0x303: {  	v13 =	vor.u32 v5, v14;
	_ =	sdelay $0x2  }
0x304: {  	s5 =	sadd.s32 $0x16600, s0  }
0x305: {  	[tilespmem:s5+$0x10] =	vst v12  }
0x306: {  	v13 =	vld.idx.msk [tilespmem:v13+s22+$0x0], $0xffff  }
0x307: {  	v12 =	vor.u32 v6, v14;
	_ =	sdelay $0x1  }
0x308: {  	s29 =	simm.s32 $0x1  }
0x309: {  	s4 =	simm.s32 $0x0;
	s0 =	simm.s32 $0x2;
	v14 =	vmov s29  }
.LBB2_37:
0x30a: {  	p0 =	sne.s32 s0, $0xF;
	v14 =	vand.u32 $0x7F, v14;
	[tilespmem:s5+$0x20] =	vst v13  }
0x30b: {  	v14 =	vbroadcast v14, $0x0;
	v12 =	vld.idx.msk [tilespmem:v12+s22+$0x0], $0xffff;
	_ =	sdelay $0x1  }
0x30c: {  	v13 =	vor.u32 v2, v14;
	_ =	sdelay $0x3  }
0x30d: {  	[tilespmem:s5+$0x30] =	vst v12  }
0x30e: {  	v12 =	vld.idx.msk [tilespmem:v13+s22+$0x0], $0xffff;
	_ =	sdelay $0x1  }
0x30f: {  	v13 =	vor.u32 v4, v14  }
0x310: {  	s1 =	sadd.s32 $0x80, s1;
	s4 =	sadd.s32 $0x100, s4  }
0x311: {  	s2 =	sand.u32 $0x800, s4;
	s3 =	sand.u32 $0x380, s1  }
0x312: {  	s2 =	sor.u32 s3, s2  }
0x313: {  	[tilespmem:s2+$0x16600] =	vst v12  }
0x314: {  	v12 =	vld.idx.msk [tilespmem:v13+s22+$0x0], $0xffff;
	_ =	sdelay $0x1  }
0x315: {  	v13 =	vor.u32 v5, v14;
	_ =	sdelay $0x2  }
0x316: {  	s5 =	sadd.s32 $0x16600, s2  }
0x317: {  	[tilespmem:s5+$0x10] =	vst v12  }
0x318: {  	v13 =	vld.idx.msk [tilespmem:v13+s22+$0x0], $0xffff  }
.Ltmp25:
0x319: {  	(pc) =	sbr.rel @p0 .LBB2_37-.Ltmp25, $2  }
0x31a: {  	v12 =	vor.u32 v6, v14;
	_ =	sdelay $0x2  }
0x31b: {  	v14 =	vmov s0;
	s0 =	sadd.s32 $0x1, s0  }
0x31c: {  	_ =	sdelay $0x1  }
0x31d: {  	v14 =	vand.u32 $0x7F, v14  }
0x31e: {  	[tilespmem:s5+$0x20] =	vst v13;
	v13 =	vbroadcast v14, $0x0  }
0x31f: {  	v12 =	vld.idx.msk [tilespmem:v12+s22+$0x0], $0xffff  }
0x320: {  	v14 =	vor.u32 v2, v13;
	_ =	sdelay $0x3  }
0x321: {  	[tilespmem:s5+$0x30] =	vst v12  }
0x322: {  	v12 =	vld.idx.msk [tilespmem:v14+s22+$0x0], $0xffff  }
0x323: {  	v14 =	vor.u32 v4, v13  }
0x324: {  	s0 =	sadd.s32 $0x80, s1;
	s12 =	sadd.s32 $0x100, s4  }
0x325: {  	s1 =	sand.u32 $0x800, s12;
	s0 =	sand.u32 $0x380, s0  }
0x326: {  	s0 =	sor.u32 s0, s1  }
0x327: {  	[tilespmem:s0+$0x16600] =	vst v12  }
0x328: {  	v12 =	vld.idx.msk [tilespmem:v14+s22+$0x0], $0xffff  }
0x329: {  	v14 =	vor.u32 v5, v13;
	_ =	sdelay $0x2  }
0x32a: {  	s0 =	sadd.s32 $0x16600, s0  }
0x32b: {  	[tilespmem:s0+$0x10] =	vst v12  }
0x32c: {  	v12 =	vld.idx.msk [tilespmem:v14+s22+$0x0], $0xffff  }
0x32d: {  	v13 =	vor.u32 v6, v13;
	_ =	sdelay $0x3  }
0x32e: {  	[tilespmem:s0+$0x20] =	vst v12  }
0x32f: {  	s1 =	simm.s32 $0x0;
	v12 =	vld.idx.msk [tilespmem:v13+s22+$0x0], $0xffff  }
0x330: {  	v13 =	vmov s1  }
0x331: {  	v13 =	vand.u32 $0x7F, v13  }
0x332: {  	v14 =	vbroadcast v13, $0x0;
	_ =	sdelay $0x1  }
0x333: {  	[tilespmem:s0+$0x30] =	vst v12;
	v12 =	vor.u32 v2, v14  }
0x334: {  	[tilespmem:s22], [sflag:$0x3] =	stream.indirect.gather [spmem:s14], $0x80, s26, s20, $0xb8;
	[tilespmem:$0x1F840] =	vst v63  }
0x335: {  	_ =	swait.ge [sflag:s23], $0x2000  }
0x336: {  	[sflag:s23] =	ssyncset.done $0x0  }
0x337: {  	[sflag:s23] =	ssyncadd.s32 $0xFFFFE000  }
0x338: {  	v12 =	vld.idx.msk [tilespmem:v12+s22+$0x0], $0xffff  }
0x339: {  	v13 =	vor.u32 v4, v14  }
0x33a: {  	s28 =	sand.u32 $0x800, s1;
	s2 =	sand.u32 $0x380, s1  }
0x33b: {  	s0 =	sor.u32 s2, s28  }
0x33c: {  	s0 =	sadd.s32 $0x16200, s0  }
0x33d: {  	[tilespmem:s0+$0x440] =	vst v12  }
0x33e: {  	v12 =	vld.idx.msk [tilespmem:v13+s22+$0x0], $0xffff  }
0x33f: {  	v13 =	vor.u32 v5, v14;
	_ =	sdelay $0x3  }
0x340: {  	[tilespmem:s0+$0x450] =	vst v12  }
0x341: {  	v13 =	vld.idx.msk [tilespmem:v13+s22+$0x0], $0xffff  }
0x342: {  	v12 =	vor.u32 v6, v14;
	_ =	sdelay $0x1  }
0x343: {  	s29 =	simm.s32 $0x1  }
0x344: {  	s4 =	simm.s32 $0x0;
	s5 =	simm.s32 $0x2;
	v14 =	vmov s29  }
.LBB2_39:
0x345: {  	p0 =	sne.s32 s5, $0xF;
	v14 =	vand.u32 $0x7F, v14;
	[tilespmem:s0+$0x460] =	vst v13  }
0x346: {  	v14 =	vbroadcast v14, $0x0;
	v12 =	vld.idx.msk [tilespmem:v12+s22+$0x0], $0xffff;
	_ =	sdelay $0x1  }
0x347: {  	v13 =	vor.u32 v2, v14;
	_ =	sdelay $0x3  }
0x348: {  	[tilespmem:s0+$0x470] =	vst v12  }
0x349: {  	v12 =	vld.idx.msk [tilespmem:v13+s22+$0x0], $0xffff;
	_ =	sdelay $0x1  }
0x34a: {  	s1 =	sadd.s32 $0x80, s1;
	s4 =	sadd.s32 $0x100, s4;
	v13 =	vor.u32 v4, v14  }
0x34b: {  	s2 =	sand.u32 $0x380, s1;
	s0 =	sand.u32 $0x800, s4  }
0x34c: {  	s0 =	sor.u32 s2, s0  }
0x34d: {  	s0 =	sadd.s32 $0x16200, s0  }
0x34e: {  	[tilespmem:s0+$0x440] =	vst v12  }
0x34f: {  	v12 =	vld.idx.msk [tilespmem:v13+s22+$0x0], $0xffff;
	_ =	sdelay $0x1  }
0x350: {  	v13 =	vor.u32 v5, v14;
	_ =	sdelay $0x3  }
0x351: {  	[tilespmem:s0+$0x450] =	vst v12  }
0x352: {  	v13 =	vld.idx.msk [tilespmem:v13+s22+$0x0], $0xffff  }
.Ltmp26:
0x353: {  	(pc) =	sbr.rel @p0 .LBB2_39-.Ltmp26, $2  }
0x354: {  	v12 =	vor.u32 v6, v14;
	_ =	sdelay $0x2  }
0x355: {  	v14 =	vmov s5;
	s5 =	sadd.s32 $0x1, s5  }
0x356: {  	_ =	sdelay $0x1  }
0x357: {  	v14 =	vand.u32 $0x7F, v14  }
0x358: {  	[tilespmem:s0+$0x460] =	vst v13;
	v61 =	vbroadcast v14, $0x0  }
0x359: {  	v12 =	vld.idx.msk [tilespmem:v12+s22+$0x0], $0xffff  }
0x35a: {  	v14 =	vor.u32 v2, v61;
	_ =	sdelay $0x3  }
0x35b: {  	[tilespmem:s0+$0x470] =	vst v12  }
0x35c: {  	v12 =	vld.idx.msk [tilespmem:v14+s22+$0x0], $0xffff  }
0x35d: {  	s10 =	sadd.s32 $0x80, s1;
	s11 =	sadd.s32 $0x100, s4;
	v62 =	vor.u32 v4, v61  }
0x35e: {  	s1 =	sand.u32 $0x800, s11;
	s0 =	sand.u32 $0x380, s10  }
0x35f: {  	s0 =	sor.u32 s0, s1  }
0x360: {  	s0 =	sadd.s32 $0x16200, s0  }
0x361: {  	[tilespmem:s0+$0x440] =	vst v12  }
0x362: {  	v12 =	vld.idx.msk [tilespmem:v62+s22+$0x0], $0xffff  }
0x363: {  	v63 =	vor.u32 v5, v61;
	_ =	sdelay $0x3  }
0x364: {  	[tilespmem:s0+$0x450] =	vst v12  }
0x365: {  	v12 =	vld.idx.msk [tilespmem:v63+s22+$0x0], $0xffff  }
0x366: {  	v13 =	vor.u32 v6, v61;
	_ =	sdelay $0x3  }
0x367: {  	[tilespmem:s0+$0x460] =	vst v12  }
0x368: {  	v12 =	vld.idx.msk [tilespmem:v13+s22+$0x0], $0xffff;
	_ =	sdelay $0x1  }
0x369: {  	s12 =	sshll.u32 s13, $0xB  }
0x36a: {  	s1 =	sand.u32 $0x2000, s12  }
0x36b: {  	s2 =	sshll.u32 s16, $0xE;
	s1 =	sadd.s32 s1, s18  }
0x36c: {  	s28 =	simm.s32 $0x16200;
	s29 =	simm.s32 $0x5;
	s16 =	sadd.s32 s2, s1;
	[tilespmem:s0+$0x470] =	vst v12  }
0x36d: {  	[hbm4b:s16+s30] =	stream.strided.scatter [tilespmem:s28], [sflag:$0x5], $0x1000, s31, s30, $0x38;
	[tilespmem:$0x1F840] =	vst v63  }
.Ltmp27:
0x36e: {  	_ =	swait.ge [sflag:s29], $0x1000;
	(pc) =	sbr.rel .LBB2_41-.Ltmp27, $4  }
0x36f: {  	[sflag:s29] =	ssyncset.done $0x0  }
0x370: {  	[sflag:s29] =	ssyncadd.s32 $0xFFFFF000  }
0x371: {  	[bflag:$0x0] =	sbarrier.arrive $0xFFFF  }
0x372: {  	s3 =	simm.s32 $0x4  }
.LBB2_15:
.Ltmp28:
0x373: {  	(pc) =	sbr.rel .LBB2_19-.Ltmp28, $2  }
0x374: {  	_ =	sdelay $0x2  }
0x375: {  	s11 =	simm.s32 $0x0  }
.LBB2_17:
.Ltmp29:
0x376: {  	(pc) =	sbr.rel .LBB2_19-.Ltmp29, $2  }
0x377: {  	_ =	sdelay $0x2  }
0x378: {  	s11 =	simm.s32 $0x0  }
.LBB2_43:
0x379: {  	_ =	sfence.sel $0x180000  }
0x37a: {  	[bflag:$0x0] =	sbarrier.arrive $0xFFFF  }
0x37b: {  	_ =	strace $0x90000047  }
0x37c: {  	[bflag:$0x2] =	sbarrier.arrive $0xFFFF  }
0x37d: {  	p0 =	sne.s32 s15, $0x0;
	s0 =	rddreg [dreg:$0x4]  }
0x37e: {  	s0 =	sadd.s32 @!p0 $0x100000, s0  }
0x37f: {  	[sflag:s0] =	ssyncadd.tile.s32 @!p0 $0x1;
	_ =	shalt  }
.Lfunc_end2:
_tile_overlayer_lowered:
.L_overlay_start_2:
0x380: {  	(tag) =	ssettag $0x2  }
0x381: {  	s0 =	rddreg [dreg:$0x0];
	s2 =	stileid.u32  }
0x382: {  	s1 =	rddreg [dreg:$0x1];
	p0 =	sne.s32 s2, $0x0  }
0x383: {  	s3 =	rddreg [dreg:$0x2];
	[bflag:$0x3] =	sbarrier.arrive $0xFFFF;
	s2 =	simm.s32 @!p0 $0x1C05  }
0x384: {  	[timem:s3], [sflag:s2] =	dma.local @!p0 [hbm:s0], s1  }
0x385: {  	s0 =	simm.s32 @!p0 $0x5  }
0x386: {  	_ =	swait.ge @!p0 [sflag:s0], s1  }
0x387: {  	s1 =	ssub.s32 @!p0 $0x0, s1;
	[sflag:s0] =	ssyncset.done @!p0 $0x0  }
0x388: {  	[sflag:s0] =	ssyncadd.s32 @!p0 s1  }
0x389: {  	[bflag:$0x3] =	sbarrier.arrive $0xFFFF  }
0x38a: {  	_ =	shalt  }

</sc_bundles>
